<compile_context>
chip_gen: v7x
topology: tpu7x:2x2x1
jax: 0.10.2.dev20260603
libtpu: 0.0.44.dev20260713+nightly
codegen_flags: <defaults>
</compile_context>

<pallas_src>
import jax
import jax.numpy as jnp
from jax import lax
from jax.experimental import pallas as pl
from jax.experimental.pallas import tpu as pltpu
from jax.experimental.pallas import tpu_sc as plsc

_NC = 2
_NS = 16
_NW = _NC * _NS

_B, _L, _D = 16384, 200, 64
_ROWS = _B * _L
_LANES = 16
_NG = _D // _LANES
_ICHUNK = 1024
_WCH = 256
_NWCH = _ICHUNK // _WCH
_ROWS_PER_W = _ROWS // _NW
_NOUTER = _ROWS_PER_W // _ICHUNK


def _sc_body(idx_hbm, table_hbm, out_hbm, idx_a, idx_b, tab_v, rows_a, rows_b,
             sem_a, sem_b, isem_a, isem_b):
    w = lax.axis_index("s") * _NC + lax.axis_index("c")
    row_base = w * _ROWS_PER_W
    _IR = _ICHUNK // 128

    pltpu.sync_copy(table_hbm, tab_v)
    t0 = [tab_v[0, pl.ds(g * _LANES, _LANES)] for g in range(_NG)]
    t1 = [tab_v[1, pl.ds(g * _LANES, _LANES)] for g in range(_NG)]
    bufs = [(rows_a, sem_a), (rows_b, sem_b)]
    ibufs = [(idx_a, isem_a), (idx_b, isem_b)]

    def _idx_src(o):
        r0 = pl.multiple_of((row_base + (o % _NOUTER) * _ICHUNK) // 128, _IR)
        return idx_hbm.at[pl.ds(r0, _IR)]

    pltpu.async_copy(_idx_src(0), idx_a, isem_a)

    def outer(m, carry):
        for h in range(2):
            o = 2 * m + h
            row0 = pl.multiple_of(row_base + o * _ICHUNK, _ICHUNK)
            idx_v, isem = ibufs[h]
            idx_n, isem_n = ibufs[1 - h]
            pltpu.make_async_copy(_idx_src(o), idx_v, isem).wait()
            pltpu.async_copy(_idx_src(o + 1), idx_n, isem_n)

            for b in range(_NWCH):
                rows_v, sem = bufs[b % 2]
                dst = out_hbm.at[pl.ds(row0 + b * _WCH, _WCH)]

                if h > 0 or b >= 2:
                    pltpu.make_async_copy(rows_v, dst, sem).wait()
                else:
                    @pl.when(o > 0)
                    def _():
                        pltpu.make_async_copy(rows_v, dst, sem).wait()

                def fill(r, carry_in):
                    rr = b * _WCH + r
                    rsplat = lax.broadcast(rr // 128, (_LANES,))
                    csplat = lax.broadcast(rr % 128, (_LANES,))
                    iv = plsc.load_gather(idx_v, [rsplat, csplat])
                    mask = iv != 0
                    for g in range(_NG):
                        rows_v[r, pl.ds(g * _LANES, _LANES)] = jnp.where(
                            mask, t1[g], t0[g])
                    return carry_in

                lax.fori_loop(0, _WCH, fill, 0, unroll=4)
                pltpu.async_copy(rows_v, dst, sem)
        return carry

    lax.fori_loop(0, _NOUTER // 2, outer, 0)
    for rows_v, sem in bufs:
        pltpu.make_async_copy(
            rows_v, out_hbm.at[pl.ds(0, _WCH)], sem).wait()
    pltpu.make_async_copy(_idx_src(0), idx_a, isem_a).wait()


@jax.jit
def _sc_lookup(idx2d, table):
    mesh = plsc.VectorSubcoreMesh(
        core_axis_name="c", subcore_axis_name="s", num_cores=_NC,
        num_subcores=_NS,
    )
    fn = pl.kernel(
        _sc_body,
        out_type=jax.ShapeDtypeStruct((_ROWS, _D), jnp.float32),
        mesh=mesh,
        scratch_types=[
            pltpu.VMEM((_ICHUNK // 128, 128), jnp.int32),
            pltpu.VMEM((_ICHUNK // 128, 128), jnp.int32),
            pltpu.VMEM((2, _D), jnp.float32),
            pltpu.VMEM((_WCH, _D), jnp.float32),
            pltpu.VMEM((_WCH, _D), jnp.float32),
            pltpu.SemaphoreType.DMA,
            pltpu.SemaphoreType.DMA,
            pltpu.SemaphoreType.DMA,
            pltpu.SemaphoreType.DMA,
        ],
        compiler_params=pltpu.CompilerParams(needs_layout_passes=False),
        name="sc_embed_lookup",
    )
    return fn(idx2d, table)


def kernel(lang, embedding_table):
    idx2d = lang.astype(jnp.int32).reshape(_ROWS // 128, 128)
    out = _sc_lookup(idx2d, embedding_table)
    return out.reshape(_B, _L, _D)

# --- scband reference (transcript-rebuilt; emitter-appended) ---
"""Pipeline reference for scband-lang-encoder-81071802679491 (READ-ONLY COPY).

The authoritative reference and input builder live on the scoring server;
editing this copy changes nothing except your own understanding.
"""

import jax, jax.numpy as jnp
import numpy as np


def setup_inputs(seed: int = 0) -> dict:
    key = jax.random.key(seed)
    k_idx, k_tab = jax.random.split(key)
    lang = jax.random.randint(k_idx, (16384, 200), 0, 2, dtype=jnp.int64 if jax.config.jax_enable_x64 else jnp.int32)
    embedding_table = jax.random.normal(k_tab, (2, 64), dtype=jnp.float32)
    return {"lang": lang, "embedding_table": embedding_table}


def reference(lang, embedding_table):
    # nn.Embedding lookup: table[lang] -> [B, L, 64]
    lang_embedding = jnp.take(embedding_table, lang, axis=0)
    return lang_embedding

if __name__ == "__main__":
    import jax
    _d = setup_inputs()
    print(jax.jit(kernel)(*tuple(_d.values())))

</pallas_src>

<mosaic_0001>
#map = affine_map<(d0, d1) -> (0, 0)>
module attributes {stable_mosaic.version = 14 : i64} {
  func.func @sc_embed_lookup(%arg0: i32, %arg1: i32, %arg2: memref<25600x128xi32, #tpu.memory_space<hbm>>, %arg3: memref<2x64xf32, #tpu.memory_space<hbm>>, %arg4: memref<3276800x64xf32, #tpu.memory_space<hbm>>, %arg5: memref<8x128xi32, #tpu.memory_space<vmem>>, %arg6: memref<8x128xi32, #tpu.memory_space<vmem>>, %arg7: memref<2x64xf32, #tpu.memory_space<vmem>>, %arg8: memref<256x64xf32, #tpu.memory_space<vmem>>, %arg9: memref<256x64xf32, #tpu.memory_space<vmem>>, %arg10: memref<!tpu.dma_semaphore, #tpu.memory_space<semaphore_mem>>, %arg11: memref<!tpu.dma_semaphore, #tpu.memory_space<semaphore_mem>>, %arg12: memref<!tpu.dma_semaphore, #tpu.memory_space<semaphore_mem>>, %arg13: memref<!tpu.dma_semaphore, #tpu.memory_space<semaphore_mem>>) attributes {dimension_semantics = [#tpu.dimension_semantics<core_parallel>, #tpu.dimension_semantics<subcore_parallel>], iteration_bounds = array<i64: 2, 16>, scalar_prefetch = 0 : i64, scratch_operands = 9 : i64, tpu.core_type = #tpu.core_type<sc_vector_subcore>, window_params = [{transform_indices = #map}, {transform_indices = #map}, {transform_indices = #map}]} {
    %mul3A = arith.constant 2 : i32
    %mul3A_0 = arith.muli %arg1, %mul3A : i32
    %add3A = arith.addi %mul3A_0, %arg0 : i32
    %mul3A_1 = arith.constant 102400 : i32
    %mul3A_2 = arith.muli %add3A, %mul3A_1 : i32
    "tpu.region"() ({
      %run_scoped3A = tpu.sem_alloc : memref<!tpu.dma_semaphore, #tpu.memory_space<semaphore_mem>>
      tpu.enqueue_dma source(%arg3 : memref<2x64xf32, #tpu.memory_space<hbm>>) target(%arg7 : memref<2x64xf32, #tpu.memory_space<vmem>>) target_semaphore(%run_scoped3A : memref<!tpu.dma_semaphore, #tpu.memory_space<semaphore_mem>>)
      tpu.wait_dma2 semaphore(%run_scoped3A : memref<!tpu.dma_semaphore, #tpu.memory_space<semaphore_mem>>) src(%arg3 : memref<2x64xf32, #tpu.memory_space<hbm>>) dst(%arg7 : memref<2x64xf32, #tpu.memory_space<vmem>>)
      tpu.yield
    }) : () -> ()
    %get3A = arith.constant 0 : i32
    %get3A_3 = arith.index_cast %get3A : i32 to index
    %get3A_4 = arith.constant 0 : index
    %get3A_5 = tpu.vector_load %arg7[%get3A_3, %get3A_4] {strides = array<i32>} : memref<2x64xf32, #tpu.memory_space<vmem>>, vector<16xf32>,
    %get3A_6 = arith.constant 0 : i32
    %get3A_7 = arith.index_cast %get3A_6 : i32 to index
    %get3A_8 = arith.constant 16 : index
    %get3A_9 = tpu.vector_load %arg7[%get3A_7, %get3A_8] {strides = array<i32>} : memref<2x64xf32, #tpu.memory_space<vmem>>, vector<16xf32>,
    %get3A_10 = arith.constant 0 : i32
    %get3A_11 = arith.index_cast %get3A_10 : i32 to index
    %get3A_12 = arith.constant 32 : index
    %get3A_13 = tpu.vector_load %arg7[%get3A_11, %get3A_12] {strides = array<i32>} : memref<2x64xf32, #tpu.memory_space<vmem>>, vector<16xf32>,
    %get3A_14 = arith.constant 0 : i32
    %get3A_15 = arith.index_cast %get3A_14 : i32 to index
    %get3A_16 = arith.constant 48 : index
    %get3A_17 = tpu.vector_load %arg7[%get3A_15, %get3A_16] {strides = array<i32>} : memref<2x64xf32, #tpu.memory_space<vmem>>, vector<16xf32>,
    %get3A_18 = arith.constant 1 : i32
    %get3A_19 = arith.index_cast %get3A_18 : i32 to index
    %get3A_20 = arith.constant 0 : index
    %get3A_21 = tpu.vector_load %arg7[%get3A_19, %get3A_20] {strides = array<i32>} : memref<2x64xf32, #tpu.memory_space<vmem>>, vector<16xf32>,
    %get3A_22 = arith.constant 1 : i32
    %get3A_23 = arith.index_cast %get3A_22 : i32 to index
    %get3A_24 = arith.constant 16 : index
    %get3A_25 = tpu.vector_load %arg7[%get3A_23, %get3A_24] {strides = array<i32>} : memref<2x64xf32, #tpu.memory_space<vmem>>, vector<16xf32>,
    %get3A_26 = arith.constant 1 : i32
    %get3A_27 = arith.index_cast %get3A_26 : i32 to index
    %get3A_28 = arith.constant 32 : index
    %get3A_29 = tpu.vector_load %arg7[%get3A_27, %get3A_28] {strides = array<i32>} : memref<2x64xf32, #tpu.memory_space<vmem>>, vector<16xf32>,
    %get3A_30 = arith.constant 1 : i32
    %get3A_31 = arith.index_cast %get3A_30 : i32 to index
    %get3A_32 = arith.constant 48 : index
    %get3A_33 = tpu.vector_load %arg7[%get3A_31, %get3A_32] {strides = array<i32>} : memref<2x64xf32, #tpu.memory_space<vmem>>, vector<16xf32>,
    %add3A_34 = arith.constant 0 : i32
    %add3A_35 = arith.addi %mul3A_2, %add3A_34 : i32
    %jit3A = arith.constant 128 : i32
    %div3A = arith.divsi %add3A_35, %jit3A : i32
    %sign3A = arith.constant 0 : i32
    %sign3A_36 = arith.cmpi sgt, %add3A_35, %sign3A : i32
    %sign3A_37 = arith.extui %sign3A_36 : i1 to i32
    %sign3A_38 = arith.constant 0 : i32
    %sign3A_39 = arith.cmpi slt, %add3A_35, %sign3A_38 : i32
    %sign3A_40 = arith.extui %sign3A_39 : i1 to i32
    %sign3A_41 = arith.subi %sign3A_37, %sign3A_40 : i32
    %sign3A_42 = arith.constant 0 : i32
    %sign3A_43 = arith.cmpi sgt, %jit3A, %sign3A_42 : i32
    %sign3A_44 = arith.extui %sign3A_43 : i1 to i32
    %sign3A_45 = arith.constant 0 : i32
    %sign3A_46 = arith.cmpi slt, %jit3A, %sign3A_45 : i32
    %sign3A_47 = arith.extui %sign3A_46 : i1 to i32
    %sign3A_48 = arith.subi %sign3A_44, %sign3A_47 : i32
    %ne3A = arith.cmpi ne, %sign3A_41, %sign3A_48 : i32
    %rem3A = arith.remsi %add3A_35, %jit3A : i32
    %ne3A_49 = arith.constant 0 : i32
    %ne3A_50 = arith.cmpi ne, %rem3A, %ne3A_49 : i32
    %and3A = arith.andi %ne3A, %ne3A_50 : i1
    %sub3A = arith.constant 1 : i32
    %sub3A_51 = arith.subi %div3A, %sub3A : i32
    %select_n3A = arith.select %and3A, %sub3A_51, %div3A : i32
    %multiple_of3A = tpu.assume_multiple %select_n3A, 8 : i32
    %dma_start3A = arith.constant 0 : i32
    %dma_start3A_52 = tpu.memref_slice %arg2[%multiple_of3A, %dma_start3A] : memref<25600x128xi32, #tpu.memory_space<hbm>> -> memref<8x128xi32, #tpu.memory_space<hbm>>
    %dma_start3A_53 = arith.constant 0 : i32
    %dma_start3A_54 = tpu.memref_slice %arg2[%multiple_of3A, %dma_start3A_53] : memref<25600x128xi32, #tpu.memory_space<hbm>> -> memref<8x128xi32, #tpu.memory_space<hbm>>
    tpu.enqueue_dma source(%dma_start3A_54 : memref<8x128xi32, #tpu.memory_space<hbm>>) target(%arg5 : memref<8x128xi32, #tpu.memory_space<vmem>>) target_semaphore(%arg12 : memref<!tpu.dma_semaphore, #tpu.memory_space<semaphore_mem>>)
    %scan3A = arith.constant 0 : i32
    %scan3A_55 = arith.constant 0 : i32
    %scan3A_56 = arith.constant 50 : i32
    %scan3A_57 = arith.addi %scan3A_55, %scan3A_56 : i32
    %scan3A_58 = arith.constant 1 : i32
    scf.for %scan3A_102 = %scan3A_55 to %scan3A_57 step %scan3A_58  : i32 {
      %mul3A_103 = arith.constant 2 : i32
      %mul3A_104 = arith.muli %mul3A_103, %scan3A_102 : i32
      %add3A_105 = arith.constant 0 : i32
      %add3A_106 = arith.addi %mul3A_104, %add3A_105 : i32
      %mul3A_107 = arith.constant 1024 : i32
      %mul3A_108 = arith.muli %add3A_106, %mul3A_107 : i32
      %add3A_109 = arith.addi %mul3A_2, %mul3A_108 : i32
      %multiple_of3A_110 = tpu.assume_multiple %add3A_109, 1024 : i32
      %jit3A_111 = arith.constant 100 : i32
      %eq3A = arith.constant 0 : i32
      %eq3A_112 = arith.cmpi eq, %jit3A_111, %eq3A : i32
      %jit3A_113 = arith.constant 1 : i32
      %select_n3A_114 = arith.select %eq3A_112, %jit3A_113, %jit3A_111 : i32
      %rem3A_115 = arith.remsi %add3A_106, %select_n3A_114 : i32
      %ne3A_116 = arith.constant 0 : i32
      %ne3A_117 = arith.cmpi ne, %rem3A_115, %ne3A_116 : i32
      %lt3A = arith.constant 0 : i32
      %lt3A_118 = arith.cmpi slt, %rem3A_115, %lt3A : i32
      %lt3A_119 = arith.constant 0 : i32
      %lt3A_120 = arith.cmpi slt, %select_n3A_114, %lt3A_119 : i32
      %ne3A_121 = arith.xori %lt3A_118, %lt3A_120 : i1
      %and3A_122 = arith.andi %ne3A_121, %ne3A_117 : i1
      %add3A_123 = arith.addi %rem3A_115, %select_n3A_114 : i32
      %select_n3A_124 = arith.select %and3A_122, %add3A_123, %rem3A_115 : i32
      %mul3A_125 = arith.constant 1024 : i32
      %mul3A_126 = arith.muli %select_n3A_124, %mul3A_125 : i32
      %add3A_127 = arith.addi %mul3A_2, %mul3A_126 : i32
      %jit3A_128 = arith.constant 128 : i32
      %div3A_129 = arith.divsi %add3A_127, %jit3A_128 : i32
      %sign3A_130 = arith.constant 0 : i32
      %sign3A_131 = arith.cmpi sgt, %add3A_127, %sign3A_130 : i32
      %sign3A_132 = arith.extui %sign3A_131 : i1 to i32
      %sign3A_133 = arith.constant 0 : i32
      %sign3A_134 = arith.cmpi slt, %add3A_127, %sign3A_133 : i32
      %sign3A_135 = arith.extui %sign3A_134 : i1 to i32
      %sign3A_136 = arith.subi %sign3A_132, %sign3A_135 : i32
      %sign3A_137 = arith.constant 0 : i32
      %sign3A_138 = arith.cmpi sgt, %jit3A_128, %sign3A_137 : i32
      %sign3A_139 = arith.extui %sign3A_138 : i1 to i32
      %sign3A_140 = arith.constant 0 : i32
      %sign3A_141 = arith.cmpi slt, %jit3A_128, %sign3A_140 : i32
      %sign3A_142 = arith.extui %sign3A_141 : i1 to i32
      %sign3A_143 = arith.subi %sign3A_139, %sign3A_142 : i32
      %ne3A_144 = arith.cmpi ne, %sign3A_136, %sign3A_143 : i32
      %rem3A_145 = arith.remsi %add3A_127, %jit3A_128 : i32
      %ne3A_146 = arith.constant 0 : i32
      %ne3A_147 = arith.cmpi ne, %rem3A_145, %ne3A_146 : i32
      %and3A_148 = arith.andi %ne3A_144, %ne3A_147 : i1
      %sub3A_149 = arith.constant 1 : i32
      %sub3A_150 = arith.subi %div3A_129, %sub3A_149 : i32
      %select_n3A_151 = arith.select %and3A_148, %sub3A_150, %div3A_129 : i32
      %multiple_of3A_152 = tpu.assume_multiple %select_n3A_151, 8 : i32
      %dma_wait3A_153 = arith.constant 0 : i32
      %dma_wait3A_154 = tpu.memref_slice %arg2[%multiple_of3A_152, %dma_wait3A_153] : memref<25600x128xi32, #tpu.memory_space<hbm>> -> memref<8x128xi32, #tpu.memory_space<hbm>>
      %dma_wait3A_155 = arith.constant 0 : i32
      %dma_wait3A_156 = tpu.memref_slice %arg2[%multiple_of3A_152, %dma_wait3A_155] : memref<25600x128xi32, #tpu.memory_space<hbm>> -> memref<8x128xi32, #tpu.memory_space<hbm>>
      tpu.wait_dma2 semaphore(%arg12 : memref<!tpu.dma_semaphore, #tpu.memory_space<semaphore_mem>>) src(%dma_wait3A_156 : memref<8x128xi32, #tpu.memory_space<hbm>>) dst(%arg5 : memref<8x128xi32, #tpu.memory_space<vmem>>)
      %add3A_157 = arith.constant 1 : i32
      %add3A_158 = arith.addi %add3A_106, %add3A_157 : i32
      %jit3A_159 = arith.constant 100 : i32
      %eq3A_160 = arith.constant 0 : i32
      %eq3A_161 = arith.cmpi eq, %jit3A_159, %eq3A_160 : i32
      %jit3A_162 = arith.constant 1 : i32
      %select_n3A_163 = arith.select %eq3A_161, %jit3A_162, %jit3A_159 : i32
      %rem3A_164 = arith.remsi %add3A_158, %select_n3A_163 : i32
      %ne3A_165 = arith.constant 0 : i32
      %ne3A_166 = arith.cmpi ne, %rem3A_164, %ne3A_165 : i32
      %lt3A_167 = arith.constant 0 : i32
      %lt3A_168 = arith.cmpi slt, %rem3A_164, %lt3A_167 : i32
      %lt3A_169 = arith.constant 0 : i32
      %lt3A_170 = arith.cmpi slt, %select_n3A_163, %lt3A_169 : i32
      %ne3A_171 = arith.xori %lt3A_168, %lt3A_170 : i1
      %and3A_172 = arith.andi %ne3A_171, %ne3A_166 : i1
      %add3A_173 = arith.addi %rem3A_164, %select_n3A_163 : i32
      %select_n3A_174 = arith.select %and3A_172, %add3A_173, %rem3A_164 : i32
      %mul3A_175 = arith.constant 1024 : i32
      %mul3A_176 = arith.muli %select_n3A_174, %mul3A_175 : i32
      %add3A_177 = arith.addi %mul3A_2, %mul3A_176 : i32
      %jit3A_178 = arith.constant 128 : i32
      %div3A_179 = arith.divsi %add3A_177, %jit3A_178 : i32
      %sign3A_180 = arith.constant 0 : i32
      %sign3A_181 = arith.cmpi sgt, %add3A_177, %sign3A_180 : i32
      %sign3A_182 = arith.extui %sign3A_181 : i1 to i32
      %sign3A_183 = arith.constant 0 : i32
      %sign3A_184 = arith.cmpi slt, %add3A_177, %sign3A_183 : i32
      %sign3A_185 = arith.extui %sign3A_184 : i1 to i32
      %sign3A_186 = arith.subi %sign3A_182, %sign3A_185 : i32
      %sign3A_187 = arith.constant 0 : i32
      %sign3A_188 = arith.cmpi sgt, %jit3A_178, %sign3A_187 : i32
      %sign3A_189 = arith.extui %sign3A_188 : i1 to i32
      %sign3A_190 = arith.constant 0 : i32
      %sign3A_191 = arith.cmpi slt, %jit3A_178, %sign3A_190 : i32
      %sign3A_192 = arith.extui %sign3A_191 : i1 to i32
      %sign3A_193 = arith.subi %sign3A_189, %sign3A_192 : i32
      %ne3A_194 = arith.cmpi ne, %sign3A_186, %sign3A_193 : i32
      %rem3A_195 = arith.remsi %add3A_177, %jit3A_178 : i32
      %ne3A_196 = arith.constant 0 : i32
      %ne3A_197 = arith.cmpi ne, %rem3A_195, %ne3A_196 : i32
      %and3A_198 = arith.andi %ne3A_194, %ne3A_197 : i1
      %sub3A_199 = arith.constant 1 : i32
      %sub3A_200 = arith.subi %div3A_179, %sub3A_199 : i32
      %select_n3A_201 = arith.select %and3A_198, %sub3A_200, %div3A_179 : i32
      %multiple_of3A_202 = tpu.assume_multiple %select_n3A_201, 8 : i32
      %dma_start3A_203 = arith.constant 0 : i32
      %dma_start3A_204 = tpu.memref_slice %arg2[%multiple_of3A_202, %dma_start3A_203] : memref<25600x128xi32, #tpu.memory_space<hbm>> -> memref<8x128xi32, #tpu.memory_space<hbm>>
      %dma_start3A_205 = arith.constant 0 : i32
      %dma_start3A_206 = tpu.memref_slice %arg2[%multiple_of3A_202, %dma_start3A_205] : memref<25600x128xi32, #tpu.memory_space<hbm>> -> memref<8x128xi32, #tpu.memory_space<hbm>>
      tpu.enqueue_dma source(%dma_start3A_206 : memref<8x128xi32, #tpu.memory_space<hbm>>) target(%arg6 : memref<8x128xi32, #tpu.memory_space<vmem>>) target_semaphore(%arg13 : memref<!tpu.dma_semaphore, #tpu.memory_space<semaphore_mem>>)
      %add3A_207 = arith.constant 0 : i32
      %add3A_208 = arith.addi %multiple_of3A_110, %add3A_207 : i32
      %gt3A = arith.constant 0 : i32
      %gt3A_209 = arith.cmpi sgt, %add3A_106, %gt3A : i32
      %convert_element_type3A = arith.extui %gt3A_209 : i1 to i32
      %cond3A = arith.constant 0 : i32
      %cond3A_210 = arith.cmpi ne, %convert_element_type3A, %cond3A : i32
      scf.if %cond3A_210 {
        %dma_wait3A_440 = arith.constant 0 : i32
        %dma_wait3A_441 = tpu.memref_slice %arg4[%add3A_208, %dma_wait3A_440] : memref<3276800x64xf32, #tpu.memory_space<hbm>> -> memref<256x64xf32, #tpu.memory_space<hbm>>
        %dma_wait3A_442 = arith.constant 0 : i32
        %dma_wait3A_443 = tpu.memref_slice %arg4[%add3A_208, %dma_wait3A_442] : memref<3276800x64xf32, #tpu.memory_space<hbm>> -> memref<256x64xf32, #tpu.memory_space<hbm>>
        tpu.wait_dma2 semaphore(%arg10 : memref<!tpu.dma_semaphore, #tpu.memory_space<semaphore_mem>>) src(%arg8 : memref<256x64xf32, #tpu.memory_space<vmem>>) dst(%dma_wait3A_443 : memref<256x64xf32, #tpu.memory_space<hbm>>)
      } else {
      }
      %scan3A_211 = arith.constant 0 : i32
      %scan3A_212 = arith.constant 0 : i32
      %scan3A_213 = arith.constant 256 : i32
      %scan3A_214 = arith.addi %scan3A_212, %scan3A_213 : i32
      %scan3A_215 = arith.constant 4 : i32
      scf.for %scan3A_440 = %scan3A_212 to %scan3A_214 step %scan3A_215  : i32 {
        %add3A_441 = arith.constant 0 : i32
        %add3A_442 = arith.addi %add3A_441, %scan3A_440 : i32
        %jit3A_443 = arith.constant 128 : i32
        %div3A_444 = arith.divsi %add3A_442, %jit3A_443 : i32
        %sign3A_445 = arith.constant 0 : i32
        %sign3A_446 = arith.cmpi sgt, %add3A_442, %sign3A_445 : i32
        %sign3A_447 = arith.extui %sign3A_446 : i1 to i32
        %sign3A_448 = arith.constant 0 : i32
        %sign3A_449 = arith.cmpi slt, %add3A_442, %sign3A_448 : i32
        %sign3A_450 = arith.extui %sign3A_449 : i1 to i32
        %sign3A_451 = arith.subi %sign3A_447, %sign3A_450 : i32
        %sign3A_452 = arith.constant 0 : i32
        %sign3A_453 = arith.cmpi sgt, %jit3A_443, %sign3A_452 : i32
        %sign3A_454 = arith.extui %sign3A_453 : i1 to i32
        %sign3A_455 = arith.constant 0 : i32
        %sign3A_456 = arith.cmpi slt, %jit3A_443, %sign3A_455 : i32
        %sign3A_457 = arith.extui %sign3A_456 : i1 to i32
        %sign3A_458 = arith.subi %sign3A_454, %sign3A_457 : i32
        %ne3A_459 = arith.cmpi ne, %sign3A_451, %sign3A_458 : i32
        %rem3A_460 = arith.remsi %add3A_442, %jit3A_443 : i32
        %ne3A_461 = arith.constant 0 : i32
        %ne3A_462 = arith.cmpi ne, %rem3A_460, %ne3A_461 : i32
        %and3A_463 = arith.andi %ne3A_459, %ne3A_462 : i1
        %sub3A_464 = arith.constant 1 : i32
        %sub3A_465 = arith.subi %div3A_444, %sub3A_464 : i32
        %select_n3A_466 = arith.select %and3A_463, %sub3A_465, %div3A_444 : i32
        %broadcast_in_dim3A = vector.broadcast %select_n3A_466 : i32 to vector<16xi32>
        %jit3A_467 = arith.constant 128 : i32
        %eq3A_468 = arith.constant 0 : i32
        %eq3A_469 = arith.cmpi eq, %jit3A_467, %eq3A_468 : i32
        %jit3A_470 = arith.constant 1 : i32
        %select_n3A_471 = arith.select %eq3A_469, %jit3A_470, %jit3A_467 : i32
        %rem3A_472 = arith.remsi %add3A_442, %select_n3A_471 : i32
        %ne3A_473 = arith.constant 0 : i32
        %ne3A_474 = arith.cmpi ne, %rem3A_472, %ne3A_473 : i32
        %lt3A_475 = arith.constant 0 : i32
        %lt3A_476 = arith.cmpi slt, %rem3A_472, %lt3A_475 : i32
        %lt3A_477 = arith.constant 0 : i32
        %lt3A_478 = arith.cmpi slt, %select_n3A_471, %lt3A_477 : i32
        %ne3A_479 = arith.xori %lt3A_476, %lt3A_478 : i1
        %and3A_480 = arith.andi %ne3A_479, %ne3A_474 : i1
        %add3A_481 = arith.addi %rem3A_472, %select_n3A_471 : i32
        %select_n3A_482 = arith.select %and3A_480, %add3A_481, %rem3A_472 : i32
        %broadcast_in_dim3A_483 = vector.broadcast %select_n3A_482 : i32 to vector<16xi32>
        %gather3A = tpu.vector_load_idx %arg5[%broadcast_in_dim3A, %broadcast_in_dim3A_483] : memref<8x128xi32, #tpu.memory_space<vmem>>[vector<16xi32>, vector<16xi32>], vector<16xi32>,
        %ne3A_484 = arith.constant 0 : i32
        %ne3A_485 = vector.broadcast %ne3A_484 : i32 to vector<16xi32>
        %ne3A_486 = arith.cmpi ne, %gather3A, %ne3A_485 : vector<16xi32>
        %select_n3A_487 = arith.select %ne3A_486, %get3A_21, %get3A_5 : vector<16xi1>, vector<16xf32>
        %swap3A = arith.index_cast %scan3A_440 : i32 to index
        %swap3A_488 = arith.constant 0 : index
        %swap3A_489 = tpu.vector_load %arg8[%swap3A, %swap3A_488] {strides = array<i32>} : memref<256x64xf32, #tpu.memory_space<vmem>>, vector<16xf32>,
        tpu.vector_store %arg8[%swap3A, %swap3A_488], %select_n3A_487 {strides = array<i32>} : memref<256x64xf32, #tpu.memory_space<vmem>>, vector<16xf32>,
        %select_n3A_490 = arith.select %ne3A_486, %get3A_25, %get3A_9 : vector<16xi1>, vector<16xf32>
        %swap3A_491 = arith.index_cast %scan3A_440 : i32 to index
        %swap3A_492 = arith.constant 16 : index
        %swap3A_493 = tpu.vector_load %arg8[%swap3A_491, %swap3A_492] {strides = array<i32>} : memref<256x64xf32, #tpu.memory_space<vmem>>, vector<16xf32>,
        tpu.vector_store %arg8[%swap3A_491, %swap3A_492], %select_n3A_490 {strides = array<i32>} : memref<256x64xf32, #tpu.memory_space<vmem>>, vector<16xf32>,
        %select_n3A_494 = arith.select %ne3A_486, %get3A_29, %get3A_13 : vector<16xi1>, vector<16xf32>
        %swap3A_495 = arith.index_cast %scan3A_440 : i32 to index
        %swap3A_496 = arith.constant 32 : index
        %swap3A_497 = tpu.vector_load %arg8[%swap3A_495, %swap3A_496] {strides = array<i32>} : memref<256x64xf32, #tpu.memory_space<vmem>>, vector<16xf32>,
        tpu.vector_store %arg8[%swap3A_495, %swap3A_496], %select_n3A_494 {strides = array<i32>} : memref<256x64xf32, #tpu.memory_space<vmem>>, vector<16xf32>,
        %select_n3A_498 = arith.select %ne3A_486, %get3A_33, %get3A_17 : vector<16xi1>, vector<16xf32>
        %swap3A_499 = arith.index_cast %scan3A_440 : i32 to index
        %swap3A_500 = arith.constant 48 : index
        %swap3A_501 = tpu.vector_load %arg8[%swap3A_499, %swap3A_500] {strides = array<i32>} : memref<256x64xf32, #tpu.memory_space<vmem>>, vector<16xf32>,
        tpu.vector_store %arg8[%swap3A_499, %swap3A_500], %select_n3A_498 {strides = array<i32>} : memref<256x64xf32, #tpu.memory_space<vmem>>, vector<16xf32>,
        %scan3A_502 = arith.constant 1 : i32
        %scan3A_503 = arith.addi %scan3A_440, %scan3A_502 : i32
        %add3A_504 = arith.constant 0 : i32
        %add3A_505 = arith.addi %add3A_504, %scan3A_503 : i32
        %jit3A_506 = arith.constant 128 : i32
        %div3A_507 = arith.divsi %add3A_505, %jit3A_506 : i32
        %sign3A_508 = arith.constant 0 : i32
        %sign3A_509 = arith.cmpi sgt, %add3A_505, %sign3A_508 : i32
        %sign3A_510 = arith.extui %sign3A_509 : i1 to i32
        %sign3A_511 = arith.constant 0 : i32
        %sign3A_512 = arith.cmpi slt, %add3A_505, %sign3A_511 : i32
        %sign3A_513 = arith.extui %sign3A_512 : i1 to i32
        %sign3A_514 = arith.subi %sign3A_510, %sign3A_513 : i32
        %sign3A_515 = arith.constant 0 : i32
        %sign3A_516 = arith.cmpi sgt, %jit3A_506, %sign3A_515 : i32
        %sign3A_517 = arith.extui %sign3A_516 : i1 to i32
        %sign3A_518 = arith.constant 0 : i32
        %sign3A_519 = arith.cmpi slt, %jit3A_506, %sign3A_518 : i32
        %sign3A_520 = arith.extui %sign3A_519 : i1 to i32
        %sign3A_521 = arith.subi %sign3A_517, %sign3A_520 : i32
        %ne3A_522 = arith.cmpi ne, %sign3A_514, %sign3A_521 : i32
        %rem3A_523 = arith.remsi %add3A_505, %jit3A_506 : i32
        %ne3A_524 = arith.constant 0 : i32
        %ne3A_525 = arith.cmpi ne, %rem3A_523, %ne3A_524 : i32
        %and3A_526 = arith.andi %ne3A_522, %ne3A_525 : i1
        %sub3A_527 = arith.constant 1 : i32
        %sub3A_528 = arith.subi %div3A_507, %sub3A_527 : i32
        %select_n3A_529 = arith.select %and3A_526, %sub3A_528, %div3A_507 : i32
        %broadcast_in_dim3A_530 = vector.broadcast %select_n3A_529 : i32 to vector<16xi32>
        %jit3A_531 = arith.constant 128 : i32
        %eq3A_532 = arith.constant 0 : i32
        %eq3A_533 = arith.cmpi eq, %jit3A_531, %eq3A_532 : i32
        %jit3A_534 = arith.constant 1 : i32
        %select_n3A_535 = arith.select %eq3A_533, %jit3A_534, %jit3A_531 : i32
        %rem3A_536 = arith.remsi %add3A_505, %select_n3A_535 : i32
        %ne3A_537 = arith.constant 0 : i32
        %ne3A_538 = arith.cmpi ne, %rem3A_536, %ne3A_537 : i32
        %lt3A_539 = arith.constant 0 : i32
        %lt3A_540 = arith.cmpi slt, %rem3A_536, %lt3A_539 : i32
        %lt3A_541 = arith.constant 0 : i32
        %lt3A_542 = arith.cmpi slt, %select_n3A_535, %lt3A_541 : i32
        %ne3A_543 = arith.xori %lt3A_540, %lt3A_542 : i1
        %and3A_544 = arith.andi %ne3A_543, %ne3A_538 : i1
        %add3A_545 = arith.addi %rem3A_536, %select_n3A_535 : i32
        %select_n3A_546 = arith.select %and3A_544, %add3A_545, %rem3A_536 : i32
        %broadcast_in_dim3A_547 = vector.broadcast %select_n3A_546 : i32 to vector<16xi32>
        %gather3A_548 = tpu.vector_load_idx %arg5[%broadcast_in_dim3A_530, %broadcast_in_dim3A_547] : memref<8x128xi32, #tpu.memory_space<vmem>>[vector<16xi32>, vector<16xi32>], vector<16xi32>,
        %ne3A_549 = arith.constant 0 : i32
        %ne3A_550 = vector.broadcast %ne3A_549 : i32 to vector<16xi32>
        %ne3A_551 = arith.cmpi ne, %gather3A_548, %ne3A_550 : vector<16xi32>
        %select_n3A_552 = arith.select %ne3A_551, %get3A_21, %get3A_5 : vector<16xi1>, vector<16xf32>
        %swap3A_553 = arith.index_cast %scan3A_503 : i32 to index
        %swap3A_554 = arith.constant 0 : index
        %swap3A_555 = tpu.vector_load %arg8[%swap3A_553, %swap3A_554] {strides = array<i32>} : memref<256x64xf32, #tpu.memory_space<vmem>>, vector<16xf32>,
        tpu.vector_store %arg8[%swap3A_553, %swap3A_554], %select_n3A_552 {strides = array<i32>} : memref<256x64xf32, #tpu.memory_space<vmem>>, vector<16xf32>,
        %select_n3A_556 = arith.select %ne3A_551, %get3A_25, %get3A_9 : vector<16xi1>, vector<16xf32>
        %swap3A_557 = arith.index_cast %scan3A_503 : i32 to index
        %swap3A_558 = arith.constant 16 : index
        %swap3A_559 = tpu.vector_load %arg8[%swap3A_557, %swap3A_558] {strides = array<i32>} : memref<256x64xf32, #tpu.memory_space<vmem>>, vector<16xf32>,
        tpu.vector_store %arg8[%swap3A_557, %swap3A_558], %select_n3A_556 {strides = array<i32>} : memref<256x64xf32, #tpu.memory_space<vmem>>, vector<16xf32>,
        %select_n3A_560 = arith.select %ne3A_551, %get3A_29, %get3A_13 : vector<16xi1>, vector<16xf32>
        %swap3A_561 = arith.index_cast %scan3A_503 : i32 to index
        %swap3A_562 = arith.constant 32 : index
        %swap3A_563 = tpu.vector_load %arg8[%swap3A_561, %swap3A_562] {strides = array<i32>} : memref<256x64xf32, #tpu.memory_space<vmem>>, vector<16xf32>,
        tpu.vector_store %arg8[%swap3A_561, %swap3A_562], %select_n3A_560 {strides = array<i32>} : memref<256x64xf32, #tpu.memory_space<vmem>>, vector<16xf32>,
        %select_n3A_564 = arith.select %ne3A_551, %get3A_33, %get3A_17 : vector<16xi1>, vector<16xf32>
        %swap3A_565 = arith.index_cast %scan3A_503 : i32 to index
        %swap3A_566 = arith.constant 48 : index
        %swap3A_567 = tpu.vector_load %arg8[%swap3A_565, %swap3A_566] {strides = array<i32>} : memref<256x64xf32, #tpu.memory_space<vmem>>, vector<16xf32>,
        tpu.vector_store %arg8[%swap3A_565, %swap3A_566], %select_n3A_564 {strides = array<i32>} : memref<256x64xf32, #tpu.memory_space<vmem>>, vector<16xf32>,
        %scan3A_568 = arith.constant 2 : i32
        %scan3A_569 = arith.addi %scan3A_440, %scan3A_568 : i32
        %add3A_570 = arith.constant 0 : i32
        %add3A_571 = arith.addi %add3A_570, %scan3A_569 : i32
        %jit3A_572 = arith.constant 128 : i32
        %div3A_573 = arith.divsi %add3A_571, %jit3A_572 : i32
        %sign3A_574 = arith.constant 0 : i32
        %sign3A_575 = arith.cmpi sgt, %add3A_571, %sign3A_574 : i32
        %sign3A_576 = arith.extui %sign3A_575 : i1 to i32
        %sign3A_577 = arith.constant 0 : i32
        %sign3A_578 = arith.cmpi slt, %add3A_571, %sign3A_577 : i32
        %sign3A_579 = arith.extui %sign3A_578 : i1 to i32
        %sign3A_580 = arith.subi %sign3A_576, %sign3A_579 : i32
        %sign3A_581 = arith.constant 0 : i32
        %sign3A_582 = arith.cmpi sgt, %jit3A_572, %sign3A_581 : i32
        %sign3A_583 = arith.extui %sign3A_582 : i1 to i32
        %sign3A_584 = arith.constant 0 : i32
        %sign3A_585 = arith.cmpi slt, %jit3A_572, %sign3A_584 : i32
        %sign3A_586 = arith.extui %sign3A_585 : i1 to i32
        %sign3A_587 = arith.subi %sign3A_583, %sign3A_586 : i32
        %ne3A_588 = arith.cmpi ne, %sign3A_580, %sign3A_587 : i32
        %rem3A_589 = arith.remsi %add3A_571, %jit3A_572 : i32
        %ne3A_590 = arith.constant 0 : i32
        %ne3A_591 = arith.cmpi ne, %rem3A_589, %ne3A_590 : i32
        %and3A_592 = arith.andi %ne3A_588, %ne3A_591 : i1
        %sub3A_593 = arith.constant 1 : i32
        %sub3A_594 = arith.subi %div3A_573, %sub3A_593 : i32
        %select_n3A_595 = arith.select %and3A_592, %sub3A_594, %div3A_573 : i32
        %broadcast_in_dim3A_596 = vector.broadcast %select_n3A_595 : i32 to vector<16xi32>
        %jit3A_597 = arith.constant 128 : i32
        %eq3A_598 = arith.constant 0 : i32
        %eq3A_599 = arith.cmpi eq, %jit3A_597, %eq3A_598 : i32
        %jit3A_600 = arith.constant 1 : i32
        %select_n3A_601 = arith.select %eq3A_599, %jit3A_600, %jit3A_597 : i32
        %rem3A_602 = arith.remsi %add3A_571, %select_n3A_601 : i32
        %ne3A_603 = arith.constant 0 : i32
        %ne3A_604 = arith.cmpi ne, %rem3A_602, %ne3A_603 : i32
        %lt3A_605 = arith.constant 0 : i32
        %lt3A_606 = arith.cmpi slt, %rem3A_602, %lt3A_605 : i32
        %lt3A_607 = arith.constant 0 : i32
        %lt3A_608 = arith.cmpi slt, %select_n3A_601, %lt3A_607 : i32
        %ne3A_609 = arith.xori %lt3A_606, %lt3A_608 : i1
        %and3A_610 = arith.andi %ne3A_609, %ne3A_604 : i1
        %add3A_611 = arith.addi %rem3A_602, %select_n3A_601 : i32
        %select_n3A_612 = arith.select %and3A_610, %add3A_611, %rem3A_602 : i32
        %broadcast_in_dim3A_613 = vector.broadcast %select_n3A_612 : i32 to vector<16xi32>
        %gather3A_614 = tpu.vector_load_idx %arg5[%broadcast_in_dim3A_596, %broadcast_in_dim3A_613] : memref<8x128xi32, #tpu.memory_space<vmem>>[vector<16xi32>, vector<16xi32>], vector<16xi32>,
        %ne3A_615 = arith.constant 0 : i32
        %ne3A_616 = vector.broadcast %ne3A_615 : i32 to vector<16xi32>
        %ne3A_617 = arith.cmpi ne, %gather3A_614, %ne3A_616 : vector<16xi32>
        %select_n3A_618 = arith.select %ne3A_617, %get3A_21, %get3A_5 : vector<16xi1>, vector<16xf32>
        %swap3A_619 = arith.index_cast %scan3A_569 : i32 to index
        %swap3A_620 = arith.constant 0 : index
        %swap3A_621 = tpu.vector_load %arg8[%swap3A_619, %swap3A_620] {strides = array<i32>} : memref<256x64xf32, #tpu.memory_space<vmem>>, vector<16xf32>,
        tpu.vector_store %arg8[%swap3A_619, %swap3A_620], %select_n3A_618 {strides = array<i32>} : memref<256x64xf32, #tpu.memory_space<vmem>>, vector<16xf32>,
        %select_n3A_622 = arith.select %ne3A_617, %get3A_25, %get3A_9 : vector<16xi1>, vector<16xf32>
        %swap3A_623 = arith.index_cast %scan3A_569 : i32 to index
        %swap3A_624 = arith.constant 16 : index
        %swap3A_625 = tpu.vector_load %arg8[%swap3A_623, %swap3A_624] {strides = array<i32>} : memref<256x64xf32, #tpu.memory_space<vmem>>, vector<16xf32>,
        tpu.vector_store %arg8[%swap3A_623, %swap3A_624], %select_n3A_622 {strides = array<i32>} : memref<256x64xf32, #tpu.memory_space<vmem>>, vector<16xf32>,
        %select_n3A_626 = arith.select %ne3A_617, %get3A_29, %get3A_13 : vector<16xi1>, vector<16xf32>
        %swap3A_627 = arith.index_cast %scan3A_569 : i32 to index
        %swap3A_628 = arith.constant 32 : index
        %swap3A_629 = tpu.vector_load %arg8[%swap3A_627, %swap3A_628] {strides = array<i32>} : memref<256x64xf32, #tpu.memory_space<vmem>>, vector<16xf32>,
        tpu.vector_store %arg8[%swap3A_627, %swap3A_628], %select_n3A_626 {strides = array<i32>} : memref<256x64xf32, #tpu.memory_space<vmem>>, vector<16xf32>,
        %select_n3A_630 = arith.select %ne3A_617, %get3A_33, %get3A_17 : vector<16xi1>, vector<16xf32>
        %swap3A_631 = arith.index_cast %scan3A_569 : i32 to index
        %swap3A_632 = arith.constant 48 : index
        %swap3A_633 = tpu.vector_load %arg8[%swap3A_631, %swap3A_632] {strides = array<i32>} : memref<256x64xf32, #tpu.memory_space<vmem>>, vector<16xf32>,
        tpu.vector_store %arg8[%swap3A_631, %swap3A_632], %select_n3A_630 {strides = array<i32>} : memref<256x64xf32, #tpu.memory_space<vmem>>, vector<16xf32>,
        %scan3A_634 = arith.constant 3 : i32
        %scan3A_635 = arith.addi %scan3A_440, %scan3A_634 : i32
        %add3A_636 = arith.constant 0 : i32
        %add3A_637 = arith.addi %add3A_636, %scan3A_635 : i32
        %jit3A_638 = arith.constant 128 : i32
        %div3A_639 = arith.divsi %add3A_637, %jit3A_638 : i32
        %sign3A_640 = arith.constant 0 : i32
        %sign3A_641 = arith.cmpi sgt, %add3A_637, %sign3A_640 : i32
        %sign3A_642 = arith.extui %sign3A_641 : i1 to i32
        %sign3A_643 = arith.constant 0 : i32
        %sign3A_644 = arith.cmpi slt, %add3A_637, %sign3A_643 : i32
        %sign3A_645 = arith.extui %sign3A_644 : i1 to i32
        %sign3A_646 = arith.subi %sign3A_642, %sign3A_645 : i32
        %sign3A_647 = arith.constant 0 : i32
        %sign3A_648 = arith.cmpi sgt, %jit3A_638, %sign3A_647 : i32
        %sign3A_649 = arith.extui %sign3A_648 : i1 to i32
        %sign3A_650 = arith.constant 0 : i32
        %sign3A_651 = arith.cmpi slt, %jit3A_638, %sign3A_650 : i32
        %sign3A_652 = arith.extui %sign3A_651 : i1 to i32
        %sign3A_653 = arith.subi %sign3A_649, %sign3A_652 : i32
        %ne3A_654 = arith.cmpi ne, %sign3A_646, %sign3A_653 : i32
        %rem3A_655 = arith.remsi %add3A_637, %jit3A_638 : i32
        %ne3A_656 = arith.constant 0 : i32
        %ne3A_657 = arith.cmpi ne, %rem3A_655, %ne3A_656 : i32
        %and3A_658 = arith.andi %ne3A_654, %ne3A_657 : i1
        %sub3A_659 = arith.constant 1 : i32
        %sub3A_660 = arith.subi %div3A_639, %sub3A_659 : i32
        %select_n3A_661 = arith.select %and3A_658, %sub3A_660, %div3A_639 : i32
        %broadcast_in_dim3A_662 = vector.broadcast %select_n3A_661 : i32 to vector<16xi32>
        %jit3A_663 = arith.constant 128 : i32
        %eq3A_664 = arith.constant 0 : i32
        %eq3A_665 = arith.cmpi eq, %jit3A_663, %eq3A_664 : i32
        %jit3A_666 = arith.constant 1 : i32
        %select_n3A_667 = arith.select %eq3A_665, %jit3A_666, %jit3A_663 : i32
        %rem3A_668 = arith.remsi %add3A_637, %select_n3A_667 : i32
        %ne3A_669 = arith.constant 0 : i32
        %ne3A_670 = arith.cmpi ne, %rem3A_668, %ne3A_669 : i32
        %lt3A_671 = arith.constant 0 : i32
        %lt3A_672 = arith.cmpi slt, %rem3A_668, %lt3A_671 : i32
        %lt3A_673 = arith.constant 0 : i32
        %lt3A_674 = arith.cmpi slt, %select_n3A_667, %lt3A_673 : i32
        %ne3A_675 = arith.xori %lt3A_672, %lt3A_674 : i1
        %and3A_676 = arith.andi %ne3A_675, %ne3A_670 : i1
        %add3A_677 = arith.addi %rem3A_668, %select_n3A_667 : i32
        %select_n3A_678 = arith.select %and3A_676, %add3A_677, %rem3A_668 : i32
        %broadcast_in_dim3A_679 = vector.broadcast %select_n3A_678 : i32 to vector<16xi32>
        %gather3A_680 = tpu.vector_load_idx %arg5[%broadcast_in_dim3A_662, %broadcast_in_dim3A_679] : memref<8x128xi32, #tpu.memory_space<vmem>>[vector<16xi32>, vector<16xi32>], vector<16xi32>,
        %ne3A_681 = arith.constant 0 : i32
        %ne3A_682 = vector.broadcast %ne3A_681 : i32 to vector<16xi32>
        %ne3A_683 = arith.cmpi ne, %gather3A_680, %ne3A_682 : vector<16xi32>
        %select_n3A_684 = arith.select %ne3A_683, %get3A_21, %get3A_5 : vector<16xi1>, vector<16xf32>
        %swap3A_685 = arith.index_cast %scan3A_635 : i32 to index
        %swap3A_686 = arith.constant 0 : index
        %swap3A_687 = tpu.vector_load %arg8[%swap3A_685, %swap3A_686] {strides = array<i32>} : memref<256x64xf32, #tpu.memory_space<vmem>>, vector<16xf32>,
        tpu.vector_store %arg8[%swap3A_685, %swap3A_686], %select_n3A_684 {strides = array<i32>} : memref<256x64xf32, #tpu.memory_space<vmem>>, vector<16xf32>,
        %select_n3A_688 = arith.select %ne3A_683, %get3A_25, %get3A_9 : vector<16xi1>, vector<16xf32>
        %swap3A_689 = arith.index_cast %scan3A_635 : i32 to index
        %swap3A_690 = arith.constant 16 : index
        %swap3A_691 = tpu.vector_load %arg8[%swap3A_689, %swap3A_690] {strides = array<i32>} : memref<256x64xf32, #tpu.memory_space<vmem>>, vector<16xf32>,
        tpu.vector_store %arg8[%swap3A_689, %swap3A_690], %select_n3A_688 {strides = array<i32>} : memref<256x64xf32, #tpu.memory_space<vmem>>, vector<16xf32>,
        %select_n3A_692 = arith.select %ne3A_683, %get3A_29, %get3A_13 : vector<16xi1>, vector<16xf32>
        %swap3A_693 = arith.index_cast %scan3A_635 : i32 to index
        %swap3A_694 = arith.constant 32 : index
        %swap3A_695 = tpu.vector_load %arg8[%swap3A_693, %swap3A_694] {strides = array<i32>} : memref<256x64xf32, #tpu.memory_space<vmem>>, vector<16xf32>,
        tpu.vector_store %arg8[%swap3A_693, %swap3A_694], %select_n3A_692 {strides = array<i32>} : memref<256x64xf32, #tpu.memory_space<vmem>>, vector<16xf32>,
        %select_n3A_696 = arith.select %ne3A_683, %get3A_33, %get3A_17 : vector<16xi1>, vector<16xf32>
        %swap3A_697 = arith.index_cast %scan3A_635 : i32 to index
        %swap3A_698 = arith.constant 48 : index
        %swap3A_699 = tpu.vector_load %arg8[%swap3A_697, %swap3A_698] {strides = array<i32>} : memref<256x64xf32, #tpu.memory_space<vmem>>, vector<16xf32>,
        tpu.vector_store %arg8[%swap3A_697, %swap3A_698], %select_n3A_696 {strides = array<i32>} : memref<256x64xf32, #tpu.memory_space<vmem>>, vector<16xf32>,
      }
      %scan3A_216 = arith.constant 256 : i32
      %dma_start3A_217 = arith.constant 0 : i32
      %dma_start3A_218 = tpu.memref_slice %arg4[%add3A_208, %dma_start3A_217] : memref<3276800x64xf32, #tpu.memory_space<hbm>> -> memref<256x64xf32, #tpu.memory_space<hbm>>
      %dma_start3A_219 = arith.constant 0 : i32
      %dma_start3A_220 = tpu.memref_slice %arg4[%add3A_208, %dma_start3A_219] : memref<3276800x64xf32, #tpu.memory_space<hbm>> -> memref<256x64xf32, #tpu.memory_space<hbm>>
      tpu.enqueue_dma source(%arg8 : memref<256x64xf32, #tpu.memory_space<vmem>>) target(%dma_start3A_220 : memref<256x64xf32, #tpu.memory_space<hbm>>) target_semaphore(%arg10 : memref<!tpu.dma_semaphore, #tpu.memory_space<semaphore_mem>>)
      %add3A_221 = arith.constant 256 : i32
      %add3A_222 = arith.addi %multiple_of3A_110, %add3A_221 : i32
      %gt3A_223 = arith.constant 0 : i32
      %gt3A_224 = arith.cmpi sgt, %add3A_106, %gt3A_223 : i32
      %convert_element_type3A_225 = arith.extui %gt3A_224 : i1 to i32
      %cond3A_226 = arith.constant 0 : i32
      %cond3A_227 = arith.cmpi ne, %convert_element_type3A_225, %cond3A_226 : i32
      scf.if %cond3A_227 {
        %dma_wait3A_440 = arith.constant 0 : i32
        %dma_wait3A_441 = tpu.memref_slice %arg4[%add3A_222, %dma_wait3A_440] : memref<3276800x64xf32, #tpu.memory_space<hbm>> -> memref<256x64xf32, #tpu.memory_space<hbm>>
        %dma_wait3A_442 = arith.constant 0 : i32
        %dma_wait3A_443 = tpu.memref_slice %arg4[%add3A_222, %dma_wait3A_442] : memref<3276800x64xf32, #tpu.memory_space<hbm>> -> memref<256x64xf32, #tpu.memory_space<hbm>>
        tpu.wait_dma2 semaphore(%arg11 : memref<!tpu.dma_semaphore, #tpu.memory_space<semaphore_mem>>) src(%arg9 : memref<256x64xf32, #tpu.memory_space<vmem>>) dst(%dma_wait3A_443 : memref<256x64xf32, #tpu.memory_space<hbm>>)
      } else {
      }
      %scan3A_228 = arith.constant 0 : i32
      %scan3A_229 = arith.constant 0 : i32
      %scan3A_230 = arith.constant 256 : i32
      %scan3A_231 = arith.addi %scan3A_229, %scan3A_230 : i32
      %scan3A_232 = arith.constant 4 : i32
      scf.for %scan3A_440 = %scan3A_229 to %scan3A_231 step %scan3A_232  : i32 {
        %add3A_441 = arith.constant 256 : i32
        %add3A_442 = arith.addi %add3A_441, %scan3A_440 : i32
        %jit3A_443 = arith.constant 128 : i32
        %div3A_444 = arith.divsi %add3A_442, %jit3A_443 : i32
        %sign3A_445 = arith.constant 0 : i32
        %sign3A_446 = arith.cmpi sgt, %add3A_442, %sign3A_445 : i32
        %sign3A_447 = arith.extui %sign3A_446 : i1 to i32
        %sign3A_448 = arith.constant 0 : i32
        %sign3A_449 = arith.cmpi slt, %add3A_442, %sign3A_448 : i32
        %sign3A_450 = arith.extui %sign3A_449 : i1 to i32
        %sign3A_451 = arith.subi %sign3A_447, %sign3A_450 : i32
        %sign3A_452 = arith.constant 0 : i32
        %sign3A_453 = arith.cmpi sgt, %jit3A_443, %sign3A_452 : i32
        %sign3A_454 = arith.extui %sign3A_453 : i1 to i32
        %sign3A_455 = arith.constant 0 : i32
        %sign3A_456 = arith.cmpi slt, %jit3A_443, %sign3A_455 : i32
        %sign3A_457 = arith.extui %sign3A_456 : i1 to i32
        %sign3A_458 = arith.subi %sign3A_454, %sign3A_457 : i32
        %ne3A_459 = arith.cmpi ne, %sign3A_451, %sign3A_458 : i32
        %rem3A_460 = arith.remsi %add3A_442, %jit3A_443 : i32
        %ne3A_461 = arith.constant 0 : i32
        %ne3A_462 = arith.cmpi ne, %rem3A_460, %ne3A_461 : i32
        %and3A_463 = arith.andi %ne3A_459, %ne3A_462 : i1
        %sub3A_464 = arith.constant 1 : i32
        %sub3A_465 = arith.subi %div3A_444, %sub3A_464 : i32
        %select_n3A_466 = arith.select %and3A_463, %sub3A_465, %div3A_444 : i32
        %broadcast_in_dim3A = vector.broadcast %select_n3A_466 : i32 to vector<16xi32>
        %jit3A_467 = arith.constant 128 : i32
        %eq3A_468 = arith.constant 0 : i32
        %eq3A_469 = arith.cmpi eq, %jit3A_467, %eq3A_468 : i32
        %jit3A_470 = arith.constant 1 : i32
        %select_n3A_471 = arith.select %eq3A_469, %jit3A_470, %jit3A_467 : i32
        %rem3A_472 = arith.remsi %add3A_442, %select_n3A_471 : i32
        %ne3A_473 = arith.constant 0 : i32
        %ne3A_474 = arith.cmpi ne, %rem3A_472, %ne3A_473 : i32
        %lt3A_475 = arith.constant 0 : i32
        %lt3A_476 = arith.cmpi slt, %rem3A_472, %lt3A_475 : i32
        %lt3A_477 = arith.constant 0 : i32
        %lt3A_478 = arith.cmpi slt, %select_n3A_471, %lt3A_477 : i32
        %ne3A_479 = arith.xori %lt3A_476, %lt3A_478 : i1
        %and3A_480 = arith.andi %ne3A_479, %ne3A_474 : i1
        %add3A_481 = arith.addi %rem3A_472, %select_n3A_471 : i32
        %select_n3A_482 = arith.select %and3A_480, %add3A_481, %rem3A_472 : i32
        %broadcast_in_dim3A_483 = vector.broadcast %select_n3A_482 : i32 to vector<16xi32>
        %gather3A = tpu.vector_load_idx %arg5[%broadcast_in_dim3A, %broadcast_in_dim3A_483] : memref<8x128xi32, #tpu.memory_space<vmem>>[vector<16xi32>, vector<16xi32>], vector<16xi32>,
        %ne3A_484 = arith.constant 0 : i32
        %ne3A_485 = vector.broadcast %ne3A_484 : i32 to vector<16xi32>
        %ne3A_486 = arith.cmpi ne, %gather3A, %ne3A_485 : vector<16xi32>
        %select_n3A_487 = arith.select %ne3A_486, %get3A_21, %get3A_5 : vector<16xi1>, vector<16xf32>
        %swap3A = arith.index_cast %scan3A_440 : i32 to index
        %swap3A_488 = arith.constant 0 : index
        %swap3A_489 = tpu.vector_load %arg9[%swap3A, %swap3A_488] {strides = array<i32>} : memref<256x64xf32, #tpu.memory_space<vmem>>, vector<16xf32>,
        tpu.vector_store %arg9[%swap3A, %swap3A_488], %select_n3A_487 {strides = array<i32>} : memref<256x64xf32, #tpu.memory_space<vmem>>, vector<16xf32>,
        %select_n3A_490 = arith.select %ne3A_486, %get3A_25, %get3A_9 : vector<16xi1>, vector<16xf32>
        %swap3A_491 = arith.index_cast %scan3A_440 : i32 to index
        %swap3A_492 = arith.constant 16 : index
        %swap3A_493 = tpu.vector_load %arg9[%swap3A_491, %swap3A_492] {strides = array<i32>} : memref<256x64xf32, #tpu.memory_space<vmem>>, vector<16xf32>,
        tpu.vector_store %arg9[%swap3A_491, %swap3A_492], %select_n3A_490 {strides = array<i32>} : memref<256x64xf32, #tpu.memory_space<vmem>>, vector<16xf32>,
        %select_n3A_494 = arith.select %ne3A_486, %get3A_29, %get3A_13 : vector<16xi1>, vector<16xf32>
        %swap3A_495 = arith.index_cast %scan3A_440 : i32 to index
        %swap3A_496 = arith.constant 32 : index
        %swap3A_497 = tpu.vector_load %arg9[%swap3A_495, %swap3A_496] {strides = array<i32>} : memref<256x64xf32, #tpu.memory_space<vmem>>, vector<16xf32>,
        tpu.vector_store %arg9[%swap3A_495, %swap3A_496], %select_n3A_494 {strides = array<i32>} : memref<256x64xf32, #tpu.memory_space<vmem>>, vector<16xf32>,
        %select_n3A_498 = arith.select %ne3A_486, %get3A_33, %get3A_17 : vector<16xi1>, vector<16xf32>
        %swap3A_499 = arith.index_cast %scan3A_440 : i32 to index
        %swap3A_500 = arith.constant 48 : index
        %swap3A_501 = tpu.vector_load %arg9[%swap3A_499, %swap3A_500] {strides = array<i32>} : memref<256x64xf32, #tpu.memory_space<vmem>>, vector<16xf32>,
        tpu.vector_store %arg9[%swap3A_499, %swap3A_500], %select_n3A_498 {strides = array<i32>} : memref<256x64xf32, #tpu.memory_space<vmem>>, vector<16xf32>,
        %scan3A_502 = arith.constant 1 : i32
        %scan3A_503 = arith.addi %scan3A_440, %scan3A_502 : i32
        %add3A_504 = arith.constant 256 : i32
        %add3A_505 = arith.addi %add3A_504, %scan3A_503 : i32
        %jit3A_506 = arith.constant 128 : i32
        %div3A_507 = arith.divsi %add3A_505, %jit3A_506 : i32
        %sign3A_508 = arith.constant 0 : i32
        %sign3A_509 = arith.cmpi sgt, %add3A_505, %sign3A_508 : i32
        %sign3A_510 = arith.extui %sign3A_509 : i1 to i32
        %sign3A_511 = arith.constant 0 : i32
        %sign3A_512 = arith.cmpi slt, %add3A_505, %sign3A_511 : i32
        %sign3A_513 = arith.extui %sign3A_512 : i1 to i32
        %sign3A_514 = arith.subi %sign3A_510, %sign3A_513 : i32
        %sign3A_515 = arith.constant 0 : i32
        %sign3A_516 = arith.cmpi sgt, %jit3A_506, %sign3A_515 : i32
        %sign3A_517 = arith.extui %sign3A_516 : i1 to i32
        %sign3A_518 = arith.constant 0 : i32
        %sign3A_519 = arith.cmpi slt, %jit3A_506, %sign3A_518 : i32
        %sign3A_520 = arith.extui %sign3A_519 : i1 to i32
        %sign3A_521 = arith.subi %sign3A_517, %sign3A_520 : i32
        %ne3A_522 = arith.cmpi ne, %sign3A_514, %sign3A_521 : i32
        %rem3A_523 = arith.remsi %add3A_505, %jit3A_506 : i32
        %ne3A_524 = arith.constant 0 : i32
        %ne3A_525 = arith.cmpi ne, %rem3A_523, %ne3A_524 : i32
        %and3A_526 = arith.andi %ne3A_522, %ne3A_525 : i1
        %sub3A_527 = arith.constant 1 : i32
        %sub3A_528 = arith.subi %div3A_507, %sub3A_527 : i32
        %select_n3A_529 = arith.select %and3A_526, %sub3A_528, %div3A_507 : i32
        %broadcast_in_dim3A_530 = vector.broadcast %select_n3A_529 : i32 to vector<16xi32>
        %jit3A_531 = arith.constant 128 : i32
        %eq3A_532 = arith.constant 0 : i32
        %eq3A_533 = arith.cmpi eq, %jit3A_531, %eq3A_532 : i32
        %jit3A_534 = arith.constant 1 : i32
        %select_n3A_535 = arith.select %eq3A_533, %jit3A_534, %jit3A_531 : i32
        %rem3A_536 = arith.remsi %add3A_505, %select_n3A_535 : i32
        %ne3A_537 = arith.constant 0 : i32
        %ne3A_538 = arith.cmpi ne, %rem3A_536, %ne3A_537 : i32
        %lt3A_539 = arith.constant 0 : i32
        %lt3A_540 = arith.cmpi slt, %rem3A_536, %lt3A_539 : i32
        %lt3A_541 = arith.constant 0 : i32
        %lt3A_542 = arith.cmpi slt, %select_n3A_535, %lt3A_541 : i32
        %ne3A_543 = arith.xori %lt3A_540, %lt3A_542 : i1
        %and3A_544 = arith.andi %ne3A_543, %ne3A_538 : i1
        %add3A_545 = arith.addi %rem3A_536, %select_n3A_535 : i32
        %select_n3A_546 = arith.select %and3A_544, %add3A_545, %rem3A_536 : i32
        %broadcast_in_dim3A_547 = vector.broadcast %select_n3A_546 : i32 to vector<16xi32>
        %gather3A_548 = tpu.vector_load_idx %arg5[%broadcast_in_dim3A_530, %broadcast_in_dim3A_547] : memref<8x128xi32, #tpu.memory_space<vmem>>[vector<16xi32>, vector<16xi32>], vector<16xi32>,
        %ne3A_549 = arith.constant 0 : i32
        %ne3A_550 = vector.broadcast %ne3A_549 : i32 to vector<16xi32>
        %ne3A_551 = arith.cmpi ne, %gather3A_548, %ne3A_550 : vector<16xi32>
        %select_n3A_552 = arith.select %ne3A_551, %get3A_21, %get3A_5 : vector<16xi1>, vector<16xf32>
        %swap3A_553 = arith.index_cast %scan3A_503 : i32 to index
        %swap3A_554 = arith.constant 0 : index
        %swap3A_555 = tpu.vector_load %arg9[%swap3A_553, %swap3A_554] {strides = array<i32>} : memref<256x64xf32, #tpu.memory_space<vmem>>, vector<16xf32>,
        tpu.vector_store %arg9[%swap3A_553, %swap3A_554], %select_n3A_552 {strides = array<i32>} : memref<256x64xf32, #tpu.memory_space<vmem>>, vector<16xf32>,
        %select_n3A_556 = arith.select %ne3A_551, %get3A_25, %get3A_9 : vector<16xi1>, vector<16xf32>
        %swap3A_557 = arith.index_cast %scan3A_503 : i32 to index
        %swap3A_558 = arith.constant 16 : index
        %swap3A_559 = tpu.vector_load %arg9[%swap3A_557, %swap3A_558] {strides = array<i32>} : memref<256x64xf32, #tpu.memory_space<vmem>>, vector<16xf32>,
        tpu.vector_store %arg9[%swap3A_557, %swap3A_558], %select_n3A_556 {strides = array<i32>} : memref<256x64xf32, #tpu.memory_space<vmem>>, vector<16xf32>,
        %select_n3A_560 = arith.select %ne3A_551, %get3A_29, %get3A_13 : vector<16xi1>, vector<16xf32>
        %swap3A_561 = arith.index_cast %scan3A_503 : i32 to index
        %swap3A_562 = arith.constant 32 : index
        %swap3A_563 = tpu.vector_load %arg9[%swap3A_561, %swap3A_562] {strides = array<i32>} : memref<256x64xf32, #tpu.memory_space<vmem>>, vector<16xf32>,
        tpu.vector_store %arg9[%swap3A_561, %swap3A_562], %select_n3A_560 {strides = array<i32>} : memref<256x64xf32, #tpu.memory_space<vmem>>, vector<16xf32>,
        %select_n3A_564 = arith.select %ne3A_551, %get3A_33, %get3A_17 : vector<16xi1>, vector<16xf32>
        %swap3A_565 = arith.index_cast %scan3A_503 : i32 to index
        %swap3A_566 = arith.constant 48 : index
        %swap3A_567 = tpu.vector_load %arg9[%swap3A_565, %swap3A_566] {strides = array<i32>} : memref<256x64xf32, #tpu.memory_space<vmem>>, vector<16xf32>,
        tpu.vector_store %arg9[%swap3A_565, %swap3A_566], %select_n3A_564 {strides = array<i32>} : memref<256x64xf32, #tpu.memory_space<vmem>>, vector<16xf32>,
        %scan3A_568 = arith.constant 2 : i32
        %scan3A_569 = arith.addi %scan3A_440, %scan3A_568 : i32
        %add3A_570 = arith.constant 256 : i32
        %add3A_571 = arith.addi %add3A_570, %scan3A_569 : i32
        %jit3A_572 = arith.constant 128 : i32
        %div3A_573 = arith.divsi %add3A_571, %jit3A_572 : i32
        %sign3A_574 = arith.constant 0 : i32
        %sign3A_575 = arith.cmpi sgt, %add3A_571, %sign3A_574 : i32
        %sign3A_576 = arith.extui %sign3A_575 : i1 to i32
        %sign3A_577 = arith.constant 0 : i32
        %sign3A_578 = arith.cmpi slt, %add3A_571, %sign3A_577 : i32
        %sign3A_579 = arith.extui %sign3A_578 : i1 to i32
        %sign3A_580 = arith.subi %sign3A_576, %sign3A_579 : i32
        %sign3A_581 = arith.constant 0 : i32
        %sign3A_582 = arith.cmpi sgt, %jit3A_572, %sign3A_581 : i32
        %sign3A_583 = arith.extui %sign3A_582 : i1 to i32
        %sign3A_584 = arith.constant 0 : i32
        %sign3A_585 = arith.cmpi slt, %jit3A_572, %sign3A_584 : i32
        %sign3A_586 = arith.extui %sign3A_585 : i1 to i32
        %sign3A_587 = arith.subi %sign3A_583, %sign3A_586 : i32
        %ne3A_588 = arith.cmpi ne, %sign3A_580, %sign3A_587 : i32
        %rem3A_589 = arith.remsi %add3A_571, %jit3A_572 : i32
        %ne3A_590 = arith.constant 0 : i32
        %ne3A_591 = arith.cmpi ne, %rem3A_589, %ne3A_590 : i32
        %and3A_592 = arith.andi %ne3A_588, %ne3A_591 : i1
        %sub3A_593 = arith.constant 1 : i32
        %sub3A_594 = arith.subi %div3A_573, %sub3A_593 : i32
        %select_n3A_595 = arith.select %and3A_592, %sub3A_594, %div3A_573 : i32
        %broadcast_in_dim3A_596 = vector.broadcast %select_n3A_595 : i32 to vector<16xi32>
        %jit3A_597 = arith.constant 128 : i32
        %eq3A_598 = arith.constant 0 : i32
        %eq3A_599 = arith.cmpi eq, %jit3A_597, %eq3A_598 : i32
        %jit3A_600 = arith.constant 1 : i32
        %select_n3A_601 = arith.select %eq3A_599, %jit3A_600, %jit3A_597 : i32
        %rem3A_602 = arith.remsi %add3A_571, %select_n3A_601 : i32
        %ne3A_603 = arith.constant 0 : i32
        %ne3A_604 = arith.cmpi ne, %rem3A_602, %ne3A_603 : i32
        %lt3A_605 = arith.constant 0 : i32
        %lt3A_606 = arith.cmpi slt, %rem3A_602, %lt3A_605 : i32
        %lt3A_607 = arith.constant 0 : i32
        %lt3A_608 = arith.cmpi slt, %select_n3A_601, %lt3A_607 : i32
        %ne3A_609 = arith.xori %lt3A_606, %lt3A_608 : i1
        %and3A_610 = arith.andi %ne3A_609, %ne3A_604 : i1
        %add3A_611 = arith.addi %rem3A_602, %select_n3A_601 : i32
        %select_n3A_612 = arith.select %and3A_610, %add3A_611, %rem3A_602 : i32
        %broadcast_in_dim3A_613 = vector.broadcast %select_n3A_612 : i32 to vector<16xi32>
        %gather3A_614 = tpu.vector_load_idx %arg5[%broadcast_in_dim3A_596, %broadcast_in_dim3A_613] : memref<8x128xi32, #tpu.memory_space<vmem>>[vector<16xi32>, vector<16xi32>], vector<16xi32>,
        %ne3A_615 = arith.constant 0 : i32
        %ne3A_616 = vector.broadcast %ne3A_615 : i32 to vector<16xi32>
        %ne3A_617 = arith.cmpi ne, %gather3A_614, %ne3A_616 : vector<16xi32>
        %select_n3A_618 = arith.select %ne3A_617, %get3A_21, %get3A_5 : vector<16xi1>, vector<16xf32>
        %swap3A_619 = arith.index_cast %scan3A_569 : i32 to index
        %swap3A_620 = arith.constant 0 : index
        %swap3A_621 = tpu.vector_load %arg9[%swap3A_619, %swap3A_620] {strides = array<i32>} : memref<256x64xf32, #tpu.memory_space<vmem>>, vector<16xf32>,
        tpu.vector_store %arg9[%swap3A_619, %swap3A_620], %select_n3A_618 {strides = array<i32>} : memref<256x64xf32, #tpu.memory_space<vmem>>, vector<16xf32>,
        %select_n3A_622 = arith.select %ne3A_617, %get3A_25, %get3A_9 : vector<16xi1>, vector<16xf32>
        %swap3A_623 = arith.index_cast %scan3A_569 : i32 to index
        %swap3A_624 = arith.constant 16 : index
        %swap3A_625 = tpu.vector_load %arg9[%swap3A_623, %swap3A_624] {strides = array<i32>} : memref<256x64xf32, #tpu.memory_space<vmem>>, vector<16xf32>,
        tpu.vector_store %arg9[%swap3A_623, %swap3A_624], %select_n3A_622 {strides = array<i32>} : memref<256x64xf32, #tpu.memory_space<vmem>>, vector<16xf32>,
        %select_n3A_626 = arith.select %ne3A_617, %get3A_29, %get3A_13 : vector<16xi1>, vector<16xf32>
        %swap3A_627 = arith.index_cast %scan3A_569 : i32 to index
        %swap3A_628 = arith.constant 32 : index
        %swap3A_629 = tpu.vector_load %arg9[%swap3A_627, %swap3A_628] {strides = array<i32>} : memref<256x64xf32, #tpu.memory_space<vmem>>, vector<16xf32>,
        tpu.vector_store %arg9[%swap3A_627, %swap3A_628], %select_n3A_626 {strides = array<i32>} : memref<256x64xf32, #tpu.memory_space<vmem>>, vector<16xf32>,
        %select_n3A_630 = arith.select %ne3A_617, %get3A_33, %get3A_17 : vector<16xi1>, vector<16xf32>
        %swap3A_631 = arith.index_cast %scan3A_569 : i32 to index
        %swap3A_632 = arith.constant 48 : index
        %swap3A_633 = tpu.vector_load %arg9[%swap3A_631, %swap3A_632] {strides = array<i32>} : memref<256x64xf32, #tpu.memory_space<vmem>>, vector<16xf32>,
        tpu.vector_store %arg9[%swap3A_631, %swap3A_632], %select_n3A_630 {strides = array<i32>} : memref<256x64xf32, #tpu.memory_space<vmem>>, vector<16xf32>,
        %scan3A_634 = arith.constant 3 : i32
        %scan3A_635 = arith.addi %scan3A_440, %scan3A_634 : i32
        %add3A_636 = arith.constant 256 : i32
        %add3A_637 = arith.addi %add3A_636, %scan3A_635 : i32
        %jit3A_638 = arith.constant 128 : i32
        %div3A_639 = arith.divsi %add3A_637, %jit3A_638 : i32
        %sign3A_640 = arith.constant 0 : i32
        %sign3A_641 = arith.cmpi sgt, %add3A_637, %sign3A_640 : i32
        %sign3A_642 = arith.extui %sign3A_641 : i1 to i32
        %sign3A_643 = arith.constant 0 : i32
        %sign3A_644 = arith.cmpi slt, %add3A_637, %sign3A_643 : i32
        %sign3A_645 = arith.extui %sign3A_644 : i1 to i32
        %sign3A_646 = arith.subi %sign3A_642, %sign3A_645 : i32
        %sign3A_647 = arith.constant 0 : i32
        %sign3A_648 = arith.cmpi sgt, %jit3A_638, %sign3A_647 : i32
        %sign3A_649 = arith.extui %sign3A_648 : i1 to i32
        %sign3A_650 = arith.constant 0 : i32
        %sign3A_651 = arith.cmpi slt, %jit3A_638, %sign3A_650 : i32
        %sign3A_652 = arith.extui %sign3A_651 : i1 to i32
        %sign3A_653 = arith.subi %sign3A_649, %sign3A_652 : i32
        %ne3A_654 = arith.cmpi ne, %sign3A_646, %sign3A_653 : i32
        %rem3A_655 = arith.remsi %add3A_637, %jit3A_638 : i32
        %ne3A_656 = arith.constant 0 : i32
        %ne3A_657 = arith.cmpi ne, %rem3A_655, %ne3A_656 : i32
        %and3A_658 = arith.andi %ne3A_654, %ne3A_657 : i1
        %sub3A_659 = arith.constant 1 : i32
        %sub3A_660 = arith.subi %div3A_639, %sub3A_659 : i32
        %select_n3A_661 = arith.select %and3A_658, %sub3A_660, %div3A_639 : i32
        %broadcast_in_dim3A_662 = vector.broadcast %select_n3A_661 : i32 to vector<16xi32>
        %jit3A_663 = arith.constant 128 : i32
        %eq3A_664 = arith.constant 0 : i32
        %eq3A_665 = arith.cmpi eq, %jit3A_663, %eq3A_664 : i32
        %jit3A_666 = arith.constant 1 : i32
        %select_n3A_667 = arith.select %eq3A_665, %jit3A_666, %jit3A_663 : i32
        %rem3A_668 = arith.remsi %add3A_637, %select_n3A_667 : i32
        %ne3A_669 = arith.constant 0 : i32
        %ne3A_670 = arith.cmpi ne, %rem3A_668, %ne3A_669 : i32
        %lt3A_671 = arith.constant 0 : i32
        %lt3A_672 = arith.cmpi slt, %rem3A_668, %lt3A_671 : i32
        %lt3A_673 = arith.constant 0 : i32
        %lt3A_674 = arith.cmpi slt, %select_n3A_667, %lt3A_673 : i32
        %ne3A_675 = arith.xori %lt3A_672, %lt3A_674 : i1
        %and3A_676 = arith.andi %ne3A_675, %ne3A_670 : i1
        %add3A_677 = arith.addi %rem3A_668, %select_n3A_667 : i32
        %select_n3A_678 = arith.select %and3A_676, %add3A_677, %rem3A_668 : i32
        %broadcast_in_dim3A_679 = vector.broadcast %select_n3A_678 : i32 to vector<16xi32>
        %gather3A_680 = tpu.vector_load_idx %arg5[%broadcast_in_dim3A_662, %broadcast_in_dim3A_679] : memref<8x128xi32, #tpu.memory_space<vmem>>[vector<16xi32>, vector<16xi32>], vector<16xi32>,
        %ne3A_681 = arith.constant 0 : i32
        %ne3A_682 = vector.broadcast %ne3A_681 : i32 to vector<16xi32>
        %ne3A_683 = arith.cmpi ne, %gather3A_680, %ne3A_682 : vector<16xi32>
        %select_n3A_684 = arith.select %ne3A_683, %get3A_21, %get3A_5 : vector<16xi1>, vector<16xf32>
        %swap3A_685 = arith.index_cast %scan3A_635 : i32 to index
        %swap3A_686 = arith.constant 0 : index
        %swap3A_687 = tpu.vector_load %arg9[%swap3A_685, %swap3A_686] {strides = array<i32>} : memref<256x64xf32, #tpu.memory_space<vmem>>, vector<16xf32>,
        tpu.vector_store %arg9[%swap3A_685, %swap3A_686], %select_n3A_684 {strides = array<i32>} : memref<256x64xf32, #tpu.memory_space<vmem>>, vector<16xf32>,
        %select_n3A_688 = arith.select %ne3A_683, %get3A_25, %get3A_9 : vector<16xi1>, vector<16xf32>
        %swap3A_689 = arith.index_cast %scan3A_635 : i32 to index
        %swap3A_690 = arith.constant 16 : index
        %swap3A_691 = tpu.vector_load %arg9[%swap3A_689, %swap3A_690] {strides = array<i32>} : memref<256x64xf32, #tpu.memory_space<vmem>>, vector<16xf32>,
        tpu.vector_store %arg9[%swap3A_689, %swap3A_690], %select_n3A_688 {strides = array<i32>} : memref<256x64xf32, #tpu.memory_space<vmem>>, vector<16xf32>,
        %select_n3A_692 = arith.select %ne3A_683, %get3A_29, %get3A_13 : vector<16xi1>, vector<16xf32>
        %swap3A_693 = arith.index_cast %scan3A_635 : i32 to index
        %swap3A_694 = arith.constant 32 : index
        %swap3A_695 = tpu.vector_load %arg9[%swap3A_693, %swap3A_694] {strides = array<i32>} : memref<256x64xf32, #tpu.memory_space<vmem>>, vector<16xf32>,
        tpu.vector_store %arg9[%swap3A_693, %swap3A_694], %select_n3A_692 {strides = array<i32>} : memref<256x64xf32, #tpu.memory_space<vmem>>, vector<16xf32>,
        %select_n3A_696 = arith.select %ne3A_683, %get3A_33, %get3A_17 : vector<16xi1>, vector<16xf32>
        %swap3A_697 = arith.index_cast %scan3A_635 : i32 to index
        %swap3A_698 = arith.constant 48 : index
        %swap3A_699 = tpu.vector_load %arg9[%swap3A_697, %swap3A_698] {strides = array<i32>} : memref<256x64xf32, #tpu.memory_space<vmem>>, vector<16xf32>,
        tpu.vector_store %arg9[%swap3A_697, %swap3A_698], %select_n3A_696 {strides = array<i32>} : memref<256x64xf32, #tpu.memory_space<vmem>>, vector<16xf32>,
      }
      %scan3A_233 = arith.constant 256 : i32
      %dma_start3A_234 = arith.constant 0 : i32
      %dma_start3A_235 = tpu.memref_slice %arg4[%add3A_222, %dma_start3A_234] : memref<3276800x64xf32, #tpu.memory_space<hbm>> -> memref<256x64xf32, #tpu.memory_space<hbm>>
      %dma_start3A_236 = arith.constant 0 : i32
      %dma_start3A_237 = tpu.memref_slice %arg4[%add3A_222, %dma_start3A_236] : memref<3276800x64xf32, #tpu.memory_space<hbm>> -> memref<256x64xf32, #tpu.memory_space<hbm>>
      tpu.enqueue_dma source(%arg9 : memref<256x64xf32, #tpu.memory_space<vmem>>) target(%dma_start3A_237 : memref<256x64xf32, #tpu.memory_space<hbm>>) target_semaphore(%arg11 : memref<!tpu.dma_semaphore, #tpu.memory_space<semaphore_mem>>)
      %add3A_238 = arith.constant 512 : i32
      %add3A_239 = arith.addi %multiple_of3A_110, %add3A_238 : i32
      %dma_wait3A_240 = arith.constant 0 : i32
      %dma_wait3A_241 = tpu.memref_slice %arg4[%add3A_239, %dma_wait3A_240] : memref<3276800x64xf32, #tpu.memory_space<hbm>> -> memref<256x64xf32, #tpu.memory_space<hbm>>
      %dma_wait3A_242 = arith.constant 0 : i32
      %dma_wait3A_243 = tpu.memref_slice %arg4[%add3A_239, %dma_wait3A_242] : memref<3276800x64xf32, #tpu.memory_space<hbm>> -> memref<256x64xf32, #tpu.memory_space<hbm>>
      tpu.wait_dma2 semaphore(%arg10 : memref<!tpu.dma_semaphore, #tpu.memory_space<semaphore_mem>>) src(%arg8 : memref<256x64xf32, #tpu.memory_space<vmem>>) dst(%dma_wait3A_243 : memref<256x64xf32, #tpu.memory_space<hbm>>)
      %scan3A_244 = arith.constant 0 : i32
      %scan3A_245 = arith.constant 0 : i32
      %scan3A_246 = arith.constant 256 : i32
      %scan3A_247 = arith.addi %scan3A_245, %scan3A_246 : i32
      %scan3A_248 = arith.constant 4 : i32
      scf.for %scan3A_440 = %scan3A_245 to %scan3A_247 step %scan3A_248  : i32 {
        %add3A_441 = arith.constant 512 : i32
        %add3A_442 = arith.addi %add3A_441, %scan3A_440 : i32
        %jit3A_443 = arith.constant 128 : i32
        %div3A_444 = arith.divsi %add3A_442, %jit3A_443 : i32
        %sign3A_445 = arith.constant 0 : i32
        %sign3A_446 = arith.cmpi sgt, %add3A_442, %sign3A_445 : i32
        %sign3A_447 = arith.extui %sign3A_446 : i1 to i32
        %sign3A_448 = arith.constant 0 : i32
        %sign3A_449 = arith.cmpi slt, %add3A_442, %sign3A_448 : i32
        %sign3A_450 = arith.extui %sign3A_449 : i1 to i32
        %sign3A_451 = arith.subi %sign3A_447, %sign3A_450 : i32
        %sign3A_452 = arith.constant 0 : i32
        %sign3A_453 = arith.cmpi sgt, %jit3A_443, %sign3A_452 : i32
        %sign3A_454 = arith.extui %sign3A_453 : i1 to i32
        %sign3A_455 = arith.constant 0 : i32
        %sign3A_456 = arith.cmpi slt, %jit3A_443, %sign3A_455 : i32
        %sign3A_457 = arith.extui %sign3A_456 : i1 to i32
        %sign3A_458 = arith.subi %sign3A_454, %sign3A_457 : i32
        %ne3A_459 = arith.cmpi ne, %sign3A_451, %sign3A_458 : i32
        %rem3A_460 = arith.remsi %add3A_442, %jit3A_443 : i32
        %ne3A_461 = arith.constant 0 : i32
        %ne3A_462 = arith.cmpi ne, %rem3A_460, %ne3A_461 : i32
        %and3A_463 = arith.andi %ne3A_459, %ne3A_462 : i1
        %sub3A_464 = arith.constant 1 : i32
        %sub3A_465 = arith.subi %div3A_444, %sub3A_464 : i32
        %select_n3A_466 = arith.select %and3A_463, %sub3A_465, %div3A_444 : i32
        %broadcast_in_dim3A = vector.broadcast %select_n3A_466 : i32 to vector<16xi32>
        %jit3A_467 = arith.constant 128 : i32
        %eq3A_468 = arith.constant 0 : i32
        %eq3A_469 = arith.cmpi eq, %jit3A_467, %eq3A_468 : i32
        %jit3A_470 = arith.constant 1 : i32
        %select_n3A_471 = arith.select %eq3A_469, %jit3A_470, %jit3A_467 : i32
        %rem3A_472 = arith.remsi %add3A_442, %select_n3A_471 : i32
        %ne3A_473 = arith.constant 0 : i32
        %ne3A_474 = arith.cmpi ne, %rem3A_472, %ne3A_473 : i32
        %lt3A_475 = arith.constant 0 : i32
        %lt3A_476 = arith.cmpi slt, %rem3A_472, %lt3A_475 : i32
        %lt3A_477 = arith.constant 0 : i32
        %lt3A_478 = arith.cmpi slt, %select_n3A_471, %lt3A_477 : i32
        %ne3A_479 = arith.xori %lt3A_476, %lt3A_478 : i1
        %and3A_480 = arith.andi %ne3A_479, %ne3A_474 : i1
        %add3A_481 = arith.addi %rem3A_472, %select_n3A_471 : i32
        %select_n3A_482 = arith.select %and3A_480, %add3A_481, %rem3A_472 : i32
        %broadcast_in_dim3A_483 = vector.broadcast %select_n3A_482 : i32 to vector<16xi32>
        %gather3A = tpu.vector_load_idx %arg5[%broadcast_in_dim3A, %broadcast_in_dim3A_483] : memref<8x128xi32, #tpu.memory_space<vmem>>[vector<16xi32>, vector<16xi32>], vector<16xi32>,
        %ne3A_484 = arith.constant 0 : i32
        %ne3A_485 = vector.broadcast %ne3A_484 : i32 to vector<16xi32>
        %ne3A_486 = arith.cmpi ne, %gather3A, %ne3A_485 : vector<16xi32>
        %select_n3A_487 = arith.select %ne3A_486, %get3A_21, %get3A_5 : vector<16xi1>, vector<16xf32>
        %swap3A = arith.index_cast %scan3A_440 : i32 to index
        %swap3A_488 = arith.constant 0 : index
        %swap3A_489 = tpu.vector_load %arg8[%swap3A, %swap3A_488] {strides = array<i32>} : memref<256x64xf32, #tpu.memory_space<vmem>>, vector<16xf32>,
        tpu.vector_store %arg8[%swap3A, %swap3A_488], %select_n3A_487 {strides = array<i32>} : memref<256x64xf32, #tpu.memory_space<vmem>>, vector<16xf32>,
        %select_n3A_490 = arith.select %ne3A_486, %get3A_25, %get3A_9 : vector<16xi1>, vector<16xf32>
        %swap3A_491 = arith.index_cast %scan3A_440 : i32 to index
        %swap3A_492 = arith.constant 16 : index
        %swap3A_493 = tpu.vector_load %arg8[%swap3A_491, %swap3A_492] {strides = array<i32>} : memref<256x64xf32, #tpu.memory_space<vmem>>, vector<16xf32>,
        tpu.vector_store %arg8[%swap3A_491, %swap3A_492], %select_n3A_490 {strides = array<i32>} : memref<256x64xf32, #tpu.memory_space<vmem>>, vector<16xf32>,
        %select_n3A_494 = arith.select %ne3A_486, %get3A_29, %get3A_13 : vector<16xi1>, vector<16xf32>
        %swap3A_495 = arith.index_cast %scan3A_440 : i32 to index
        %swap3A_496 = arith.constant 32 : index
        %swap3A_497 = tpu.vector_load %arg8[%swap3A_495, %swap3A_496] {strides = array<i32>} : memref<256x64xf32, #tpu.memory_space<vmem>>, vector<16xf32>,
        tpu.vector_store %arg8[%swap3A_495, %swap3A_496], %select_n3A_494 {strides = array<i32>} : memref<256x64xf32, #tpu.memory_space<vmem>>, vector<16xf32>,
        %select_n3A_498 = arith.select %ne3A_486, %get3A_33, %get3A_17 : vector<16xi1>, vector<16xf32>
        %swap3A_499 = arith.index_cast %scan3A_440 : i32 to index
        %swap3A_500 = arith.constant 48 : index
        %swap3A_501 = tpu.vector_load %arg8[%swap3A_499, %swap3A_500] {strides = array<i32>} : memref<256x64xf32, #tpu.memory_space<vmem>>, vector<16xf32>,
        tpu.vector_store %arg8[%swap3A_499, %swap3A_500], %select_n3A_498 {strides = array<i32>} : memref<256x64xf32, #tpu.memory_space<vmem>>, vector<16xf32>,
        %scan3A_502 = arith.constant 1 : i32
        %scan3A_503 = arith.addi %scan3A_440, %scan3A_502 : i32
        %add3A_504 = arith.constant 512 : i32
        %add3A_505 = arith.addi %add3A_504, %scan3A_503 : i32
        %jit3A_506 = arith.constant 128 : i32
        %div3A_507 = arith.divsi %add3A_505, %jit3A_506 : i32
        %sign3A_508 = arith.constant 0 : i32
        %sign3A_509 = arith.cmpi sgt, %add3A_505, %sign3A_508 : i32
        %sign3A_510 = arith.extui %sign3A_509 : i1 to i32
        %sign3A_511 = arith.constant 0 : i32
        %sign3A_512 = arith.cmpi slt, %add3A_505, %sign3A_511 : i32
        %sign3A_513 = arith.extui %sign3A_512 : i1 to i32
        %sign3A_514 = arith.subi %sign3A_510, %sign3A_513 : i32
        %sign3A_515 = arith.constant 0 : i32
        %sign3A_516 = arith.cmpi sgt, %jit3A_506, %sign3A_515 : i32
        %sign3A_517 = arith.extui %sign3A_516 : i1 to i32
        %sign3A_518 = arith.constant 0 : i32
        %sign3A_519 = arith.cmpi slt, %jit3A_506, %sign3A_518 : i32
        %sign3A_520 = arith.extui %sign3A_519 : i1 to i32
        %sign3A_521 = arith.subi %sign3A_517, %sign3A_520 : i32
        %ne3A_522 = arith.cmpi ne, %sign3A_514, %sign3A_521 : i32
        %rem3A_523 = arith.remsi %add3A_505, %jit3A_506 : i32
        %ne3A_524 = arith.constant 0 : i32
        %ne3A_525 = arith.cmpi ne, %rem3A_523, %ne3A_524 : i32
        %and3A_526 = arith.andi %ne3A_522, %ne3A_525 : i1
        %sub3A_527 = arith.constant 1 : i32
        %sub3A_528 = arith.subi %div3A_507, %sub3A_527 : i32
        %select_n3A_529 = arith.select %and3A_526, %sub3A_528, %div3A_507 : i32
        %broadcast_in_dim3A_530 = vector.broadcast %select_n3A_529 : i32 to vector<16xi32>
        %jit3A_531 = arith.constant 128 : i32
        %eq3A_532 = arith.constant 0 : i32
        %eq3A_533 = arith.cmpi eq, %jit3A_531, %eq3A_532 : i32
        %jit3A_534 = arith.constant 1 : i32
        %select_n3A_535 = arith.select %eq3A_533, %jit3A_534, %jit3A_531 : i32
        %rem3A_536 = arith.remsi %add3A_505, %select_n3A_535 : i32
        %ne3A_537 = arith.constant 0 : i32
        %ne3A_538 = arith.cmpi ne, %rem3A_536, %ne3A_537 : i32
        %lt3A_539 = arith.constant 0 : i32
        %lt3A_540 = arith.cmpi slt, %rem3A_536, %lt3A_539 : i32
        %lt3A_541 = arith.constant 0 : i32
        %lt3A_542 = arith.cmpi slt, %select_n3A_535, %lt3A_541 : i32
        %ne3A_543 = arith.xori %lt3A_540, %lt3A_542 : i1
        %and3A_544 = arith.andi %ne3A_543, %ne3A_538 : i1
        %add3A_545 = arith.addi %rem3A_536, %select_n3A_535 : i32
        %select_n3A_546 = arith.select %and3A_544, %add3A_545, %rem3A_536 : i32
        %broadcast_in_dim3A_547 = vector.broadcast %select_n3A_546 : i32 to vector<16xi32>
        %gather3A_548 = tpu.vector_load_idx %arg5[%broadcast_in_dim3A_530, %broadcast_in_dim3A_547] : memref<8x128xi32, #tpu.memory_space<vmem>>[vector<16xi32>, vector<16xi32>], vector<16xi32>,
        %ne3A_549 = arith.constant 0 : i32
        %ne3A_550 = vector.broadcast %ne3A_549 : i32 to vector<16xi32>
        %ne3A_551 = arith.cmpi ne, %gather3A_548, %ne3A_550 : vector<16xi32>
        %select_n3A_552 = arith.select %ne3A_551, %get3A_21, %get3A_5 : vector<16xi1>, vector<16xf32>
        %swap3A_553 = arith.index_cast %scan3A_503 : i32 to index
        %swap3A_554 = arith.constant 0 : index
        %swap3A_555 = tpu.vector_load %arg8[%swap3A_553, %swap3A_554] {strides = array<i32>} : memref<256x64xf32, #tpu.memory_space<vmem>>, vector<16xf32>,
        tpu.vector_store %arg8[%swap3A_553, %swap3A_554], %select_n3A_552 {strides = array<i32>} : memref<256x64xf32, #tpu.memory_space<vmem>>, vector<16xf32>,
        %select_n3A_556 = arith.select %ne3A_551, %get3A_25, %get3A_9 : vector<16xi1>, vector<16xf32>
        %swap3A_557 = arith.index_cast %scan3A_503 : i32 to index
        %swap3A_558 = arith.constant 16 : index
        %swap3A_559 = tpu.vector_load %arg8[%swap3A_557, %swap3A_558] {strides = array<i32>} : memref<256x64xf32, #tpu.memory_space<vmem>>, vector<16xf32>,
        tpu.vector_store %arg8[%swap3A_557, %swap3A_558], %select_n3A_556 {strides = array<i32>} : memref<256x64xf32, #tpu.memory_space<vmem>>, vector<16xf32>,
        %select_n3A_560 = arith.select %ne3A_551, %get3A_29, %get3A_13 : vector<16xi1>, vector<16xf32>
        %swap3A_561 = arith.index_cast %scan3A_503 : i32 to index
        %swap3A_562 = arith.constant 32 : index
        %swap3A_563 = tpu.vector_load %arg8[%swap3A_561, %swap3A_562] {strides = array<i32>} : memref<256x64xf32, #tpu.memory_space<vmem>>, vector<16xf32>,
        tpu.vector_store %arg8[%swap3A_561, %swap3A_562], %select_n3A_560 {strides = array<i32>} : memref<256x64xf32, #tpu.memory_space<vmem>>, vector<16xf32>,
        %select_n3A_564 = arith.select %ne3A_551, %get3A_33, %get3A_17 : vector<16xi1>, vector<16xf32>
        %swap3A_565 = arith.index_cast %scan3A_503 : i32 to index
        %swap3A_566 = arith.constant 48 : index
        %swap3A_567 = tpu.vector_load %arg8[%swap3A_565, %swap3A_566] {strides = array<i32>} : memref<256x64xf32, #tpu.memory_space<vmem>>, vector<16xf32>,
        tpu.vector_store %arg8[%swap3A_565, %swap3A_566], %select_n3A_564 {strides = array<i32>} : memref<256x64xf32, #tpu.memory_space<vmem>>, vector<16xf32>,
        %scan3A_568 = arith.constant 2 : i32
        %scan3A_569 = arith.addi %scan3A_440, %scan3A_568 : i32
        %add3A_570 = arith.constant 512 : i32
        %add3A_571 = arith.addi %add3A_570, %scan3A_569 : i32
        %jit3A_572 = arith.constant 128 : i32
        %div3A_573 = arith.divsi %add3A_571, %jit3A_572 : i32
        %sign3A_574 = arith.constant 0 : i32
        %sign3A_575 = arith.cmpi sgt, %add3A_571, %sign3A_574 : i32
        %sign3A_576 = arith.extui %sign3A_575 : i1 to i32
        %sign3A_577 = arith.constant 0 : i32
        %sign3A_578 = arith.cmpi slt, %add3A_571, %sign3A_577 : i32
        %sign3A_579 = arith.extui %sign3A_578 : i1 to i32
        %sign3A_580 = arith.subi %sign3A_576, %sign3A_579 : i32
        %sign3A_581 = arith.constant 0 : i32
        %sign3A_582 = arith.cmpi sgt, %jit3A_572, %sign3A_581 : i32
        %sign3A_583 = arith.extui %sign3A_582 : i1 to i32
        %sign3A_584 = arith.constant 0 : i32
        %sign3A_585 = arith.cmpi slt, %jit3A_572, %sign3A_584 : i32
        %sign3A_586 = arith.extui %sign3A_585 : i1 to i32
        %sign3A_587 = arith.subi %sign3A_583, %sign3A_586 : i32
        %ne3A_588 = arith.cmpi ne, %sign3A_580, %sign3A_587 : i32
        %rem3A_589 = arith.remsi %add3A_571, %jit3A_572 : i32
        %ne3A_590 = arith.constant 0 : i32
        %ne3A_591 = arith.cmpi ne, %rem3A_589, %ne3A_590 : i32
        %and3A_592 = arith.andi %ne3A_588, %ne3A_591 : i1
        %sub3A_593 = arith.constant 1 : i32
        %sub3A_594 = arith.subi %div3A_573, %sub3A_593 : i32
        %select_n3A_595 = arith.select %and3A_592, %sub3A_594, %div3A_573 : i32
        %broadcast_in_dim3A_596 = vector.broadcast %select_n3A_595 : i32 to vector<16xi32>
        %jit3A_597 = arith.constant 128 : i32
        %eq3A_598 = arith.constant 0 : i32
        %eq3A_599 = arith.cmpi eq, %jit3A_597, %eq3A_598 : i32
        %jit3A_600 = arith.constant 1 : i32
        %select_n3A_601 = arith.select %eq3A_599, %jit3A_600, %jit3A_597 : i32
        %rem3A_602 = arith.remsi %add3A_571, %select_n3A_601 : i32
        %ne3A_603 = arith.constant 0 : i32
        %ne3A_604 = arith.cmpi ne, %rem3A_602, %ne3A_603 : i32
        %lt3A_605 = arith.constant 0 : i32
        %lt3A_606 = arith.cmpi slt, %rem3A_602, %lt3A_605 : i32
        %lt3A_607 = arith.constant 0 : i32
        %lt3A_608 = arith.cmpi slt, %select_n3A_601, %lt3A_607 : i32
        %ne3A_609 = arith.xori %lt3A_606, %lt3A_608 : i1
        %and3A_610 = arith.andi %ne3A_609, %ne3A_604 : i1
        %add3A_611 = arith.addi %rem3A_602, %select_n3A_601 : i32
        %select_n3A_612 = arith.select %and3A_610, %add3A_611, %rem3A_602 : i32
        %broadcast_in_dim3A_613 = vector.broadcast %select_n3A_612 : i32 to vector<16xi32>
        %gather3A_614 = tpu.vector_load_idx %arg5[%broadcast_in_dim3A_596, %broadcast_in_dim3A_613] : memref<8x128xi32, #tpu.memory_space<vmem>>[vector<16xi32>, vector<16xi32>], vector<16xi32>,
        %ne3A_615 = arith.constant 0 : i32
        %ne3A_616 = vector.broadcast %ne3A_615 : i32 to vector<16xi32>
        %ne3A_617 = arith.cmpi ne, %gather3A_614, %ne3A_616 : vector<16xi32>
        %select_n3A_618 = arith.select %ne3A_617, %get3A_21, %get3A_5 : vector<16xi1>, vector<16xf32>
        %swap3A_619 = arith.index_cast %scan3A_569 : i32 to index
        %swap3A_620 = arith.constant 0 : index
        %swap3A_621 = tpu.vector_load %arg8[%swap3A_619, %swap3A_620] {strides = array<i32>} : memref<256x64xf32, #tpu.memory_space<vmem>>, vector<16xf32>,
        tpu.vector_store %arg8[%swap3A_619, %swap3A_620], %select_n3A_618 {strides = array<i32>} : memref<256x64xf32, #tpu.memory_space<vmem>>, vector<16xf32>,
        %select_n3A_622 = arith.select %ne3A_617, %get3A_25, %get3A_9 : vector<16xi1>, vector<16xf32>
        %swap3A_623 = arith.index_cast %scan3A_569 : i32 to index
        %swap3A_624 = arith.constant 16 : index
        %swap3A_625 = tpu.vector_load %arg8[%swap3A_623, %swap3A_624] {strides = array<i32>} : memref<256x64xf32, #tpu.memory_space<vmem>>, vector<16xf32>,
        tpu.vector_store %arg8[%swap3A_623, %swap3A_624], %select_n3A_622 {strides = array<i32>} : memref<256x64xf32, #tpu.memory_space<vmem>>, vector<16xf32>,
        %select_n3A_626 = arith.select %ne3A_617, %get3A_29, %get3A_13 : vector<16xi1>, vector<16xf32>
        %swap3A_627 = arith.index_cast %scan3A_569 : i32 to index
        %swap3A_628 = arith.constant 32 : index
        %swap3A_629 = tpu.vector_load %arg8[%swap3A_627, %swap3A_628] {strides = array<i32>} : memref<256x64xf32, #tpu.memory_space<vmem>>, vector<16xf32>,
        tpu.vector_store %arg8[%swap3A_627, %swap3A_628], %select_n3A_626 {strides = array<i32>} : memref<256x64xf32, #tpu.memory_space<vmem>>, vector<16xf32>,
        %select_n3A_630 = arith.select %ne3A_617, %get3A_33, %get3A_17 : vector<16xi1>, vector<16xf32>
        %swap3A_631 = arith.index_cast %scan3A_569 : i32 to index
        %swap3A_632 = arith.constant 48 : index
        %swap3A_633 = tpu.vector_load %arg8[%swap3A_631, %swap3A_632] {strides = array<i32>} : memref<256x64xf32, #tpu.memory_space<vmem>>, vector<16xf32>,
        tpu.vector_store %arg8[%swap3A_631, %swap3A_632], %select_n3A_630 {strides = array<i32>} : memref<256x64xf32, #tpu.memory_space<vmem>>, vector<16xf32>,
        %scan3A_634 = arith.constant 3 : i32
        %scan3A_635 = arith.addi %scan3A_440, %scan3A_634 : i32
        %add3A_636 = arith.constant 512 : i32
        %add3A_637 = arith.addi %add3A_636, %scan3A_635 : i32
        %jit3A_638 = arith.constant 128 : i32
        %div3A_639 = arith.divsi %add3A_637, %jit3A_638 : i32
        %sign3A_640 = arith.constant 0 : i32
        %sign3A_641 = arith.cmpi sgt, %add3A_637, %sign3A_640 : i32
        %sign3A_642 = arith.extui %sign3A_641 : i1 to i32
        %sign3A_643 = arith.constant 0 : i32
        %sign3A_644 = arith.cmpi slt, %add3A_637, %sign3A_643 : i32
        %sign3A_645 = arith.extui %sign3A_644 : i1 to i32
        %sign3A_646 = arith.subi %sign3A_642, %sign3A_645 : i32
        %sign3A_647 = arith.constant 0 : i32
        %sign3A_648 = arith.cmpi sgt, %jit3A_638, %sign3A_647 : i32
        %sign3A_649 = arith.extui %sign3A_648 : i1 to i32
        %sign3A_650 = arith.constant 0 : i32
        %sign3A_651 = arith.cmpi slt, %jit3A_638, %sign3A_650 : i32
        %sign3A_652 = arith.extui %sign3A_651 : i1 to i32
        %sign3A_653 = arith.subi %sign3A_649, %sign3A_652 : i32
        %ne3A_654 = arith.cmpi ne, %sign3A_646, %sign3A_653 : i32
        %rem3A_655 = arith.remsi %add3A_637, %jit3A_638 : i32
        %ne3A_656 = arith.constant 0 : i32
        %ne3A_657 = arith.cmpi ne, %rem3A_655, %ne3A_656 : i32
        %and3A_658 = arith.andi %ne3A_654, %ne3A_657 : i1
        %sub3A_659 = arith.constant 1 : i32
        %sub3A_660 = arith.subi %div3A_639, %sub3A_659 : i32
        %select_n3A_661 = arith.select %and3A_658, %sub3A_660, %div3A_639 : i32
        %broadcast_in_dim3A_662 = vector.broadcast %select_n3A_661 : i32 to vector<16xi32>
        %jit3A_663 = arith.constant 128 : i32
        %eq3A_664 = arith.constant 0 : i32
        %eq3A_665 = arith.cmpi eq, %jit3A_663, %eq3A_664 : i32
        %jit3A_666 = arith.constant 1 : i32
        %select_n3A_667 = arith.select %eq3A_665, %jit3A_666, %jit3A_663 : i32
        %rem3A_668 = arith.remsi %add3A_637, %select_n3A_667 : i32
        %ne3A_669 = arith.constant 0 : i32
        %ne3A_670 = arith.cmpi ne, %rem3A_668, %ne3A_669 : i32
        %lt3A_671 = arith.constant 0 : i32
        %lt3A_672 = arith.cmpi slt, %rem3A_668, %lt3A_671 : i32
        %lt3A_673 = arith.constant 0 : i32
        %lt3A_674 = arith.cmpi slt, %select_n3A_667, %lt3A_673 : i32
        %ne3A_675 = arith.xori %lt3A_672, %lt3A_674 : i1
        %and3A_676 = arith.andi %ne3A_675, %ne3A_670 : i1
        %add3A_677 = arith.addi %rem3A_668, %select_n3A_667 : i32
        %select_n3A_678 = arith.select %and3A_676, %add3A_677, %rem3A_668 : i32
        %broadcast_in_dim3A_679 = vector.broadcast %select_n3A_678 : i32 to vector<16xi32>
        %gather3A_680 = tpu.vector_load_idx %arg5[%broadcast_in_dim3A_662, %broadcast_in_dim3A_679] : memref<8x128xi32, #tpu.memory_space<vmem>>[vector<16xi32>, vector<16xi32>], vector<16xi32>,
        %ne3A_681 = arith.constant 0 : i32
        %ne3A_682 = vector.broadcast %ne3A_681 : i32 to vector<16xi32>
        %ne3A_683 = arith.cmpi ne, %gather3A_680, %ne3A_682 : vector<16xi32>
        %select_n3A_684 = arith.select %ne3A_683, %get3A_21, %get3A_5 : vector<16xi1>, vector<16xf32>
        %swap3A_685 = arith.index_cast %scan3A_635 : i32 to index
        %swap3A_686 = arith.constant 0 : index
        %swap3A_687 = tpu.vector_load %arg8[%swap3A_685, %swap3A_686] {strides = array<i32>} : memref<256x64xf32, #tpu.memory_space<vmem>>, vector<16xf32>,
        tpu.vector_store %arg8[%swap3A_685, %swap3A_686], %select_n3A_684 {strides = array<i32>} : memref<256x64xf32, #tpu.memory_space<vmem>>, vector<16xf32>,
        %select_n3A_688 = arith.select %ne3A_683, %get3A_25, %get3A_9 : vector<16xi1>, vector<16xf32>
        %swap3A_689 = arith.index_cast %scan3A_635 : i32 to index
        %swap3A_690 = arith.constant 16 : index
        %swap3A_691 = tpu.vector_load %arg8[%swap3A_689, %swap3A_690] {strides = array<i32>} : memref<256x64xf32, #tpu.memory_space<vmem>>, vector<16xf32>,
        tpu.vector_store %arg8[%swap3A_689, %swap3A_690], %select_n3A_688 {strides = array<i32>} : memref<256x64xf32, #tpu.memory_space<vmem>>, vector<16xf32>,
        %select_n3A_692 = arith.select %ne3A_683, %get3A_29, %get3A_13 : vector<16xi1>, vector<16xf32>
        %swap3A_693 = arith.index_cast %scan3A_635 : i32 to index
        %swap3A_694 = arith.constant 32 : index
        %swap3A_695 = tpu.vector_load %arg8[%swap3A_693, %swap3A_694] {strides = array<i32>} : memref<256x64xf32, #tpu.memory_space<vmem>>, vector<16xf32>,
        tpu.vector_store %arg8[%swap3A_693, %swap3A_694], %select_n3A_692 {strides = array<i32>} : memref<256x64xf32, #tpu.memory_space<vmem>>, vector<16xf32>,
        %select_n3A_696 = arith.select %ne3A_683, %get3A_33, %get3A_17 : vector<16xi1>, vector<16xf32>
        %swap3A_697 = arith.index_cast %scan3A_635 : i32 to index
        %swap3A_698 = arith.constant 48 : index
        %swap3A_699 = tpu.vector_load %arg8[%swap3A_697, %swap3A_698] {strides = array<i32>} : memref<256x64xf32, #tpu.memory_space<vmem>>, vector<16xf32>,
        tpu.vector_store %arg8[%swap3A_697, %swap3A_698], %select_n3A_696 {strides = array<i32>} : memref<256x64xf32, #tpu.memory_space<vmem>>, vector<16xf32>,
      }
      %scan3A_249 = arith.constant 256 : i32
      %dma_start3A_250 = arith.constant 0 : i32
      %dma_start3A_251 = tpu.memref_slice %arg4[%add3A_239, %dma_start3A_250] : memref<3276800x64xf32, #tpu.memory_space<hbm>> -> memref<256x64xf32, #tpu.memory_space<hbm>>
      %dma_start3A_252 = arith.constant 0 : i32
      %dma_start3A_253 = tpu.memref_slice %arg4[%add3A_239, %dma_start3A_252] : memref<3276800x64xf32, #tpu.memory_space<hbm>> -> memref<256x64xf32, #tpu.memory_space<hbm>>
      tpu.enqueue_dma source(%arg8 : memref<256x64xf32, #tpu.memory_space<vmem>>) target(%dma_start3A_253 : memref<256x64xf32, #tpu.memory_space<hbm>>) target_semaphore(%arg10 : memref<!tpu.dma_semaphore, #tpu.memory_space<semaphore_mem>>)
      %add3A_254 = arith.constant 768 : i32
      %add3A_255 = arith.addi %multiple_of3A_110, %add3A_254 : i32
      %dma_wait3A_256 = arith.constant 0 : i32
      %dma_wait3A_257 = tpu.memref_slice %arg4[%add3A_255, %dma_wait3A_256] : memref<3276800x64xf32, #tpu.memory_space<hbm>> -> memref<256x64xf32, #tpu.memory_space<hbm>>
      %dma_wait3A_258 = arith.constant 0 : i32
      %dma_wait3A_259 = tpu.memref_slice %arg4[%add3A_255, %dma_wait3A_258] : memref<3276800x64xf32, #tpu.memory_space<hbm>> -> memref<256x64xf32, #tpu.memory_space<hbm>>
      tpu.wait_dma2 semaphore(%arg11 : memref<!tpu.dma_semaphore, #tpu.memory_space<semaphore_mem>>) src(%arg9 : memref<256x64xf32, #tpu.memory_space<vmem>>) dst(%dma_wait3A_259 : memref<256x64xf32, #tpu.memory_space<hbm>>)
      %scan3A_260 = arith.constant 0 : i32
      %scan3A_261 = arith.constant 0 : i32
      %scan3A_262 = arith.constant 256 : i32
      %scan3A_263 = arith.addi %scan3A_261, %scan3A_262 : i32
      %scan3A_264 = arith.constant 4 : i32
      scf.for %scan3A_440 = %scan3A_261 to %scan3A_263 step %scan3A_264  : i32 {
        %add3A_441 = arith.constant 768 : i32
        %add3A_442 = arith.addi %add3A_441, %scan3A_440 : i32
        %jit3A_443 = arith.constant 128 : i32
        %div3A_444 = arith.divsi %add3A_442, %jit3A_443 : i32
        %sign3A_445 = arith.constant 0 : i32
        %sign3A_446 = arith.cmpi sgt, %add3A_442, %sign3A_445 : i32
        %sign3A_447 = arith.extui %sign3A_446 : i1 to i32
        %sign3A_448 = arith.constant 0 : i32
        %sign3A_449 = arith.cmpi slt, %add3A_442, %sign3A_448 : i32
        %sign3A_450 = arith.extui %sign3A_449 : i1 to i32
        %sign3A_451 = arith.subi %sign3A_447, %sign3A_450 : i32
        %sign3A_452 = arith.constant 0 : i32
        %sign3A_453 = arith.cmpi sgt, %jit3A_443, %sign3A_452 : i32
        %sign3A_454 = arith.extui %sign3A_453 : i1 to i32
        %sign3A_455 = arith.constant 0 : i32
        %sign3A_456 = arith.cmpi slt, %jit3A_443, %sign3A_455 : i32
        %sign3A_457 = arith.extui %sign3A_456 : i1 to i32
        %sign3A_458 = arith.subi %sign3A_454, %sign3A_457 : i32
        %ne3A_459 = arith.cmpi ne, %sign3A_451, %sign3A_458 : i32
        %rem3A_460 = arith.remsi %add3A_442, %jit3A_443 : i32
        %ne3A_461 = arith.constant 0 : i32
        %ne3A_462 = arith.cmpi ne, %rem3A_460, %ne3A_461 : i32
        %and3A_463 = arith.andi %ne3A_459, %ne3A_462 : i1
        %sub3A_464 = arith.constant 1 : i32
        %sub3A_465 = arith.subi %div3A_444, %sub3A_464 : i32
        %select_n3A_466 = arith.select %and3A_463, %sub3A_465, %div3A_444 : i32
        %broadcast_in_dim3A = vector.broadcast %select_n3A_466 : i32 to vector<16xi32>
        %jit3A_467 = arith.constant 128 : i32
        %eq3A_468 = arith.constant 0 : i32
        %eq3A_469 = arith.cmpi eq, %jit3A_467, %eq3A_468 : i32
        %jit3A_470 = arith.constant 1 : i32
        %select_n3A_471 = arith.select %eq3A_469, %jit3A_470, %jit3A_467 : i32
        %rem3A_472 = arith.remsi %add3A_442, %select_n3A_471 : i32
        %ne3A_473 = arith.constant 0 : i32
        %ne3A_474 = arith.cmpi ne, %rem3A_472, %ne3A_473 : i32
        %lt3A_475 = arith.constant 0 : i32
        %lt3A_476 = arith.cmpi slt, %rem3A_472, %lt3A_475 : i32
        %lt3A_477 = arith.constant 0 : i32
        %lt3A_478 = arith.cmpi slt, %select_n3A_471, %lt3A_477 : i32
        %ne3A_479 = arith.xori %lt3A_476, %lt3A_478 : i1
        %and3A_480 = arith.andi %ne3A_479, %ne3A_474 : i1
        %add3A_481 = arith.addi %rem3A_472, %select_n3A_471 : i32
        %select_n3A_482 = arith.select %and3A_480, %add3A_481, %rem3A_472 : i32
        %broadcast_in_dim3A_483 = vector.broadcast %select_n3A_482 : i32 to vector<16xi32>
        %gather3A = tpu.vector_load_idx %arg5[%broadcast_in_dim3A, %broadcast_in_dim3A_483] : memref<8x128xi32, #tpu.memory_space<vmem>>[vector<16xi32>, vector<16xi32>], vector<16xi32>,
        %ne3A_484 = arith.constant 0 : i32
        %ne3A_485 = vector.broadcast %ne3A_484 : i32 to vector<16xi32>
        %ne3A_486 = arith.cmpi ne, %gather3A, %ne3A_485 : vector<16xi32>
        %select_n3A_487 = arith.select %ne3A_486, %get3A_21, %get3A_5 : vector<16xi1>, vector<16xf32>
        %swap3A = arith.index_cast %scan3A_440 : i32 to index
        %swap3A_488 = arith.constant 0 : index
        %swap3A_489 = tpu.vector_load %arg9[%swap3A, %swap3A_488] {strides = array<i32>} : memref<256x64xf32, #tpu.memory_space<vmem>>, vector<16xf32>,
        tpu.vector_store %arg9[%swap3A, %swap3A_488], %select_n3A_487 {strides = array<i32>} : memref<256x64xf32, #tpu.memory_space<vmem>>, vector<16xf32>,
        %select_n3A_490 = arith.select %ne3A_486, %get3A_25, %get3A_9 : vector<16xi1>, vector<16xf32>
        %swap3A_491 = arith.index_cast %scan3A_440 : i32 to index
        %swap3A_492 = arith.constant 16 : index
        %swap3A_493 = tpu.vector_load %arg9[%swap3A_491, %swap3A_492] {strides = array<i32>} : memref<256x64xf32, #tpu.memory_space<vmem>>, vector<16xf32>,
        tpu.vector_store %arg9[%swap3A_491, %swap3A_492], %select_n3A_490 {strides = array<i32>} : memref<256x64xf32, #tpu.memory_space<vmem>>, vector<16xf32>,
        %select_n3A_494 = arith.select %ne3A_486, %get3A_29, %get3A_13 : vector<16xi1>, vector<16xf32>
        %swap3A_495 = arith.index_cast %scan3A_440 : i32 to index
        %swap3A_496 = arith.constant 32 : index
        %swap3A_497 = tpu.vector_load %arg9[%swap3A_495, %swap3A_496] {strides = array<i32>} : memref<256x64xf32, #tpu.memory_space<vmem>>, vector<16xf32>,
        tpu.vector_store %arg9[%swap3A_495, %swap3A_496], %select_n3A_494 {strides = array<i32>} : memref<256x64xf32, #tpu.memory_space<vmem>>, vector<16xf32>,
        %select_n3A_498 = arith.select %ne3A_486, %get3A_33, %get3A_17 : vector<16xi1>, vector<16xf32>
        %swap3A_499 = arith.index_cast %scan3A_440 : i32 to index
        %swap3A_500 = arith.constant 48 : index
        %swap3A_501 = tpu.vector_load %arg9[%swap3A_499, %swap3A_500] {strides = array<i32>} : memref<256x64xf32, #tpu.memory_space<vmem>>, vector<16xf32>,
        tpu.vector_store %arg9[%swap3A_499, %swap3A_500], %select_n3A_498 {strides = array<i32>} : memref<256x64xf32, #tpu.memory_space<vmem>>, vector<16xf32>,
        %scan3A_502 = arith.constant 1 : i32
        %scan3A_503 = arith.addi %scan3A_440, %scan3A_502 : i32
        %add3A_504 = arith.constant 768 : i32
        %add3A_505 = arith.addi %add3A_504, %scan3A_503 : i32
        %jit3A_506 = arith.constant 128 : i32
        %div3A_507 = arith.divsi %add3A_505, %jit3A_506 : i32
        %sign3A_508 = arith.constant 0 : i32
        %sign3A_509 = arith.cmpi sgt, %add3A_505, %sign3A_508 : i32
        %sign3A_510 = arith.extui %sign3A_509 : i1 to i32
        %sign3A_511 = arith.constant 0 : i32
        %sign3A_512 = arith.cmpi slt, %add3A_505, %sign3A_511 : i32
        %sign3A_513 = arith.extui %sign3A_512 : i1 to i32
        %sign3A_514 = arith.subi %sign3A_510, %sign3A_513 : i32
        %sign3A_515 = arith.constant 0 : i32
        %sign3A_516 = arith.cmpi sgt, %jit3A_506, %sign3A_515 : i32
        %sign3A_517 = arith.extui %sign3A_516 : i1 to i32
        %sign3A_518 = arith.constant 0 : i32
        %sign3A_519 = arith.cmpi slt, %jit3A_506, %sign3A_518 : i32
        %sign3A_520 = arith.extui %sign3A_519 : i1 to i32
        %sign3A_521 = arith.subi %sign3A_517, %sign3A_520 : i32
        %ne3A_522 = arith.cmpi ne, %sign3A_514, %sign3A_521 : i32
        %rem3A_523 = arith.remsi %add3A_505, %jit3A_506 : i32
        %ne3A_524 = arith.constant 0 : i32
        %ne3A_525 = arith.cmpi ne, %rem3A_523, %ne3A_524 : i32
        %and3A_526 = arith.andi %ne3A_522, %ne3A_525 : i1
        %sub3A_527 = arith.constant 1 : i32
        %sub3A_528 = arith.subi %div3A_507, %sub3A_527 : i32
        %select_n3A_529 = arith.select %and3A_526, %sub3A_528, %div3A_507 : i32
        %broadcast_in_dim3A_530 = vector.broadcast %select_n3A_529 : i32 to vector<16xi32>
        %jit3A_531 = arith.constant 128 : i32
        %eq3A_532 = arith.constant 0 : i32
        %eq3A_533 = arith.cmpi eq, %jit3A_531, %eq3A_532 : i32
        %jit3A_534 = arith.constant 1 : i32
        %select_n3A_535 = arith.select %eq3A_533, %jit3A_534, %jit3A_531 : i32
        %rem3A_536 = arith.remsi %add3A_505, %select_n3A_535 : i32
        %ne3A_537 = arith.constant 0 : i32
        %ne3A_538 = arith.cmpi ne, %rem3A_536, %ne3A_537 : i32
        %lt3A_539 = arith.constant 0 : i32
        %lt3A_540 = arith.cmpi slt, %rem3A_536, %lt3A_539 : i32
        %lt3A_541 = arith.constant 0 : i32
        %lt3A_542 = arith.cmpi slt, %select_n3A_535, %lt3A_541 : i32
        %ne3A_543 = arith.xori %lt3A_540, %lt3A_542 : i1
        %and3A_544 = arith.andi %ne3A_543, %ne3A_538 : i1
        %add3A_545 = arith.addi %rem3A_536, %select_n3A_535 : i32
        %select_n3A_546 = arith.select %and3A_544, %add3A_545, %rem3A_536 : i32
        %broadcast_in_dim3A_547 = vector.broadcast %select_n3A_546 : i32 to vector<16xi32>
        %gather3A_548 = tpu.vector_load_idx %arg5[%broadcast_in_dim3A_530, %broadcast_in_dim3A_547] : memref<8x128xi32, #tpu.memory_space<vmem>>[vector<16xi32>, vector<16xi32>], vector<16xi32>,
        %ne3A_549 = arith.constant 0 : i32
        %ne3A_550 = vector.broadcast %ne3A_549 : i32 to vector<16xi32>
        %ne3A_551 = arith.cmpi ne, %gather3A_548, %ne3A_550 : vector<16xi32>
        %select_n3A_552 = arith.select %ne3A_551, %get3A_21, %get3A_5 : vector<16xi1>, vector<16xf32>
        %swap3A_553 = arith.index_cast %scan3A_503 : i32 to index
        %swap3A_554 = arith.constant 0 : index
        %swap3A_555 = tpu.vector_load %arg9[%swap3A_553, %swap3A_554] {strides = array<i32>} : memref<256x64xf32, #tpu.memory_space<vmem>>, vector<16xf32>,
        tpu.vector_store %arg9[%swap3A_553, %swap3A_554], %select_n3A_552 {strides = array<i32>} : memref<256x64xf32, #tpu.memory_space<vmem>>, vector<16xf32>,
        %select_n3A_556 = arith.select %ne3A_551, %get3A_25, %get3A_9 : vector<16xi1>, vector<16xf32>
        %swap3A_557 = arith.index_cast %scan3A_503 : i32 to index
        %swap3A_558 = arith.constant 16 : index
        %swap3A_559 = tpu.vector_load %arg9[%swap3A_557, %swap3A_558] {strides = array<i32>} : memref<256x64xf32, #tpu.memory_space<vmem>>, vector<16xf32>,
        tpu.vector_store %arg9[%swap3A_557, %swap3A_558], %select_n3A_556 {strides = array<i32>} : memref<256x64xf32, #tpu.memory_space<vmem>>, vector<16xf32>,
        %select_n3A_560 = arith.select %ne3A_551, %get3A_29, %get3A_13 : vector<16xi1>, vector<16xf32>
        %swap3A_561 = arith.index_cast %scan3A_503 : i32 to index
        %swap3A_562 = arith.constant 32 : index
        %swap3A_563 = tpu.vector_load %arg9[%swap3A_561, %swap3A_562] {strides = array<i32>} : memref<256x64xf32, #tpu.memory_space<vmem>>, vector<16xf32>,
        tpu.vector_store %arg9[%swap3A_561, %swap3A_562], %select_n3A_560 {strides = array<i32>} : memref<256x64xf32, #tpu.memory_space<vmem>>, vector<16xf32>,
        %select_n3A_564 = arith.select %ne3A_551, %get3A_33, %get3A_17 : vector<16xi1>, vector<16xf32>
        %swap3A_565 = arith.index_cast %scan3A_503 : i32 to index
        %swap3A_566 = arith.constant 48 : index
        %swap3A_567 = tpu.vector_load %arg9[%swap3A_565, %swap3A_566] {strides = array<i32>} : memref<256x64xf32, #tpu.memory_space<vmem>>, vector<16xf32>,
        tpu.vector_store %arg9[%swap3A_565, %swap3A_566], %select_n3A_564 {strides = array<i32>} : memref<256x64xf32, #tpu.memory_space<vmem>>, vector<16xf32>,
        %scan3A_568 = arith.constant 2 : i32
        %scan3A_569 = arith.addi %scan3A_440, %scan3A_568 : i32
        %add3A_570 = arith.constant 768 : i32
        %add3A_571 = arith.addi %add3A_570, %scan3A_569 : i32
        %jit3A_572 = arith.constant 128 : i32
        %div3A_573 = arith.divsi %add3A_571, %jit3A_572 : i32
        %sign3A_574 = arith.constant 0 : i32
        %sign3A_575 = arith.cmpi sgt, %add3A_571, %sign3A_574 : i32
        %sign3A_576 = arith.extui %sign3A_575 : i1 to i32
        %sign3A_577 = arith.constant 0 : i32
        %sign3A_578 = arith.cmpi slt, %add3A_571, %sign3A_577 : i32
        %sign3A_579 = arith.extui %sign3A_578 : i1 to i32
        %sign3A_580 = arith.subi %sign3A_576, %sign3A_579 : i32
        %sign3A_581 = arith.constant 0 : i32
        %sign3A_582 = arith.cmpi sgt, %jit3A_572, %sign3A_581 : i32
        %sign3A_583 = arith.extui %sign3A_582 : i1 to i32
        %sign3A_584 = arith.constant 0 : i32
        %sign3A_585 = arith.cmpi slt, %jit3A_572, %sign3A_584 : i32
        %sign3A_586 = arith.extui %sign3A_585 : i1 to i32
        %sign3A_587 = arith.subi %sign3A_583, %sign3A_586 : i32
        %ne3A_588 = arith.cmpi ne, %sign3A_580, %sign3A_587 : i32
        %rem3A_589 = arith.remsi %add3A_571, %jit3A_572 : i32
        %ne3A_590 = arith.constant 0 : i32
        %ne3A_591 = arith.cmpi ne, %rem3A_589, %ne3A_590 : i32
        %and3A_592 = arith.andi %ne3A_588, %ne3A_591 : i1
        %sub3A_593 = arith.constant 1 : i32
        %sub3A_594 = arith.subi %div3A_573, %sub3A_593 : i32
        %select_n3A_595 = arith.select %and3A_592, %sub3A_594, %div3A_573 : i32
        %broadcast_in_dim3A_596 = vector.broadcast %select_n3A_595 : i32 to vector<16xi32>
        %jit3A_597 = arith.constant 128 : i32
        %eq3A_598 = arith.constant 0 : i32
        %eq3A_599 = arith.cmpi eq, %jit3A_597, %eq3A_598 : i32
        %jit3A_600 = arith.constant 1 : i32
        %select_n3A_601 = arith.select %eq3A_599, %jit3A_600, %jit3A_597 : i32
        %rem3A_602 = arith.remsi %add3A_571, %select_n3A_601 : i32
        %ne3A_603 = arith.constant 0 : i32
        %ne3A_604 = arith.cmpi ne, %rem3A_602, %ne3A_603 : i32
        %lt3A_605 = arith.constant 0 : i32
        %lt3A_606 = arith.cmpi slt, %rem3A_602, %lt3A_605 : i32
        %lt3A_607 = arith.constant 0 : i32
        %lt3A_608 = arith.cmpi slt, %select_n3A_601, %lt3A_607 : i32
        %ne3A_609 = arith.xori %lt3A_606, %lt3A_608 : i1
        %and3A_610 = arith.andi %ne3A_609, %ne3A_604 : i1
        %add3A_611 = arith.addi %rem3A_602, %select_n3A_601 : i32
        %select_n3A_612 = arith.select %and3A_610, %add3A_611, %rem3A_602 : i32
        %broadcast_in_dim3A_613 = vector.broadcast %select_n3A_612 : i32 to vector<16xi32>
        %gather3A_614 = tpu.vector_load_idx %arg5[%broadcast_in_dim3A_596, %broadcast_in_dim3A_613] : memref<8x128xi32, #tpu.memory_space<vmem>>[vector<16xi32>, vector<16xi32>], vector<16xi32>,
        %ne3A_615 = arith.constant 0 : i32
        %ne3A_616 = vector.broadcast %ne3A_615 : i32 to vector<16xi32>
        %ne3A_617 = arith.cmpi ne, %gather3A_614, %ne3A_616 : vector<16xi32>
        %select_n3A_618 = arith.select %ne3A_617, %get3A_21, %get3A_5 : vector<16xi1>, vector<16xf32>
        %swap3A_619 = arith.index_cast %scan3A_569 : i32 to index
        %swap3A_620 = arith.constant 0 : index
        %swap3A_621 = tpu.vector_load %arg9[%swap3A_619, %swap3A_620] {strides = array<i32>} : memref<256x64xf32, #tpu.memory_space<vmem>>, vector<16xf32>,
        tpu.vector_store %arg9[%swap3A_619, %swap3A_620], %select_n3A_618 {strides = array<i32>} : memref<256x64xf32, #tpu.memory_space<vmem>>, vector<16xf32>,
        %select_n3A_622 = arith.select %ne3A_617, %get3A_25, %get3A_9 : vector<16xi1>, vector<16xf32>
        %swap3A_623 = arith.index_cast %scan3A_569 : i32 to index
        %swap3A_624 = arith.constant 16 : index
        %swap3A_625 = tpu.vector_load %arg9[%swap3A_623, %swap3A_624] {strides = array<i32>} : memref<256x64xf32, #tpu.memory_space<vmem>>, vector<16xf32>,
        tpu.vector_store %arg9[%swap3A_623, %swap3A_624], %select_n3A_622 {strides = array<i32>} : memref<256x64xf32, #tpu.memory_space<vmem>>, vector<16xf32>,
        %select_n3A_626 = arith.select %ne3A_617, %get3A_29, %get3A_13 : vector<16xi1>, vector<16xf32>
        %swap3A_627 = arith.index_cast %scan3A_569 : i32 to index
        %swap3A_628 = arith.constant 32 : index
        %swap3A_629 = tpu.vector_load %arg9[%swap3A_627, %swap3A_628] {strides = array<i32>} : memref<256x64xf32, #tpu.memory_space<vmem>>, vector<16xf32>,
        tpu.vector_store %arg9[%swap3A_627, %swap3A_628], %select_n3A_626 {strides = array<i32>} : memref<256x64xf32, #tpu.memory_space<vmem>>, vector<16xf32>,
        %select_n3A_630 = arith.select %ne3A_617, %get3A_33, %get3A_17 : vector<16xi1>, vector<16xf32>
        %swap3A_631 = arith.index_cast %scan3A_569 : i32 to index
        %swap3A_632 = arith.constant 48 : index
        %swap3A_633 = tpu.vector_load %arg9[%swap3A_631, %swap3A_632] {strides = array<i32>} : memref<256x64xf32, #tpu.memory_space<vmem>>, vector<16xf32>,
        tpu.vector_store %arg9[%swap3A_631, %swap3A_632], %select_n3A_630 {strides = array<i32>} : memref<256x64xf32, #tpu.memory_space<vmem>>, vector<16xf32>,
        %scan3A_634 = arith.constant 3 : i32
        %scan3A_635 = arith.addi %scan3A_440, %scan3A_634 : i32
        %add3A_636 = arith.constant 768 : i32
        %add3A_637 = arith.addi %add3A_636, %scan3A_635 : i32
        %jit3A_638 = arith.constant 128 : i32
        %div3A_639 = arith.divsi %add3A_637, %jit3A_638 : i32
        %sign3A_640 = arith.constant 0 : i32
        %sign3A_641 = arith.cmpi sgt, %add3A_637, %sign3A_640 : i32
        %sign3A_642 = arith.extui %sign3A_641 : i1 to i32
        %sign3A_643 = arith.constant 0 : i32
        %sign3A_644 = arith.cmpi slt, %add3A_637, %sign3A_643 : i32
        %sign3A_645 = arith.extui %sign3A_644 : i1 to i32
        %sign3A_646 = arith.subi %sign3A_642, %sign3A_645 : i32
        %sign3A_647 = arith.constant 0 : i32
        %sign3A_648 = arith.cmpi sgt, %jit3A_638, %sign3A_647 : i32
        %sign3A_649 = arith.extui %sign3A_648 : i1 to i32
        %sign3A_650 = arith.constant 0 : i32
        %sign3A_651 = arith.cmpi slt, %jit3A_638, %sign3A_650 : i32
        %sign3A_652 = arith.extui %sign3A_651 : i1 to i32
        %sign3A_653 = arith.subi %sign3A_649, %sign3A_652 : i32
        %ne3A_654 = arith.cmpi ne, %sign3A_646, %sign3A_653 : i32
        %rem3A_655 = arith.remsi %add3A_637, %jit3A_638 : i32
        %ne3A_656 = arith.constant 0 : i32
        %ne3A_657 = arith.cmpi ne, %rem3A_655, %ne3A_656 : i32
        %and3A_658 = arith.andi %ne3A_654, %ne3A_657 : i1
        %sub3A_659 = arith.constant 1 : i32
        %sub3A_660 = arith.subi %div3A_639, %sub3A_659 : i32
        %select_n3A_661 = arith.select %and3A_658, %sub3A_660, %div3A_639 : i32
        %broadcast_in_dim3A_662 = vector.broadcast %select_n3A_661 : i32 to vector<16xi32>
        %jit3A_663 = arith.constant 128 : i32
        %eq3A_664 = arith.constant 0 : i32
        %eq3A_665 = arith.cmpi eq, %jit3A_663, %eq3A_664 : i32
        %jit3A_666 = arith.constant 1 : i32
        %select_n3A_667 = arith.select %eq3A_665, %jit3A_666, %jit3A_663 : i32
        %rem3A_668 = arith.remsi %add3A_637, %select_n3A_667 : i32
        %ne3A_669 = arith.constant 0 : i32
        %ne3A_670 = arith.cmpi ne, %rem3A_668, %ne3A_669 : i32
        %lt3A_671 = arith.constant 0 : i32
        %lt3A_672 = arith.cmpi slt, %rem3A_668, %lt3A_671 : i32
        %lt3A_673 = arith.constant 0 : i32
        %lt3A_674 = arith.cmpi slt, %select_n3A_667, %lt3A_673 : i32
        %ne3A_675 = arith.xori %lt3A_672, %lt3A_674 : i1
        %and3A_676 = arith.andi %ne3A_675, %ne3A_670 : i1
        %add3A_677 = arith.addi %rem3A_668, %select_n3A_667 : i32
        %select_n3A_678 = arith.select %and3A_676, %add3A_677, %rem3A_668 : i32
        %broadcast_in_dim3A_679 = vector.broadcast %select_n3A_678 : i32 to vector<16xi32>
        %gather3A_680 = tpu.vector_load_idx %arg5[%broadcast_in_dim3A_662, %broadcast_in_dim3A_679] : memref<8x128xi32, #tpu.memory_space<vmem>>[vector<16xi32>, vector<16xi32>], vector<16xi32>,
        %ne3A_681 = arith.constant 0 : i32
        %ne3A_682 = vector.broadcast %ne3A_681 : i32 to vector<16xi32>
        %ne3A_683 = arith.cmpi ne, %gather3A_680, %ne3A_682 : vector<16xi32>
        %select_n3A_684 = arith.select %ne3A_683, %get3A_21, %get3A_5 : vector<16xi1>, vector<16xf32>
        %swap3A_685 = arith.index_cast %scan3A_635 : i32 to index
        %swap3A_686 = arith.constant 0 : index
        %swap3A_687 = tpu.vector_load %arg9[%swap3A_685, %swap3A_686] {strides = array<i32>} : memref<256x64xf32, #tpu.memory_space<vmem>>, vector<16xf32>,
        tpu.vector_store %arg9[%swap3A_685, %swap3A_686], %select_n3A_684 {strides = array<i32>} : memref<256x64xf32, #tpu.memory_space<vmem>>, vector<16xf32>,
        %select_n3A_688 = arith.select %ne3A_683, %get3A_25, %get3A_9 : vector<16xi1>, vector<16xf32>
        %swap3A_689 = arith.index_cast %scan3A_635 : i32 to index
        %swap3A_690 = arith.constant 16 : index
        %swap3A_691 = tpu.vector_load %arg9[%swap3A_689, %swap3A_690] {strides = array<i32>} : memref<256x64xf32, #tpu.memory_space<vmem>>, vector<16xf32>,
        tpu.vector_store %arg9[%swap3A_689, %swap3A_690], %select_n3A_688 {strides = array<i32>} : memref<256x64xf32, #tpu.memory_space<vmem>>, vector<16xf32>,
        %select_n3A_692 = arith.select %ne3A_683, %get3A_29, %get3A_13 : vector<16xi1>, vector<16xf32>
        %swap3A_693 = arith.index_cast %scan3A_635 : i32 to index
        %swap3A_694 = arith.constant 32 : index
        %swap3A_695 = tpu.vector_load %arg9[%swap3A_693, %swap3A_694] {strides = array<i32>} : memref<256x64xf32, #tpu.memory_space<vmem>>, vector<16xf32>,
        tpu.vector_store %arg9[%swap3A_693, %swap3A_694], %select_n3A_692 {strides = array<i32>} : memref<256x64xf32, #tpu.memory_space<vmem>>, vector<16xf32>,
        %select_n3A_696 = arith.select %ne3A_683, %get3A_33, %get3A_17 : vector<16xi1>, vector<16xf32>
        %swap3A_697 = arith.index_cast %scan3A_635 : i32 to index
        %swap3A_698 = arith.constant 48 : index
        %swap3A_699 = tpu.vector_load %arg9[%swap3A_697, %swap3A_698] {strides = array<i32>} : memref<256x64xf32, #tpu.memory_space<vmem>>, vector<16xf32>,
        tpu.vector_store %arg9[%swap3A_697, %swap3A_698], %select_n3A_696 {strides = array<i32>} : memref<256x64xf32, #tpu.memory_space<vmem>>, vector<16xf32>,
      }
      %scan3A_265 = arith.constant 256 : i32
      %dma_start3A_266 = arith.constant 0 : i32
      %dma_start3A_267 = tpu.memref_slice %arg4[%add3A_255, %dma_start3A_266] : memref<3276800x64xf32, #tpu.memory_space<hbm>> -> memref<256x64xf32, #tpu.memory_space<hbm>>
      %dma_start3A_268 = arith.constant 0 : i32
      %dma_start3A_269 = tpu.memref_slice %arg4[%add3A_255, %dma_start3A_268] : memref<3276800x64xf32, #tpu.memory_space<hbm>> -> memref<256x64xf32, #tpu.memory_space<hbm>>
      tpu.enqueue_dma source(%arg9 : memref<256x64xf32, #tpu.memory_space<vmem>>) target(%dma_start3A_269 : memref<256x64xf32, #tpu.memory_space<hbm>>) target_semaphore(%arg11 : memref<!tpu.dma_semaphore, #tpu.memory_space<semaphore_mem>>)
      %mul3A_270 = arith.constant 2 : i32
      %mul3A_271 = arith.muli %mul3A_270, %scan3A_102 : i32
      %add3A_272 = arith.constant 1 : i32
      %add3A_273 = arith.addi %mul3A_271, %add3A_272 : i32
      %mul3A_274 = arith.constant 1024 : i32
      %mul3A_275 = arith.muli %add3A_273, %mul3A_274 : i32
      %add3A_276 = arith.addi %mul3A_2, %mul3A_275 : i32
      %multiple_of3A_277 = tpu.assume_multiple %add3A_276, 1024 : i32
      %jit3A_278 = arith.constant 100 : i32
      %eq3A_279 = arith.constant 0 : i32
      %eq3A_280 = arith.cmpi eq, %jit3A_278, %eq3A_279 : i32
      %jit3A_281 = arith.constant 1 : i32
      %select_n3A_282 = arith.select %eq3A_280, %jit3A_281, %jit3A_278 : i32
      %rem3A_283 = arith.remsi %add3A_273, %select_n3A_282 : i32
      %ne3A_284 = arith.constant 0 : i32
      %ne3A_285 = arith.cmpi ne, %rem3A_283, %ne3A_284 : i32
      %lt3A_286 = arith.constant 0 : i32
      %lt3A_287 = arith.cmpi slt, %rem3A_283, %lt3A_286 : i32
      %lt3A_288 = arith.constant 0 : i32
      %lt3A_289 = arith.cmpi slt, %select_n3A_282, %lt3A_288 : i32
      %ne3A_290 = arith.xori %lt3A_287, %lt3A_289 : i1
      %and3A_291 = arith.andi %ne3A_290, %ne3A_285 : i1
      %add3A_292 = arith.addi %rem3A_283, %select_n3A_282 : i32
      %select_n3A_293 = arith.select %and3A_291, %add3A_292, %rem3A_283 : i32
      %mul3A_294 = arith.constant 1024 : i32
      %mul3A_295 = arith.muli %select_n3A_293, %mul3A_294 : i32
      %add3A_296 = arith.addi %mul3A_2, %mul3A_295 : i32
      %jit3A_297 = arith.constant 128 : i32
      %div3A_298 = arith.divsi %add3A_296, %jit3A_297 : i32
      %sign3A_299 = arith.constant 0 : i32
      %sign3A_300 = arith.cmpi sgt, %add3A_296, %sign3A_299 : i32
      %sign3A_301 = arith.extui %sign3A_300 : i1 to i32
      %sign3A_302 = arith.constant 0 : i32
      %sign3A_303 = arith.cmpi slt, %add3A_296, %sign3A_302 : i32
      %sign3A_304 = arith.extui %sign3A_303 : i1 to i32
      %sign3A_305 = arith.subi %sign3A_301, %sign3A_304 : i32
      %sign3A_306 = arith.constant 0 : i32
      %sign3A_307 = arith.cmpi sgt, %jit3A_297, %sign3A_306 : i32
      %sign3A_308 = arith.extui %sign3A_307 : i1 to i32
      %sign3A_309 = arith.constant 0 : i32
      %sign3A_310 = arith.cmpi slt, %jit3A_297, %sign3A_309 : i32
      %sign3A_311 = arith.extui %sign3A_310 : i1 to i32
      %sign3A_312 = arith.subi %sign3A_308, %sign3A_311 : i32
      %ne3A_313 = arith.cmpi ne, %sign3A_305, %sign3A_312 : i32
      %rem3A_314 = arith.remsi %add3A_296, %jit3A_297 : i32
      %ne3A_315 = arith.constant 0 : i32
      %ne3A_316 = arith.cmpi ne, %rem3A_314, %ne3A_315 : i32
      %and3A_317 = arith.andi %ne3A_313, %ne3A_316 : i1
      %sub3A_318 = arith.constant 1 : i32
      %sub3A_319 = arith.subi %div3A_298, %sub3A_318 : i32
      %select_n3A_320 = arith.select %and3A_317, %sub3A_319, %div3A_298 : i32
      %multiple_of3A_321 = tpu.assume_multiple %select_n3A_320, 8 : i32
      %dma_wait3A_322 = arith.constant 0 : i32
      %dma_wait3A_323 = tpu.memref_slice %arg2[%multiple_of3A_321, %dma_wait3A_322] : memref<25600x128xi32, #tpu.memory_space<hbm>> -> memref<8x128xi32, #tpu.memory_space<hbm>>
      %dma_wait3A_324 = arith.constant 0 : i32
      %dma_wait3A_325 = tpu.memref_slice %arg2[%multiple_of3A_321, %dma_wait3A_324] : memref<25600x128xi32, #tpu.memory_space<hbm>> -> memref<8x128xi32, #tpu.memory_space<hbm>>
      tpu.wait_dma2 semaphore(%arg13 : memref<!tpu.dma_semaphore, #tpu.memory_space<semaphore_mem>>) src(%dma_wait3A_325 : memref<8x128xi32, #tpu.memory_space<hbm>>) dst(%arg6 : memref<8x128xi32, #tpu.memory_space<vmem>>)
      %add3A_326 = arith.constant 1 : i32
      %add3A_327 = arith.addi %add3A_273, %add3A_326 : i32
      %jit3A_328 = arith.constant 100 : i32
      %eq3A_329 = arith.constant 0 : i32
      %eq3A_330 = arith.cmpi eq, %jit3A_328, %eq3A_329 : i32
      %jit3A_331 = arith.constant 1 : i32
      %select_n3A_332 = arith.select %eq3A_330, %jit3A_331, %jit3A_328 : i32
      %rem3A_333 = arith.remsi %add3A_327, %select_n3A_332 : i32
      %ne3A_334 = arith.constant 0 : i32
      %ne3A_335 = arith.cmpi ne, %rem3A_333, %ne3A_334 : i32
      %lt3A_336 = arith.constant 0 : i32
      %lt3A_337 = arith.cmpi slt, %rem3A_333, %lt3A_336 : i32
      %lt3A_338 = arith.constant 0 : i32
      %lt3A_339 = arith.cmpi slt, %select_n3A_332, %lt3A_338 : i32
      %ne3A_340 = arith.xori %lt3A_337, %lt3A_339 : i1
      %and3A_341 = arith.andi %ne3A_340, %ne3A_335 : i1
      %add3A_342 = arith.addi %rem3A_333, %select_n3A_332 : i32
      %select_n3A_343 = arith.select %and3A_341, %add3A_342, %rem3A_333 : i32
      %mul3A_344 = arith.constant 1024 : i32
      %mul3A_345 = arith.muli %select_n3A_343, %mul3A_344 : i32
      %add3A_346 = arith.addi %mul3A_2, %mul3A_345 : i32
      %jit3A_347 = arith.constant 128 : i32
      %div3A_348 = arith.divsi %add3A_346, %jit3A_347 : i32
      %sign3A_349 = arith.constant 0 : i32
      %sign3A_350 = arith.cmpi sgt, %add3A_346, %sign3A_349 : i32
      %sign3A_351 = arith.extui %sign3A_350 : i1 to i32
      %sign3A_352 = arith.constant 0 : i32
      %sign3A_353 = arith.cmpi slt, %add3A_346, %sign3A_352 : i32
      %sign3A_354 = arith.extui %sign3A_353 : i1 to i32
      %sign3A_355 = arith.subi %sign3A_351, %sign3A_354 : i32
      %sign3A_356 = arith.constant 0 : i32
      %sign3A_357 = arith.cmpi sgt, %jit3A_347, %sign3A_356 : i32
      %sign3A_358 = arith.extui %sign3A_357 : i1 to i32
      %sign3A_359 = arith.constant 0 : i32
      %sign3A_360 = arith.cmpi slt, %jit3A_347, %sign3A_359 : i32
      %sign3A_361 = arith.extui %sign3A_360 : i1 to i32
      %sign3A_362 = arith.subi %sign3A_358, %sign3A_361 : i32
      %ne3A_363 = arith.cmpi ne, %sign3A_355, %sign3A_362 : i32
      %rem3A_364 = arith.remsi %add3A_346, %jit3A_347 : i32
      %ne3A_365 = arith.constant 0 : i32
      %ne3A_366 = arith.cmpi ne, %rem3A_364, %ne3A_365 : i32
      %and3A_367 = arith.andi %ne3A_363, %ne3A_366 : i1
      %sub3A_368 = arith.constant 1 : i32
      %sub3A_369 = arith.subi %div3A_348, %sub3A_368 : i32
      %select_n3A_370 = arith.select %and3A_367, %sub3A_369, %div3A_348 : i32
      %multiple_of3A_371 = tpu.assume_multiple %select_n3A_370, 8 : i32
      %dma_start3A_372 = arith.constant 0 : i32
      %dma_start3A_373 = tpu.memref_slice %arg2[%multiple_of3A_371, %dma_start3A_372] : memref<25600x128xi32, #tpu.memory_space<hbm>> -> memref<8x128xi32, #tpu.memory_space<hbm>>
      %dma_start3A_374 = arith.constant 0 : i32
      %dma_start3A_375 = tpu.memref_slice %arg2[%multiple_of3A_371, %dma_start3A_374] : memref<25600x128xi32, #tpu.memory_space<hbm>> -> memref<8x128xi32, #tpu.memory_space<hbm>>
      tpu.enqueue_dma source(%dma_start3A_375 : memref<8x128xi32, #tpu.memory_space<hbm>>) target(%arg5 : memref<8x128xi32, #tpu.memory_space<vmem>>) target_semaphore(%arg12 : memref<!tpu.dma_semaphore, #tpu.memory_space<semaphore_mem>>)
      %add3A_376 = arith.constant 0 : i32
      %add3A_377 = arith.addi %multiple_of3A_277, %add3A_376 : i32
      %dma_wait3A_378 = arith.constant 0 : i32
      %dma_wait3A_379 = tpu.memref_slice %arg4[%add3A_377, %dma_wait3A_378] : memref<3276800x64xf32, #tpu.memory_space<hbm>> -> memref<256x64xf32, #tpu.memory_space<hbm>>
      %dma_wait3A_380 = arith.constant 0 : i32
      %dma_wait3A_381 = tpu.memref_slice %arg4[%add3A_377, %dma_wait3A_380] : memref<3276800x64xf32, #tpu.memory_space<hbm>> -> memref<256x64xf32, #tpu.memory_space<hbm>>
      tpu.wait_dma2 semaphore(%arg10 : memref<!tpu.dma_semaphore, #tpu.memory_space<semaphore_mem>>) src(%arg8 : memref<256x64xf32, #tpu.memory_space<vmem>>) dst(%dma_wait3A_381 : memref<256x64xf32, #tpu.memory_space<hbm>>)
      %scan3A_382 = arith.constant 0 : i32
      %scan3A_383 = arith.constant 0 : i32
      %scan3A_384 = arith.constant 256 : i32
      %scan3A_385 = arith.addi %scan3A_383, %scan3A_384 : i32
      %scan3A_386 = arith.constant 4 : i32
      scf.for %scan3A_440 = %scan3A_383 to %scan3A_385 step %scan3A_386  : i32 {
        %add3A_441 = arith.constant 0 : i32
        %add3A_442 = arith.addi %add3A_441, %scan3A_440 : i32
        %jit3A_443 = arith.constant 128 : i32
        %div3A_444 = arith.divsi %add3A_442, %jit3A_443 : i32
        %sign3A_445 = arith.constant 0 : i32
        %sign3A_446 = arith.cmpi sgt, %add3A_442, %sign3A_445 : i32
        %sign3A_447 = arith.extui %sign3A_446 : i1 to i32
        %sign3A_448 = arith.constant 0 : i32
        %sign3A_449 = arith.cmpi slt, %add3A_442, %sign3A_448 : i32
        %sign3A_450 = arith.extui %sign3A_449 : i1 to i32
        %sign3A_451 = arith.subi %sign3A_447, %sign3A_450 : i32
        %sign3A_452 = arith.constant 0 : i32
        %sign3A_453 = arith.cmpi sgt, %jit3A_443, %sign3A_452 : i32
        %sign3A_454 = arith.extui %sign3A_453 : i1 to i32
        %sign3A_455 = arith.constant 0 : i32
        %sign3A_456 = arith.cmpi slt, %jit3A_443, %sign3A_455 : i32
        %sign3A_457 = arith.extui %sign3A_456 : i1 to i32
        %sign3A_458 = arith.subi %sign3A_454, %sign3A_457 : i32
        %ne3A_459 = arith.cmpi ne, %sign3A_451, %sign3A_458 : i32
        %rem3A_460 = arith.remsi %add3A_442, %jit3A_443 : i32
        %ne3A_461 = arith.constant 0 : i32
        %ne3A_462 = arith.cmpi ne, %rem3A_460, %ne3A_461 : i32
        %and3A_463 = arith.andi %ne3A_459, %ne3A_462 : i1
        %sub3A_464 = arith.constant 1 : i32
        %sub3A_465 = arith.subi %div3A_444, %sub3A_464 : i32
        %select_n3A_466 = arith.select %and3A_463, %sub3A_465, %div3A_444 : i32
        %broadcast_in_dim3A = vector.broadcast %select_n3A_466 : i32 to vector<16xi32>
        %jit3A_467 = arith.constant 128 : i32
        %eq3A_468 = arith.constant 0 : i32
        %eq3A_469 = arith.cmpi eq, %jit3A_467, %eq3A_468 : i32
        %jit3A_470 = arith.constant 1 : i32
        %select_n3A_471 = arith.select %eq3A_469, %jit3A_470, %jit3A_467 : i32
        %rem3A_472 = arith.remsi %add3A_442, %select_n3A_471 : i32
        %ne3A_473 = arith.constant 0 : i32
        %ne3A_474 = arith.cmpi ne, %rem3A_472, %ne3A_473 : i32
        %lt3A_475 = arith.constant 0 : i32
        %lt3A_476 = arith.cmpi slt, %rem3A_472, %lt3A_475 : i32
        %lt3A_477 = arith.constant 0 : i32
        %lt3A_478 = arith.cmpi slt, %select_n3A_471, %lt3A_477 : i32
        %ne3A_479 = arith.xori %lt3A_476, %lt3A_478 : i1
        %and3A_480 = arith.andi %ne3A_479, %ne3A_474 : i1
        %add3A_481 = arith.addi %rem3A_472, %select_n3A_471 : i32
        %select_n3A_482 = arith.select %and3A_480, %add3A_481, %rem3A_472 : i32
        %broadcast_in_dim3A_483 = vector.broadcast %select_n3A_482 : i32 to vector<16xi32>
        %gather3A = tpu.vector_load_idx %arg6[%broadcast_in_dim3A, %broadcast_in_dim3A_483] : memref<8x128xi32, #tpu.memory_space<vmem>>[vector<16xi32>, vector<16xi32>], vector<16xi32>,
        %ne3A_484 = arith.constant 0 : i32
        %ne3A_485 = vector.broadcast %ne3A_484 : i32 to vector<16xi32>
        %ne3A_486 = arith.cmpi ne, %gather3A, %ne3A_485 : vector<16xi32>
        %select_n3A_487 = arith.select %ne3A_486, %get3A_21, %get3A_5 : vector<16xi1>, vector<16xf32>
        %swap3A = arith.index_cast %scan3A_440 : i32 to index
        %swap3A_488 = arith.constant 0 : index
        %swap3A_489 = tpu.vector_load %arg8[%swap3A, %swap3A_488] {strides = array<i32>} : memref<256x64xf32, #tpu.memory_space<vmem>>, vector<16xf32>,
        tpu.vector_store %arg8[%swap3A, %swap3A_488], %select_n3A_487 {strides = array<i32>} : memref<256x64xf32, #tpu.memory_space<vmem>>, vector<16xf32>,
        %select_n3A_490 = arith.select %ne3A_486, %get3A_25, %get3A_9 : vector<16xi1>, vector<16xf32>
        %swap3A_491 = arith.index_cast %scan3A_440 : i32 to index
        %swap3A_492 = arith.constant 16 : index
        %swap3A_493 = tpu.vector_load %arg8[%swap3A_491, %swap3A_492] {strides = array<i32>} : memref<256x64xf32, #tpu.memory_space<vmem>>, vector<16xf32>,
        tpu.vector_store %arg8[%swap3A_491, %swap3A_492], %select_n3A_490 {strides = array<i32>} : memref<256x64xf32, #tpu.memory_space<vmem>>, vector<16xf32>,
        %select_n3A_494 = arith.select %ne3A_486, %get3A_29, %get3A_13 : vector<16xi1>, vector<16xf32>
        %swap3A_495 = arith.index_cast %scan3A_440 : i32 to index
        %swap3A_496 = arith.constant 32 : index
        %swap3A_497 = tpu.vector_load %arg8[%swap3A_495, %swap3A_496] {strides = array<i32>} : memref<256x64xf32, #tpu.memory_space<vmem>>, vector<16xf32>,
        tpu.vector_store %arg8[%swap3A_495, %swap3A_496], %select_n3A_494 {strides = array<i32>} : memref<256x64xf32, #tpu.memory_space<vmem>>, vector<16xf32>,
        %select_n3A_498 = arith.select %ne3A_486, %get3A_33, %get3A_17 : vector<16xi1>, vector<16xf32>
        %swap3A_499 = arith.index_cast %scan3A_440 : i32 to index
        %swap3A_500 = arith.constant 48 : index
        %swap3A_501 = tpu.vector_load %arg8[%swap3A_499, %swap3A_500] {strides = array<i32>} : memref<256x64xf32, #tpu.memory_space<vmem>>, vector<16xf32>,
        tpu.vector_store %arg8[%swap3A_499, %swap3A_500], %select_n3A_498 {strides = array<i32>} : memref<256x64xf32, #tpu.memory_space<vmem>>, vector<16xf32>,
        %scan3A_502 = arith.constant 1 : i32
        %scan3A_503 = arith.addi %scan3A_440, %scan3A_502 : i32
        %add3A_504 = arith.constant 0 : i32
        %add3A_505 = arith.addi %add3A_504, %scan3A_503 : i32
        %jit3A_506 = arith.constant 128 : i32
        %div3A_507 = arith.divsi %add3A_505, %jit3A_506 : i32
        %sign3A_508 = arith.constant 0 : i32
        %sign3A_509 = arith.cmpi sgt, %add3A_505, %sign3A_508 : i32
        %sign3A_510 = arith.extui %sign3A_509 : i1 to i32
        %sign3A_511 = arith.constant 0 : i32
        %sign3A_512 = arith.cmpi slt, %add3A_505, %sign3A_511 : i32
        %sign3A_513 = arith.extui %sign3A_512 : i1 to i32
        %sign3A_514 = arith.subi %sign3A_510, %sign3A_513 : i32
        %sign3A_515 = arith.constant 0 : i32
        %sign3A_516 = arith.cmpi sgt, %jit3A_506, %sign3A_515 : i32
        %sign3A_517 = arith.extui %sign3A_516 : i1 to i32
        %sign3A_518 = arith.constant 0 : i32
        %sign3A_519 = arith.cmpi slt, %jit3A_506, %sign3A_518 : i32
        %sign3A_520 = arith.extui %sign3A_519 : i1 to i32
        %sign3A_521 = arith.subi %sign3A_517, %sign3A_520 : i32
        %ne3A_522 = arith.cmpi ne, %sign3A_514, %sign3A_521 : i32
        %rem3A_523 = arith.remsi %add3A_505, %jit3A_506 : i32
        %ne3A_524 = arith.constant 0 : i32
        %ne3A_525 = arith.cmpi ne, %rem3A_523, %ne3A_524 : i32
        %and3A_526 = arith.andi %ne3A_522, %ne3A_525 : i1
        %sub3A_527 = arith.constant 1 : i32
        %sub3A_528 = arith.subi %div3A_507, %sub3A_527 : i32
        %select_n3A_529 = arith.select %and3A_526, %sub3A_528, %div3A_507 : i32
        %broadcast_in_dim3A_530 = vector.broadcast %select_n3A_529 : i32 to vector<16xi32>
        %jit3A_531 = arith.constant 128 : i32
        %eq3A_532 = arith.constant 0 : i32
        %eq3A_533 = arith.cmpi eq, %jit3A_531, %eq3A_532 : i32
        %jit3A_534 = arith.constant 1 : i32
        %select_n3A_535 = arith.select %eq3A_533, %jit3A_534, %jit3A_531 : i32
        %rem3A_536 = arith.remsi %add3A_505, %select_n3A_535 : i32
        %ne3A_537 = arith.constant 0 : i32
        %ne3A_538 = arith.cmpi ne, %rem3A_536, %ne3A_537 : i32
        %lt3A_539 = arith.constant 0 : i32
        %lt3A_540 = arith.cmpi slt, %rem3A_536, %lt3A_539 : i32
        %lt3A_541 = arith.constant 0 : i32
        %lt3A_542 = arith.cmpi slt, %select_n3A_535, %lt3A_541 : i32
        %ne3A_543 = arith.xori %lt3A_540, %lt3A_542 : i1
        %and3A_544 = arith.andi %ne3A_543, %ne3A_538 : i1
        %add3A_545 = arith.addi %rem3A_536, %select_n3A_535 : i32
        %select_n3A_546 = arith.select %and3A_544, %add3A_545, %rem3A_536 : i32
        %broadcast_in_dim3A_547 = vector.broadcast %select_n3A_546 : i32 to vector<16xi32>
        %gather3A_548 = tpu.vector_load_idx %arg6[%broadcast_in_dim3A_530, %broadcast_in_dim3A_547] : memref<8x128xi32, #tpu.memory_space<vmem>>[vector<16xi32>, vector<16xi32>], vector<16xi32>,
        %ne3A_549 = arith.constant 0 : i32
        %ne3A_550 = vector.broadcast %ne3A_549 : i32 to vector<16xi32>
        %ne3A_551 = arith.cmpi ne, %gather3A_548, %ne3A_550 : vector<16xi32>
        %select_n3A_552 = arith.select %ne3A_551, %get3A_21, %get3A_5 : vector<16xi1>, vector<16xf32>
        %swap3A_553 = arith.index_cast %scan3A_503 : i32 to index
        %swap3A_554 = arith.constant 0 : index
        %swap3A_555 = tpu.vector_load %arg8[%swap3A_553, %swap3A_554] {strides = array<i32>} : memref<256x64xf32, #tpu.memory_space<vmem>>, vector<16xf32>,
        tpu.vector_store %arg8[%swap3A_553, %swap3A_554], %select_n3A_552 {strides = array<i32>} : memref<256x64xf32, #tpu.memory_space<vmem>>, vector<16xf32>,
        %select_n3A_556 = arith.select %ne3A_551, %get3A_25, %get3A_9 : vector<16xi1>, vector<16xf32>
        %swap3A_557 = arith.index_cast %scan3A_503 : i32 to index
        %swap3A_558 = arith.constant 16 : index
        %swap3A_559 = tpu.vector_load %arg8[%swap3A_557, %swap3A_558] {strides = array<i32>} : memref<256x64xf32, #tpu.memory_space<vmem>>, vector<16xf32>,
        tpu.vector_store %arg8[%swap3A_557, %swap3A_558], %select_n3A_556 {strides = array<i32>} : memref<256x64xf32, #tpu.memory_space<vmem>>, vector<16xf32>,
        %select_n3A_560 = arith.select %ne3A_551, %get3A_29, %get3A_13 : vector<16xi1>, vector<16xf32>
        %swap3A_561 = arith.index_cast %scan3A_503 : i32 to index
        %swap3A_562 = arith.constant 32 : index
        %swap3A_563 = tpu.vector_load %arg8[%swap3A_561, %swap3A_562] {strides = array<i32>} : memref<256x64xf32, #tpu.memory_space<vmem>>, vector<16xf32>,
        tpu.vector_store %arg8[%swap3A_561, %swap3A_562], %select_n3A_560 {strides = array<i32>} : memref<256x64xf32, #tpu.memory_space<vmem>>, vector<16xf32>,
        %select_n3A_564 = arith.select %ne3A_551, %get3A_33, %get3A_17 : vector<16xi1>, vector<16xf32>
        %swap3A_565 = arith.index_cast %scan3A_503 : i32 to index
        %swap3A_566 = arith.constant 48 : index
        %swap3A_567 = tpu.vector_load %arg8[%swap3A_565, %swap3A_566] {strides = array<i32>} : memref<256x64xf32, #tpu.memory_space<vmem>>, vector<16xf32>,
        tpu.vector_store %arg8[%swap3A_565, %swap3A_566], %select_n3A_564 {strides = array<i32>} : memref<256x64xf32, #tpu.memory_space<vmem>>, vector<16xf32>,
        %scan3A_568 = arith.constant 2 : i32
        %scan3A_569 = arith.addi %scan3A_440, %scan3A_568 : i32
        %add3A_570 = arith.constant 0 : i32
        %add3A_571 = arith.addi %add3A_570, %scan3A_569 : i32
        %jit3A_572 = arith.constant 128 : i32
        %div3A_573 = arith.divsi %add3A_571, %jit3A_572 : i32
        %sign3A_574 = arith.constant 0 : i32
        %sign3A_575 = arith.cmpi sgt, %add3A_571, %sign3A_574 : i32
        %sign3A_576 = arith.extui %sign3A_575 : i1 to i32
        %sign3A_577 = arith.constant 0 : i32
        %sign3A_578 = arith.cmpi slt, %add3A_571, %sign3A_577 : i32
        %sign3A_579 = arith.extui %sign3A_578 : i1 to i32
        %sign3A_580 = arith.subi %sign3A_576, %sign3A_579 : i32
        %sign3A_581 = arith.constant 0 : i32
        %sign3A_582 = arith.cmpi sgt, %jit3A_572, %sign3A_581 : i32
        %sign3A_583 = arith.extui %sign3A_582 : i1 to i32
        %sign3A_584 = arith.constant 0 : i32
        %sign3A_585 = arith.cmpi slt, %jit3A_572, %sign3A_584 : i32
        %sign3A_586 = arith.extui %sign3A_585 : i1 to i32
        %sign3A_587 = arith.subi %sign3A_583, %sign3A_586 : i32
        %ne3A_588 = arith.cmpi ne, %sign3A_580, %sign3A_587 : i32
        %rem3A_589 = arith.remsi %add3A_571, %jit3A_572 : i32
        %ne3A_590 = arith.constant 0 : i32
        %ne3A_591 = arith.cmpi ne, %rem3A_589, %ne3A_590 : i32
        %and3A_592 = arith.andi %ne3A_588, %ne3A_591 : i1
        %sub3A_593 = arith.constant 1 : i32
        %sub3A_594 = arith.subi %div3A_573, %sub3A_593 : i32
        %select_n3A_595 = arith.select %and3A_592, %sub3A_594, %div3A_573 : i32
        %broadcast_in_dim3A_596 = vector.broadcast %select_n3A_595 : i32 to vector<16xi32>
        %jit3A_597 = arith.constant 128 : i32
        %eq3A_598 = arith.constant 0 : i32
        %eq3A_599 = arith.cmpi eq, %jit3A_597, %eq3A_598 : i32
        %jit3A_600 = arith.constant 1 : i32
        %select_n3A_601 = arith.select %eq3A_599, %jit3A_600, %jit3A_597 : i32
        %rem3A_602 = arith.remsi %add3A_571, %select_n3A_601 : i32
        %ne3A_603 = arith.constant 0 : i32
        %ne3A_604 = arith.cmpi ne, %rem3A_602, %ne3A_603 : i32
        %lt3A_605 = arith.constant 0 : i32
        %lt3A_606 = arith.cmpi slt, %rem3A_602, %lt3A_605 : i32
        %lt3A_607 = arith.constant 0 : i32
        %lt3A_608 = arith.cmpi slt, %select_n3A_601, %lt3A_607 : i32
        %ne3A_609 = arith.xori %lt3A_606, %lt3A_608 : i1
        %and3A_610 = arith.andi %ne3A_609, %ne3A_604 : i1
        %add3A_611 = arith.addi %rem3A_602, %select_n3A_601 : i32
        %select_n3A_612 = arith.select %and3A_610, %add3A_611, %rem3A_602 : i32
        %broadcast_in_dim3A_613 = vector.broadcast %select_n3A_612 : i32 to vector<16xi32>
        %gather3A_614 = tpu.vector_load_idx %arg6[%broadcast_in_dim3A_596, %broadcast_in_dim3A_613] : memref<8x128xi32, #tpu.memory_space<vmem>>[vector<16xi32>, vector<16xi32>], vector<16xi32>,
        %ne3A_615 = arith.constant 0 : i32
        %ne3A_616 = vector.broadcast %ne3A_615 : i32 to vector<16xi32>
        %ne3A_617 = arith.cmpi ne, %gather3A_614, %ne3A_616 : vector<16xi32>
        %select_n3A_618 = arith.select %ne3A_617, %get3A_21, %get3A_5 : vector<16xi1>, vector<16xf32>
        %swap3A_619 = arith.index_cast %scan3A_569 : i32 to index
        %swap3A_620 = arith.constant 0 : index
        %swap3A_621 = tpu.vector_load %arg8[%swap3A_619, %swap3A_620] {strides = array<i32>} : memref<256x64xf32, #tpu.memory_space<vmem>>, vector<16xf32>,
        tpu.vector_store %arg8[%swap3A_619, %swap3A_620], %select_n3A_618 {strides = array<i32>} : memref<256x64xf32, #tpu.memory_space<vmem>>, vector<16xf32>,
        %select_n3A_622 = arith.select %ne3A_617, %get3A_25, %get3A_9 : vector<16xi1>, vector<16xf32>
        %swap3A_623 = arith.index_cast %scan3A_569 : i32 to index
        %swap3A_624 = arith.constant 16 : index
        %swap3A_625 = tpu.vector_load %arg8[%swap3A_623, %swap3A_624] {strides = array<i32>} : memref<256x64xf32, #tpu.memory_space<vmem>>, vector<16xf32>,
        tpu.vector_store %arg8[%swap3A_623, %swap3A_624], %select_n3A_622 {strides = array<i32>} : memref<256x64xf32, #tpu.memory_space<vmem>>, vector<16xf32>,
        %select_n3A_626 = arith.select %ne3A_617, %get3A_29, %get3A_13 : vector<16xi1>, vector<16xf32>
        %swap3A_627 = arith.index_cast %scan3A_569 : i32 to index
        %swap3A_628 = arith.constant 32 : index
        %swap3A_629 = tpu.vector_load %arg8[%swap3A_627, %swap3A_628] {strides = array<i32>} : memref<256x64xf32, #tpu.memory_space<vmem>>, vector<16xf32>,
        tpu.vector_store %arg8[%swap3A_627, %swap3A_628], %select_n3A_626 {strides = array<i32>} : memref<256x64xf32, #tpu.memory_space<vmem>>, vector<16xf32>,
        %select_n3A_630 = arith.select %ne3A_617, %get3A_33, %get3A_17 : vector<16xi1>, vector<16xf32>
        %swap3A_631 = arith.index_cast %scan3A_569 : i32 to index
        %swap3A_632 = arith.constant 48 : index
        %swap3A_633 = tpu.vector_load %arg8[%swap3A_631, %swap3A_632] {strides = array<i32>} : memref<256x64xf32, #tpu.memory_space<vmem>>, vector<16xf32>,
        tpu.vector_store %arg8[%swap3A_631, %swap3A_632], %select_n3A_630 {strides = array<i32>} : memref<256x64xf32, #tpu.memory_space<vmem>>, vector<16xf32>,
        %scan3A_634 = arith.constant 3 : i32
        %scan3A_635 = arith.addi %scan3A_440, %scan3A_634 : i32
        %add3A_636 = arith.constant 0 : i32
        %add3A_637 = arith.addi %add3A_636, %scan3A_635 : i32
        %jit3A_638 = arith.constant 128 : i32
        %div3A_639 = arith.divsi %add3A_637, %jit3A_638 : i32
        %sign3A_640 = arith.constant 0 : i32
        %sign3A_641 = arith.cmpi sgt, %add3A_637, %sign3A_640 : i32
        %sign3A_642 = arith.extui %sign3A_641 : i1 to i32
        %sign3A_643 = arith.constant 0 : i32
        %sign3A_644 = arith.cmpi slt, %add3A_637, %sign3A_643 : i32
        %sign3A_645 = arith.extui %sign3A_644 : i1 to i32
        %sign3A_646 = arith.subi %sign3A_642, %sign3A_645 : i32
        %sign3A_647 = arith.constant 0 : i32
        %sign3A_648 = arith.cmpi sgt, %jit3A_638, %sign3A_647 : i32
        %sign3A_649 = arith.extui %sign3A_648 : i1 to i32
        %sign3A_650 = arith.constant 0 : i32
        %sign3A_651 = arith.cmpi slt, %jit3A_638, %sign3A_650 : i32
        %sign3A_652 = arith.extui %sign3A_651 : i1 to i32
        %sign3A_653 = arith.subi %sign3A_649, %sign3A_652 : i32
        %ne3A_654 = arith.cmpi ne, %sign3A_646, %sign3A_653 : i32
        %rem3A_655 = arith.remsi %add3A_637, %jit3A_638 : i32
        %ne3A_656 = arith.constant 0 : i32
        %ne3A_657 = arith.cmpi ne, %rem3A_655, %ne3A_656 : i32
        %and3A_658 = arith.andi %ne3A_654, %ne3A_657 : i1
        %sub3A_659 = arith.constant 1 : i32
        %sub3A_660 = arith.subi %div3A_639, %sub3A_659 : i32
        %select_n3A_661 = arith.select %and3A_658, %sub3A_660, %div3A_639 : i32
        %broadcast_in_dim3A_662 = vector.broadcast %select_n3A_661 : i32 to vector<16xi32>
        %jit3A_663 = arith.constant 128 : i32
        %eq3A_664 = arith.constant 0 : i32
        %eq3A_665 = arith.cmpi eq, %jit3A_663, %eq3A_664 : i32
        %jit3A_666 = arith.constant 1 : i32
        %select_n3A_667 = arith.select %eq3A_665, %jit3A_666, %jit3A_663 : i32
        %rem3A_668 = arith.remsi %add3A_637, %select_n3A_667 : i32
        %ne3A_669 = arith.constant 0 : i32
        %ne3A_670 = arith.cmpi ne, %rem3A_668, %ne3A_669 : i32
        %lt3A_671 = arith.constant 0 : i32
        %lt3A_672 = arith.cmpi slt, %rem3A_668, %lt3A_671 : i32
        %lt3A_673 = arith.constant 0 : i32
        %lt3A_674 = arith.cmpi slt, %select_n3A_667, %lt3A_673 : i32
        %ne3A_675 = arith.xori %lt3A_672, %lt3A_674 : i1
        %and3A_676 = arith.andi %ne3A_675, %ne3A_670 : i1
        %add3A_677 = arith.addi %rem3A_668, %select_n3A_667 : i32
        %select_n3A_678 = arith.select %and3A_676, %add3A_677, %rem3A_668 : i32
        %broadcast_in_dim3A_679 = vector.broadcast %select_n3A_678 : i32 to vector<16xi32>
        %gather3A_680 = tpu.vector_load_idx %arg6[%broadcast_in_dim3A_662, %broadcast_in_dim3A_679] : memref<8x128xi32, #tpu.memory_space<vmem>>[vector<16xi32>, vector<16xi32>], vector<16xi32>,
        %ne3A_681 = arith.constant 0 : i32
        %ne3A_682 = vector.broadcast %ne3A_681 : i32 to vector<16xi32>
        %ne3A_683 = arith.cmpi ne, %gather3A_680, %ne3A_682 : vector<16xi32>
        %select_n3A_684 = arith.select %ne3A_683, %get3A_21, %get3A_5 : vector<16xi1>, vector<16xf32>
        %swap3A_685 = arith.index_cast %scan3A_635 : i32 to index
        %swap3A_686 = arith.constant 0 : index
        %swap3A_687 = tpu.vector_load %arg8[%swap3A_685, %swap3A_686] {strides = array<i32>} : memref<256x64xf32, #tpu.memory_space<vmem>>, vector<16xf32>,
        tpu.vector_store %arg8[%swap3A_685, %swap3A_686], %select_n3A_684 {strides = array<i32>} : memref<256x64xf32, #tpu.memory_space<vmem>>, vector<16xf32>,
        %select_n3A_688 = arith.select %ne3A_683, %get3A_25, %get3A_9 : vector<16xi1>, vector<16xf32>
        %swap3A_689 = arith.index_cast %scan3A_635 : i32 to index
        %swap3A_690 = arith.constant 16 : index
        %swap3A_691 = tpu.vector_load %arg8[%swap3A_689, %swap3A_690] {strides = array<i32>} : memref<256x64xf32, #tpu.memory_space<vmem>>, vector<16xf32>,
        tpu.vector_store %arg8[%swap3A_689, %swap3A_690], %select_n3A_688 {strides = array<i32>} : memref<256x64xf32, #tpu.memory_space<vmem>>, vector<16xf32>,
        %select_n3A_692 = arith.select %ne3A_683, %get3A_29, %get3A_13 : vector<16xi1>, vector<16xf32>
        %swap3A_693 = arith.index_cast %scan3A_635 : i32 to index
        %swap3A_694 = arith.constant 32 : index
        %swap3A_695 = tpu.vector_load %arg8[%swap3A_693, %swap3A_694] {strides = array<i32>} : memref<256x64xf32, #tpu.memory_space<vmem>>, vector<16xf32>,
        tpu.vector_store %arg8[%swap3A_693, %swap3A_694], %select_n3A_692 {strides = array<i32>} : memref<256x64xf32, #tpu.memory_space<vmem>>, vector<16xf32>,
        %select_n3A_696 = arith.select %ne3A_683, %get3A_33, %get3A_17 : vector<16xi1>, vector<16xf32>
        %swap3A_697 = arith.index_cast %scan3A_635 : i32 to index
        %swap3A_698 = arith.constant 48 : index
        %swap3A_699 = tpu.vector_load %arg8[%swap3A_697, %swap3A_698] {strides = array<i32>} : memref<256x64xf32, #tpu.memory_space<vmem>>, vector<16xf32>,
        tpu.vector_store %arg8[%swap3A_697, %swap3A_698], %select_n3A_696 {strides = array<i32>} : memref<256x64xf32, #tpu.memory_space<vmem>>, vector<16xf32>,
      }
      %scan3A_387 = arith.constant 256 : i32
      %dma_start3A_388 = arith.constant 0 : i32
      %dma_start3A_389 = tpu.memref_slice %arg4[%add3A_377, %dma_start3A_388] : memref<3276800x64xf32, #tpu.memory_space<hbm>> -> memref<256x64xf32, #tpu.memory_space<hbm>>
      %dma_start3A_390 = arith.constant 0 : i32
      %dma_start3A_391 = tpu.memref_slice %arg4[%add3A_377, %dma_start3A_390] : memref<3276800x64xf32, #tpu.memory_space<hbm>> -> memref<256x64xf32, #tpu.memory_space<hbm>>
      tpu.enqueue_dma source(%arg8 : memref<256x64xf32, #tpu.memory_space<vmem>>) target(%dma_start3A_391 : memref<256x64xf32, #tpu.memory_space<hbm>>) target_semaphore(%arg10 : memref<!tpu.dma_semaphore, #tpu.memory_space<semaphore_mem>>)
      %add3A_392 = arith.constant 256 : i32
      %add3A_393 = arith.addi %multiple_of3A_277, %add3A_392 : i32
      %dma_wait3A_394 = arith.constant 0 : i32
      %dma_wait3A_395 = tpu.memref_slice %arg4[%add3A_393, %dma_wait3A_394] : memref<3276800x64xf32, #tpu.memory_space<hbm>> -> memref<256x64xf32, #tpu.memory_space<hbm>>
      %dma_wait3A_396 = arith.constant 0 : i32
      %dma_wait3A_397 = tpu.memref_slice %arg4[%add3A_393, %dma_wait3A_396] : memref<3276800x64xf32, #tpu.memory_space<hbm>> -> memref<256x64xf32, #tpu.memory_space<hbm>>
      tpu.wait_dma2 semaphore(%arg11 : memref<!tpu.dma_semaphore, #tpu.memory_space<semaphore_mem>>) src(%arg9 : memref<256x64xf32, #tpu.memory_space<vmem>>) dst(%dma_wait3A_397 : memref<256x64xf32, #tpu.memory_space<hbm>>)
      %scan3A_398 = arith.constant 0 : i32
      %scan3A_399 = arith.constant 0 : i32
      %scan3A_400 = arith.constant 256 : i32
      %scan3A_401 = arith.addi %scan3A_399, %scan3A_400 : i32
      %scan3A_402 = arith.constant 4 : i32
      scf.for %scan3A_440 = %scan3A_399 to %scan3A_401 step %scan3A_402  : i32 {
        %add3A_441 = arith.constant 256 : i32
        %add3A_442 = arith.addi %add3A_441, %scan3A_440 : i32
        %jit3A_443 = arith.constant 128 : i32
        %div3A_444 = arith.divsi %add3A_442, %jit3A_443 : i32
        %sign3A_445 = arith.constant 0 : i32
        %sign3A_446 = arith.cmpi sgt, %add3A_442, %sign3A_445 : i32
        %sign3A_447 = arith.extui %sign3A_446 : i1 to i32
        %sign3A_448 = arith.constant 0 : i32
        %sign3A_449 = arith.cmpi slt, %add3A_442, %sign3A_448 : i32
        %sign3A_450 = arith.extui %sign3A_449 : i1 to i32
        %sign3A_451 = arith.subi %sign3A_447, %sign3A_450 : i32
        %sign3A_452 = arith.constant 0 : i32
        %sign3A_453 = arith.cmpi sgt, %jit3A_443, %sign3A_452 : i32
        %sign3A_454 = arith.extui %sign3A_453 : i1 to i32
        %sign3A_455 = arith.constant 0 : i32
        %sign3A_456 = arith.cmpi slt, %jit3A_443, %sign3A_455 : i32
        %sign3A_457 = arith.extui %sign3A_456 : i1 to i32
        %sign3A_458 = arith.subi %sign3A_454, %sign3A_457 : i32
        %ne3A_459 = arith.cmpi ne, %sign3A_451, %sign3A_458 : i32
        %rem3A_460 = arith.remsi %add3A_442, %jit3A_443 : i32
        %ne3A_461 = arith.constant 0 : i32
        %ne3A_462 = arith.cmpi ne, %rem3A_460, %ne3A_461 : i32
        %and3A_463 = arith.andi %ne3A_459, %ne3A_462 : i1
        %sub3A_464 = arith.constant 1 : i32
        %sub3A_465 = arith.subi %div3A_444, %sub3A_464 : i32
        %select_n3A_466 = arith.select %and3A_463, %sub3A_465, %div3A_444 : i32
        %broadcast_in_dim3A = vector.broadcast %select_n3A_466 : i32 to vector<16xi32>
        %jit3A_467 = arith.constant 128 : i32
        %eq3A_468 = arith.constant 0 : i32
        %eq3A_469 = arith.cmpi eq, %jit3A_467, %eq3A_468 : i32
        %jit3A_470 = arith.constant 1 : i32
        %select_n3A_471 = arith.select %eq3A_469, %jit3A_470, %jit3A_467 : i32
        %rem3A_472 = arith.remsi %add3A_442, %select_n3A_471 : i32
        %ne3A_473 = arith.constant 0 : i32
        %ne3A_474 = arith.cmpi ne, %rem3A_472, %ne3A_473 : i32
        %lt3A_475 = arith.constant 0 : i32
        %lt3A_476 = arith.cmpi slt, %rem3A_472, %lt3A_475 : i32
        %lt3A_477 = arith.constant 0 : i32
        %lt3A_478 = arith.cmpi slt, %select_n3A_471, %lt3A_477 : i32
        %ne3A_479 = arith.xori %lt3A_476, %lt3A_478 : i1
        %and3A_480 = arith.andi %ne3A_479, %ne3A_474 : i1
        %add3A_481 = arith.addi %rem3A_472, %select_n3A_471 : i32
        %select_n3A_482 = arith.select %and3A_480, %add3A_481, %rem3A_472 : i32
        %broadcast_in_dim3A_483 = vector.broadcast %select_n3A_482 : i32 to vector<16xi32>
        %gather3A = tpu.vector_load_idx %arg6[%broadcast_in_dim3A, %broadcast_in_dim3A_483] : memref<8x128xi32, #tpu.memory_space<vmem>>[vector<16xi32>, vector<16xi32>], vector<16xi32>,
        %ne3A_484 = arith.constant 0 : i32
        %ne3A_485 = vector.broadcast %ne3A_484 : i32 to vector<16xi32>
        %ne3A_486 = arith.cmpi ne, %gather3A, %ne3A_485 : vector<16xi32>
        %select_n3A_487 = arith.select %ne3A_486, %get3A_21, %get3A_5 : vector<16xi1>, vector<16xf32>
        %swap3A = arith.index_cast %scan3A_440 : i32 to index
        %swap3A_488 = arith.constant 0 : index
        %swap3A_489 = tpu.vector_load %arg9[%swap3A, %swap3A_488] {strides = array<i32>} : memref<256x64xf32, #tpu.memory_space<vmem>>, vector<16xf32>,
        tpu.vector_store %arg9[%swap3A, %swap3A_488], %select_n3A_487 {strides = array<i32>} : memref<256x64xf32, #tpu.memory_space<vmem>>, vector<16xf32>,
        %select_n3A_490 = arith.select %ne3A_486, %get3A_25, %get3A_9 : vector<16xi1>, vector<16xf32>
        %swap3A_491 = arith.index_cast %scan3A_440 : i32 to index
        %swap3A_492 = arith.constant 16 : index
        %swap3A_493 = tpu.vector_load %arg9[%swap3A_491, %swap3A_492] {strides = array<i32>} : memref<256x64xf32, #tpu.memory_space<vmem>>, vector<16xf32>,
        tpu.vector_store %arg9[%swap3A_491, %swap3A_492], %select_n3A_490 {strides = array<i32>} : memref<256x64xf32, #tpu.memory_space<vmem>>, vector<16xf32>,
        %select_n3A_494 = arith.select %ne3A_486, %get3A_29, %get3A_13 : vector<16xi1>, vector<16xf32>
        %swap3A_495 = arith.index_cast %scan3A_440 : i32 to index
        %swap3A_496 = arith.constant 32 : index
        %swap3A_497 = tpu.vector_load %arg9[%swap3A_495, %swap3A_496] {strides = array<i32>} : memref<256x64xf32, #tpu.memory_space<vmem>>, vector<16xf32>,
        tpu.vector_store %arg9[%swap3A_495, %swap3A_496], %select_n3A_494 {strides = array<i32>} : memref<256x64xf32, #tpu.memory_space<vmem>>, vector<16xf32>,
        %select_n3A_498 = arith.select %ne3A_486, %get3A_33, %get3A_17 : vector<16xi1>, vector<16xf32>
        %swap3A_499 = arith.index_cast %scan3A_440 : i32 to index
        %swap3A_500 = arith.constant 48 : index
        %swap3A_501 = tpu.vector_load %arg9[%swap3A_499, %swap3A_500] {strides = array<i32>} : memref<256x64xf32, #tpu.memory_space<vmem>>, vector<16xf32>,
        tpu.vector_store %arg9[%swap3A_499, %swap3A_500], %select_n3A_498 {strides = array<i32>} : memref<256x64xf32, #tpu.memory_space<vmem>>, vector<16xf32>,
        %scan3A_502 = arith.constant 1 : i32
        %scan3A_503 = arith.addi %scan3A_440, %scan3A_502 : i32
        %add3A_504 = arith.constant 256 : i32
        %add3A_505 = arith.addi %add3A_504, %scan3A_503 : i32
        %jit3A_506 = arith.constant 128 : i32
        %div3A_507 = arith.divsi %add3A_505, %jit3A_506 : i32
        %sign3A_508 = arith.constant 0 : i32
        %sign3A_509 = arith.cmpi sgt, %add3A_505, %sign3A_508 : i32
        %sign3A_510 = arith.extui %sign3A_509 : i1 to i32
        %sign3A_511 = arith.constant 0 : i32
        %sign3A_512 = arith.cmpi slt, %add3A_505, %sign3A_511 : i32
        %sign3A_513 = arith.extui %sign3A_512 : i1 to i32
        %sign3A_514 = arith.subi %sign3A_510, %sign3A_513 : i32
        %sign3A_515 = arith.constant 0 : i32
        %sign3A_516 = arith.cmpi sgt, %jit3A_506, %sign3A_515 : i32
        %sign3A_517 = arith.extui %sign3A_516 : i1 to i32
        %sign3A_518 = arith.constant 0 : i32
        %sign3A_519 = arith.cmpi slt, %jit3A_506, %sign3A_518 : i32
        %sign3A_520 = arith.extui %sign3A_519 : i1 to i32
        %sign3A_521 = arith.subi %sign3A_517, %sign3A_520 : i32
        %ne3A_522 = arith.cmpi ne, %sign3A_514, %sign3A_521 : i32
        %rem3A_523 = arith.remsi %add3A_505, %jit3A_506 : i32
        %ne3A_524 = arith.constant 0 : i32
        %ne3A_525 = arith.cmpi ne, %rem3A_523, %ne3A_524 : i32
        %and3A_526 = arith.andi %ne3A_522, %ne3A_525 : i1
        %sub3A_527 = arith.constant 1 : i32
        %sub3A_528 = arith.subi %div3A_507, %sub3A_527 : i32
        %select_n3A_529 = arith.select %and3A_526, %sub3A_528, %div3A_507 : i32
        %broadcast_in_dim3A_530 = vector.broadcast %select_n3A_529 : i32 to vector<16xi32>
        %jit3A_531 = arith.constant 128 : i32
        %eq3A_532 = arith.constant 0 : i32
        %eq3A_533 = arith.cmpi eq, %jit3A_531, %eq3A_532 : i32
        %jit3A_534 = arith.constant 1 : i32
        %select_n3A_535 = arith.select %eq3A_533, %jit3A_534, %jit3A_531 : i32
        %rem3A_536 = arith.remsi %add3A_505, %select_n3A_535 : i32
        %ne3A_537 = arith.constant 0 : i32
        %ne3A_538 = arith.cmpi ne, %rem3A_536, %ne3A_537 : i32
        %lt3A_539 = arith.constant 0 : i32
        %lt3A_540 = arith.cmpi slt, %rem3A_536, %lt3A_539 : i32
        %lt3A_541 = arith.constant 0 : i32
        %lt3A_542 = arith.cmpi slt, %select_n3A_535, %lt3A_541 : i32
        %ne3A_543 = arith.xori %lt3A_540, %lt3A_542 : i1
        %and3A_544 = arith.andi %ne3A_543, %ne3A_538 : i1
        %add3A_545 = arith.addi %rem3A_536, %select_n3A_535 : i32
        %select_n3A_546 = arith.select %and3A_544, %add3A_545, %rem3A_536 : i32
        %broadcast_in_dim3A_547 = vector.broadcast %select_n3A_546 : i32 to vector<16xi32>
        %gather3A_548 = tpu.vector_load_idx %arg6[%broadcast_in_dim3A_530, %broadcast_in_dim3A_547] : memref<8x128xi32, #tpu.memory_space<vmem>>[vector<16xi32>, vector<16xi32>], vector<16xi32>,
        %ne3A_549 = arith.constant 0 : i32
        %ne3A_550 = vector.broadcast %ne3A_549 : i32 to vector<16xi32>
        %ne3A_551 = arith.cmpi ne, %gather3A_548, %ne3A_550 : vector<16xi32>
        %select_n3A_552 = arith.select %ne3A_551, %get3A_21, %get3A_5 : vector<16xi1>, vector<16xf32>
        %swap3A_553 = arith.index_cast %scan3A_503 : i32 to index
        %swap3A_554 = arith.constant 0 : index
        %swap3A_555 = tpu.vector_load %arg9[%swap3A_553, %swap3A_554] {strides = array<i32>} : memref<256x64xf32, #tpu.memory_space<vmem>>, vector<16xf32>,
        tpu.vector_store %arg9[%swap3A_553, %swap3A_554], %select_n3A_552 {strides = array<i32>} : memref<256x64xf32, #tpu.memory_space<vmem>>, vector<16xf32>,
        %select_n3A_556 = arith.select %ne3A_551, %get3A_25, %get3A_9 : vector<16xi1>, vector<16xf32>
        %swap3A_557 = arith.index_cast %scan3A_503 : i32 to index
        %swap3A_558 = arith.constant 16 : index
        %swap3A_559 = tpu.vector_load %arg9[%swap3A_557, %swap3A_558] {strides = array<i32>} : memref<256x64xf32, #tpu.memory_space<vmem>>, vector<16xf32>,
        tpu.vector_store %arg9[%swap3A_557, %swap3A_558], %select_n3A_556 {strides = array<i32>} : memref<256x64xf32, #tpu.memory_space<vmem>>, vector<16xf32>,
        %select_n3A_560 = arith.select %ne3A_551, %get3A_29, %get3A_13 : vector<16xi1>, vector<16xf32>
        %swap3A_561 = arith.index_cast %scan3A_503 : i32 to index
        %swap3A_562 = arith.constant 32 : index
        %swap3A_563 = tpu.vector_load %arg9[%swap3A_561, %swap3A_562] {strides = array<i32>} : memref<256x64xf32, #tpu.memory_space<vmem>>, vector<16xf32>,
        tpu.vector_store %arg9[%swap3A_561, %swap3A_562], %select_n3A_560 {strides = array<i32>} : memref<256x64xf32, #tpu.memory_space<vmem>>, vector<16xf32>,
        %select_n3A_564 = arith.select %ne3A_551, %get3A_33, %get3A_17 : vector<16xi1>, vector<16xf32>
        %swap3A_565 = arith.index_cast %scan3A_503 : i32 to index
        %swap3A_566 = arith.constant 48 : index
        %swap3A_567 = tpu.vector_load %arg9[%swap3A_565, %swap3A_566] {strides = array<i32>} : memref<256x64xf32, #tpu.memory_space<vmem>>, vector<16xf32>,
        tpu.vector_store %arg9[%swap3A_565, %swap3A_566], %select_n3A_564 {strides = array<i32>} : memref<256x64xf32, #tpu.memory_space<vmem>>, vector<16xf32>,
        %scan3A_568 = arith.constant 2 : i32
        %scan3A_569 = arith.addi %scan3A_440, %scan3A_568 : i32
        %add3A_570 = arith.constant 256 : i32
        %add3A_571 = arith.addi %add3A_570, %scan3A_569 : i32
        %jit3A_572 = arith.constant 128 : i32
        %div3A_573 = arith.divsi %add3A_571, %jit3A_572 : i32
        %sign3A_574 = arith.constant 0 : i32
        %sign3A_575 = arith.cmpi sgt, %add3A_571, %sign3A_574 : i32
        %sign3A_576 = arith.extui %sign3A_575 : i1 to i32
        %sign3A_577 = arith.constant 0 : i32
        %sign3A_578 = arith.cmpi slt, %add3A_571, %sign3A_577 : i32
        %sign3A_579 = arith.extui %sign3A_578 : i1 to i32
        %sign3A_580 = arith.subi %sign3A_576, %sign3A_579 : i32
        %sign3A_581 = arith.constant 0 : i32
        %sign3A_582 = arith.cmpi sgt, %jit3A_572, %sign3A_581 : i32
        %sign3A_583 = arith.extui %sign3A_582 : i1 to i32
        %sign3A_584 = arith.constant 0 : i32
        %sign3A_585 = arith.cmpi slt, %jit3A_572, %sign3A_584 : i32
        %sign3A_586 = arith.extui %sign3A_585 : i1 to i32
        %sign3A_587 = arith.subi %sign3A_583, %sign3A_586 : i32
        %ne3A_588 = arith.cmpi ne, %sign3A_580, %sign3A_587 : i32
        %rem3A_589 = arith.remsi %add3A_571, %jit3A_572 : i32
        %ne3A_590 = arith.constant 0 : i32
        %ne3A_591 = arith.cmpi ne, %rem3A_589, %ne3A_590 : i32
        %and3A_592 = arith.andi %ne3A_588, %ne3A_591 : i1
        %sub3A_593 = arith.constant 1 : i32
        %sub3A_594 = arith.subi %div3A_573, %sub3A_593 : i32
        %select_n3A_595 = arith.select %and3A_592, %sub3A_594, %div3A_573 : i32
        %broadcast_in_dim3A_596 = vector.broadcast %select_n3A_595 : i32 to vector<16xi32>
        %jit3A_597 = arith.constant 128 : i32
        %eq3A_598 = arith.constant 0 : i32
        %eq3A_599 = arith.cmpi eq, %jit3A_597, %eq3A_598 : i32
        %jit3A_600 = arith.constant 1 : i32
        %select_n3A_601 = arith.select %eq3A_599, %jit3A_600, %jit3A_597 : i32
        %rem3A_602 = arith.remsi %add3A_571, %select_n3A_601 : i32
        %ne3A_603 = arith.constant 0 : i32
        %ne3A_604 = arith.cmpi ne, %rem3A_602, %ne3A_603 : i32
        %lt3A_605 = arith.constant 0 : i32
        %lt3A_606 = arith.cmpi slt, %rem3A_602, %lt3A_605 : i32
        %lt3A_607 = arith.constant 0 : i32
        %lt3A_608 = arith.cmpi slt, %select_n3A_601, %lt3A_607 : i32
        %ne3A_609 = arith.xori %lt3A_606, %lt3A_608 : i1
        %and3A_610 = arith.andi %ne3A_609, %ne3A_604 : i1
        %add3A_611 = arith.addi %rem3A_602, %select_n3A_601 : i32
        %select_n3A_612 = arith.select %and3A_610, %add3A_611, %rem3A_602 : i32
        %broadcast_in_dim3A_613 = vector.broadcast %select_n3A_612 : i32 to vector<16xi32>
        %gather3A_614 = tpu.vector_load_idx %arg6[%broadcast_in_dim3A_596, %broadcast_in_dim3A_613] : memref<8x128xi32, #tpu.memory_space<vmem>>[vector<16xi32>, vector<16xi32>], vector<16xi32>,
        %ne3A_615 = arith.constant 0 : i32
        %ne3A_616 = vector.broadcast %ne3A_615 : i32 to vector<16xi32>
        %ne3A_617 = arith.cmpi ne, %gather3A_614, %ne3A_616 : vector<16xi32>
        %select_n3A_618 = arith.select %ne3A_617, %get3A_21, %get3A_5 : vector<16xi1>, vector<16xf32>
        %swap3A_619 = arith.index_cast %scan3A_569 : i32 to index
        %swap3A_620 = arith.constant 0 : index
        %swap3A_621 = tpu.vector_load %arg9[%swap3A_619, %swap3A_620] {strides = array<i32>} : memref<256x64xf32, #tpu.memory_space<vmem>>, vector<16xf32>,
        tpu.vector_store %arg9[%swap3A_619, %swap3A_620], %select_n3A_618 {strides = array<i32>} : memref<256x64xf32, #tpu.memory_space<vmem>>, vector<16xf32>,
        %select_n3A_622 = arith.select %ne3A_617, %get3A_25, %get3A_9 : vector<16xi1>, vector<16xf32>
        %swap3A_623 = arith.index_cast %scan3A_569 : i32 to index
        %swap3A_624 = arith.constant 16 : index
        %swap3A_625 = tpu.vector_load %arg9[%swap3A_623, %swap3A_624] {strides = array<i32>} : memref<256x64xf32, #tpu.memory_space<vmem>>, vector<16xf32>,
        tpu.vector_store %arg9[%swap3A_623, %swap3A_624], %select_n3A_622 {strides = array<i32>} : memref<256x64xf32, #tpu.memory_space<vmem>>, vector<16xf32>,
        %select_n3A_626 = arith.select %ne3A_617, %get3A_29, %get3A_13 : vector<16xi1>, vector<16xf32>
        %swap3A_627 = arith.index_cast %scan3A_569 : i32 to index
        %swap3A_628 = arith.constant 32 : index
        %swap3A_629 = tpu.vector_load %arg9[%swap3A_627, %swap3A_628] {strides = array<i32>} : memref<256x64xf32, #tpu.memory_space<vmem>>, vector<16xf32>,
        tpu.vector_store %arg9[%swap3A_627, %swap3A_628], %select_n3A_626 {strides = array<i32>} : memref<256x64xf32, #tpu.memory_space<vmem>>, vector<16xf32>,
        %select_n3A_630 = arith.select %ne3A_617, %get3A_33, %get3A_17 : vector<16xi1>, vector<16xf32>
        %swap3A_631 = arith.index_cast %scan3A_569 : i32 to index
        %swap3A_632 = arith.constant 48 : index
        %swap3A_633 = tpu.vector_load %arg9[%swap3A_631, %swap3A_632] {strides = array<i32>} : memref<256x64xf32, #tpu.memory_space<vmem>>, vector<16xf32>,
        tpu.vector_store %arg9[%swap3A_631, %swap3A_632], %select_n3A_630 {strides = array<i32>} : memref<256x64xf32, #tpu.memory_space<vmem>>, vector<16xf32>,
        %scan3A_634 = arith.constant 3 : i32
        %scan3A_635 = arith.addi %scan3A_440, %scan3A_634 : i32
        %add3A_636 = arith.constant 256 : i32
        %add3A_637 = arith.addi %add3A_636, %scan3A_635 : i32
        %jit3A_638 = arith.constant 128 : i32
        %div3A_639 = arith.divsi %add3A_637, %jit3A_638 : i32
        %sign3A_640 = arith.constant 0 : i32
        %sign3A_641 = arith.cmpi sgt, %add3A_637, %sign3A_640 : i32
        %sign3A_642 = arith.extui %sign3A_641 : i1 to i32
        %sign3A_643 = arith.constant 0 : i32
        %sign3A_644 = arith.cmpi slt, %add3A_637, %sign3A_643 : i32
        %sign3A_645 = arith.extui %sign3A_644 : i1 to i32
        %sign3A_646 = arith.subi %sign3A_642, %sign3A_645 : i32
        %sign3A_647 = arith.constant 0 : i32
        %sign3A_648 = arith.cmpi sgt, %jit3A_638, %sign3A_647 : i32
        %sign3A_649 = arith.extui %sign3A_648 : i1 to i32
        %sign3A_650 = arith.constant 0 : i32
        %sign3A_651 = arith.cmpi slt, %jit3A_638, %sign3A_650 : i32
        %sign3A_652 = arith.extui %sign3A_651 : i1 to i32
        %sign3A_653 = arith.subi %sign3A_649, %sign3A_652 : i32
        %ne3A_654 = arith.cmpi ne, %sign3A_646, %sign3A_653 : i32
        %rem3A_655 = arith.remsi %add3A_637, %jit3A_638 : i32
        %ne3A_656 = arith.constant 0 : i32
        %ne3A_657 = arith.cmpi ne, %rem3A_655, %ne3A_656 : i32
        %and3A_658 = arith.andi %ne3A_654, %ne3A_657 : i1
        %sub3A_659 = arith.constant 1 : i32
        %sub3A_660 = arith.subi %div3A_639, %sub3A_659 : i32
        %select_n3A_661 = arith.select %and3A_658, %sub3A_660, %div3A_639 : i32
        %broadcast_in_dim3A_662 = vector.broadcast %select_n3A_661 : i32 to vector<16xi32>
        %jit3A_663 = arith.constant 128 : i32
        %eq3A_664 = arith.constant 0 : i32
        %eq3A_665 = arith.cmpi eq, %jit3A_663, %eq3A_664 : i32
        %jit3A_666 = arith.constant 1 : i32
        %select_n3A_667 = arith.select %eq3A_665, %jit3A_666, %jit3A_663 : i32
        %rem3A_668 = arith.remsi %add3A_637, %select_n3A_667 : i32
        %ne3A_669 = arith.constant 0 : i32
        %ne3A_670 = arith.cmpi ne, %rem3A_668, %ne3A_669 : i32
        %lt3A_671 = arith.constant 0 : i32
        %lt3A_672 = arith.cmpi slt, %rem3A_668, %lt3A_671 : i32
        %lt3A_673 = arith.constant 0 : i32
        %lt3A_674 = arith.cmpi slt, %select_n3A_667, %lt3A_673 : i32
        %ne3A_675 = arith.xori %lt3A_672, %lt3A_674 : i1
        %and3A_676 = arith.andi %ne3A_675, %ne3A_670 : i1
        %add3A_677 = arith.addi %rem3A_668, %select_n3A_667 : i32
        %select_n3A_678 = arith.select %and3A_676, %add3A_677, %rem3A_668 : i32
        %broadcast_in_dim3A_679 = vector.broadcast %select_n3A_678 : i32 to vector<16xi32>
        %gather3A_680 = tpu.vector_load_idx %arg6[%broadcast_in_dim3A_662, %broadcast_in_dim3A_679] : memref<8x128xi32, #tpu.memory_space<vmem>>[vector<16xi32>, vector<16xi32>], vector<16xi32>,
        %ne3A_681 = arith.constant 0 : i32
        %ne3A_682 = vector.broadcast %ne3A_681 : i32 to vector<16xi32>
        %ne3A_683 = arith.cmpi ne, %gather3A_680, %ne3A_682 : vector<16xi32>
        %select_n3A_684 = arith.select %ne3A_683, %get3A_21, %get3A_5 : vector<16xi1>, vector<16xf32>
        %swap3A_685 = arith.index_cast %scan3A_635 : i32 to index
        %swap3A_686 = arith.constant 0 : index
        %swap3A_687 = tpu.vector_load %arg9[%swap3A_685, %swap3A_686] {strides = array<i32>} : memref<256x64xf32, #tpu.memory_space<vmem>>, vector<16xf32>,
        tpu.vector_store %arg9[%swap3A_685, %swap3A_686], %select_n3A_684 {strides = array<i32>} : memref<256x64xf32, #tpu.memory_space<vmem>>, vector<16xf32>,
        %select_n3A_688 = arith.select %ne3A_683, %get3A_25, %get3A_9 : vector<16xi1>, vector<16xf32>
        %swap3A_689 = arith.index_cast %scan3A_635 : i32 to index
        %swap3A_690 = arith.constant 16 : index
        %swap3A_691 = tpu.vector_load %arg9[%swap3A_689, %swap3A_690] {strides = array<i32>} : memref<256x64xf32, #tpu.memory_space<vmem>>, vector<16xf32>,
        tpu.vector_store %arg9[%swap3A_689, %swap3A_690], %select_n3A_688 {strides = array<i32>} : memref<256x64xf32, #tpu.memory_space<vmem>>, vector<16xf32>,
        %select_n3A_692 = arith.select %ne3A_683, %get3A_29, %get3A_13 : vector<16xi1>, vector<16xf32>
        %swap3A_693 = arith.index_cast %scan3A_635 : i32 to index
        %swap3A_694 = arith.constant 32 : index
        %swap3A_695 = tpu.vector_load %arg9[%swap3A_693, %swap3A_694] {strides = array<i32>} : memref<256x64xf32, #tpu.memory_space<vmem>>, vector<16xf32>,
        tpu.vector_store %arg9[%swap3A_693, %swap3A_694], %select_n3A_692 {strides = array<i32>} : memref<256x64xf32, #tpu.memory_space<vmem>>, vector<16xf32>,
        %select_n3A_696 = arith.select %ne3A_683, %get3A_33, %get3A_17 : vector<16xi1>, vector<16xf32>
        %swap3A_697 = arith.index_cast %scan3A_635 : i32 to index
        %swap3A_698 = arith.constant 48 : index
        %swap3A_699 = tpu.vector_load %arg9[%swap3A_697, %swap3A_698] {strides = array<i32>} : memref<256x64xf32, #tpu.memory_space<vmem>>, vector<16xf32>,
        tpu.vector_store %arg9[%swap3A_697, %swap3A_698], %select_n3A_696 {strides = array<i32>} : memref<256x64xf32, #tpu.memory_space<vmem>>, vector<16xf32>,
      }
      %scan3A_403 = arith.constant 256 : i32
      %dma_start3A_404 = arith.constant 0 : i32
      %dma_start3A_405 = tpu.memref_slice %arg4[%add3A_393, %dma_start3A_404] : memref<3276800x64xf32, #tpu.memory_space<hbm>> -> memref<256x64xf32, #tpu.memory_space<hbm>>
      %dma_start3A_406 = arith.constant 0 : i32
      %dma_start3A_407 = tpu.memref_slice %arg4[%add3A_393, %dma_start3A_406] : memref<3276800x64xf32, #tpu.memory_space<hbm>> -> memref<256x64xf32, #tpu.memory_space<hbm>>
      tpu.enqueue_dma source(%arg9 : memref<256x64xf32, #tpu.memory_space<vmem>>) target(%dma_start3A_407 : memref<256x64xf32, #tpu.memory_space<hbm>>) target_semaphore(%arg11 : memref<!tpu.dma_semaphore, #tpu.memory_space<semaphore_mem>>)
      %add3A_408 = arith.constant 512 : i32
      %add3A_409 = arith.addi %multiple_of3A_277, %add3A_408 : i32
      %dma_wait3A_410 = arith.constant 0 : i32
      %dma_wait3A_411 = tpu.memref_slice %arg4[%add3A_409, %dma_wait3A_410] : memref<3276800x64xf32, #tpu.memory_space<hbm>> -> memref<256x64xf32, #tpu.memory_space<hbm>>
      %dma_wait3A_412 = arith.constant 0 : i32
      %dma_wait3A_413 = tpu.memref_slice %arg4[%add3A_409, %dma_wait3A_412] : memref<3276800x64xf32, #tpu.memory_space<hbm>> -> memref<256x64xf32, #tpu.memory_space<hbm>>
      tpu.wait_dma2 semaphore(%arg10 : memref<!tpu.dma_semaphore, #tpu.memory_space<semaphore_mem>>) src(%arg8 : memref<256x64xf32, #tpu.memory_space<vmem>>) dst(%dma_wait3A_413 : memref<256x64xf32, #tpu.memory_space<hbm>>)
      %scan3A_414 = arith.constant 0 : i32
      %scan3A_415 = arith.constant 0 : i32
      %scan3A_416 = arith.constant 256 : i32
      %scan3A_417 = arith.addi %scan3A_415, %scan3A_416 : i32
      %scan3A_418 = arith.constant 4 : i32
      scf.for %scan3A_440 = %scan3A_415 to %scan3A_417 step %scan3A_418  : i32 {
        %add3A_441 = arith.constant 512 : i32
        %add3A_442 = arith.addi %add3A_441, %scan3A_440 : i32
        %jit3A_443 = arith.constant 128 : i32
        %div3A_444 = arith.divsi %add3A_442, %jit3A_443 : i32
        %sign3A_445 = arith.constant 0 : i32
        %sign3A_446 = arith.cmpi sgt, %add3A_442, %sign3A_445 : i32
        %sign3A_447 = arith.extui %sign3A_446 : i1 to i32
        %sign3A_448 = arith.constant 0 : i32
        %sign3A_449 = arith.cmpi slt, %add3A_442, %sign3A_448 : i32
        %sign3A_450 = arith.extui %sign3A_449 : i1 to i32
        %sign3A_451 = arith.subi %sign3A_447, %sign3A_450 : i32
        %sign3A_452 = arith.constant 0 : i32
        %sign3A_453 = arith.cmpi sgt, %jit3A_443, %sign3A_452 : i32
        %sign3A_454 = arith.extui %sign3A_453 : i1 to i32
        %sign3A_455 = arith.constant 0 : i32
        %sign3A_456 = arith.cmpi slt, %jit3A_443, %sign3A_455 : i32
        %sign3A_457 = arith.extui %sign3A_456 : i1 to i32
        %sign3A_458 = arith.subi %sign3A_454, %sign3A_457 : i32
        %ne3A_459 = arith.cmpi ne, %sign3A_451, %sign3A_458 : i32
        %rem3A_460 = arith.remsi %add3A_442, %jit3A_443 : i32
        %ne3A_461 = arith.constant 0 : i32
        %ne3A_462 = arith.cmpi ne, %rem3A_460, %ne3A_461 : i32
        %and3A_463 = arith.andi %ne3A_459, %ne3A_462 : i1
        %sub3A_464 = arith.constant 1 : i32
        %sub3A_465 = arith.subi %div3A_444, %sub3A_464 : i32
        %select_n3A_466 = arith.select %and3A_463, %sub3A_465, %div3A_444 : i32
        %broadcast_in_dim3A = vector.broadcast %select_n3A_466 : i32 to vector<16xi32>
        %jit3A_467 = arith.constant 128 : i32
        %eq3A_468 = arith.constant 0 : i32
        %eq3A_469 = arith.cmpi eq, %jit3A_467, %eq3A_468 : i32
        %jit3A_470 = arith.constant 1 : i32
        %select_n3A_471 = arith.select %eq3A_469, %jit3A_470, %jit3A_467 : i32
        %rem3A_472 = arith.remsi %add3A_442, %select_n3A_471 : i32
        %ne3A_473 = arith.constant 0 : i32
        %ne3A_474 = arith.cmpi ne, %rem3A_472, %ne3A_473 : i32
        %lt3A_475 = arith.constant 0 : i32
        %lt3A_476 = arith.cmpi slt, %rem3A_472, %lt3A_475 : i32
        %lt3A_477 = arith.constant 0 : i32
        %lt3A_478 = arith.cmpi slt, %select_n3A_471, %lt3A_477 : i32
        %ne3A_479 = arith.xori %lt3A_476, %lt3A_478 : i1
        %and3A_480 = arith.andi %ne3A_479, %ne3A_474 : i1
        %add3A_481 = arith.addi %rem3A_472, %select_n3A_471 : i32
        %select_n3A_482 = arith.select %and3A_480, %add3A_481, %rem3A_472 : i32
        %broadcast_in_dim3A_483 = vector.broadcast %select_n3A_482 : i32 to vector<16xi32>
        %gather3A = tpu.vector_load_idx %arg6[%broadcast_in_dim3A, %broadcast_in_dim3A_483] : memref<8x128xi32, #tpu.memory_space<vmem>>[vector<16xi32>, vector<16xi32>], vector<16xi32>,
        %ne3A_484 = arith.constant 0 : i32
        %ne3A_485 = vector.broadcast %ne3A_484 : i32 to vector<16xi32>
        %ne3A_486 = arith.cmpi ne, %gather3A, %ne3A_485 : vector<16xi32>
        %select_n3A_487 = arith.select %ne3A_486, %get3A_21, %get3A_5 : vector<16xi1>, vector<16xf32>
        %swap3A = arith.index_cast %scan3A_440 : i32 to index
        %swap3A_488 = arith.constant 0 : index
        %swap3A_489 = tpu.vector_load %arg8[%swap3A, %swap3A_488] {strides = array<i32>} : memref<256x64xf32, #tpu.memory_space<vmem>>, vector<16xf32>,
        tpu.vector_store %arg8[%swap3A, %swap3A_488], %select_n3A_487 {strides = array<i32>} : memref<256x64xf32, #tpu.memory_space<vmem>>, vector<16xf32>,
        %select_n3A_490 = arith.select %ne3A_486, %get3A_25, %get3A_9 : vector<16xi1>, vector<16xf32>
        %swap3A_491 = arith.index_cast %scan3A_440 : i32 to index
        %swap3A_492 = arith.constant 16 : index
        %swap3A_493 = tpu.vector_load %arg8[%swap3A_491, %swap3A_492] {strides = array<i32>} : memref<256x64xf32, #tpu.memory_space<vmem>>, vector<16xf32>,
        tpu.vector_store %arg8[%swap3A_491, %swap3A_492], %select_n3A_490 {strides = array<i32>} : memref<256x64xf32, #tpu.memory_space<vmem>>, vector<16xf32>,
        %select_n3A_494 = arith.select %ne3A_486, %get3A_29, %get3A_13 : vector<16xi1>, vector<16xf32>
        %swap3A_495 = arith.index_cast %scan3A_440 : i32 to index
        %swap3A_496 = arith.constant 32 : index
        %swap3A_497 = tpu.vector_load %arg8[%swap3A_495, %swap3A_496] {strides = array<i32>} : memref<256x64xf32, #tpu.memory_space<vmem>>, vector<16xf32>,
        tpu.vector_store %arg8[%swap3A_495, %swap3A_496], %select_n3A_494 {strides = array<i32>} : memref<256x64xf32, #tpu.memory_space<vmem>>, vector<16xf32>,
        %select_n3A_498 = arith.select %ne3A_486, %get3A_33, %get3A_17 : vector<16xi1>, vector<16xf32>
        %swap3A_499 = arith.index_cast %scan3A_440 : i32 to index
        %swap3A_500 = arith.constant 48 : index
        %swap3A_501 = tpu.vector_load %arg8[%swap3A_499, %swap3A_500] {strides = array<i32>} : memref<256x64xf32, #tpu.memory_space<vmem>>, vector<16xf32>,
        tpu.vector_store %arg8[%swap3A_499, %swap3A_500], %select_n3A_498 {strides = array<i32>} : memref<256x64xf32, #tpu.memory_space<vmem>>, vector<16xf32>,
        %scan3A_502 = arith.constant 1 : i32
        %scan3A_503 = arith.addi %scan3A_440, %scan3A_502 : i32
        %add3A_504 = arith.constant 512 : i32
        %add3A_505 = arith.addi %add3A_504, %scan3A_503 : i32
        %jit3A_506 = arith.constant 128 : i32
        %div3A_507 = arith.divsi %add3A_505, %jit3A_506 : i32
        %sign3A_508 = arith.constant 0 : i32
        %sign3A_509 = arith.cmpi sgt, %add3A_505, %sign3A_508 : i32
        %sign3A_510 = arith.extui %sign3A_509 : i1 to i32
        %sign3A_511 = arith.constant 0 : i32
        %sign3A_512 = arith.cmpi slt, %add3A_505, %sign3A_511 : i32
        %sign3A_513 = arith.extui %sign3A_512 : i1 to i32
        %sign3A_514 = arith.subi %sign3A_510, %sign3A_513 : i32
        %sign3A_515 = arith.constant 0 : i32
        %sign3A_516 = arith.cmpi sgt, %jit3A_506, %sign3A_515 : i32
        %sign3A_517 = arith.extui %sign3A_516 : i1 to i32
        %sign3A_518 = arith.constant 0 : i32
        %sign3A_519 = arith.cmpi slt, %jit3A_506, %sign3A_518 : i32
        %sign3A_520 = arith.extui %sign3A_519 : i1 to i32
        %sign3A_521 = arith.subi %sign3A_517, %sign3A_520 : i32
        %ne3A_522 = arith.cmpi ne, %sign3A_514, %sign3A_521 : i32
        %rem3A_523 = arith.remsi %add3A_505, %jit3A_506 : i32
        %ne3A_524 = arith.constant 0 : i32
        %ne3A_525 = arith.cmpi ne, %rem3A_523, %ne3A_524 : i32
        %and3A_526 = arith.andi %ne3A_522, %ne3A_525 : i1
        %sub3A_527 = arith.constant 1 : i32
        %sub3A_528 = arith.subi %div3A_507, %sub3A_527 : i32
        %select_n3A_529 = arith.select %and3A_526, %sub3A_528, %div3A_507 : i32
        %broadcast_in_dim3A_530 = vector.broadcast %select_n3A_529 : i32 to vector<16xi32>
        %jit3A_531 = arith.constant 128 : i32
        %eq3A_532 = arith.constant 0 : i32
        %eq3A_533 = arith.cmpi eq, %jit3A_531, %eq3A_532 : i32
        %jit3A_534 = arith.constant 1 : i32
        %select_n3A_535 = arith.select %eq3A_533, %jit3A_534, %jit3A_531 : i32
        %rem3A_536 = arith.remsi %add3A_505, %select_n3A_535 : i32
        %ne3A_537 = arith.constant 0 : i32
        %ne3A_538 = arith.cmpi ne, %rem3A_536, %ne3A_537 : i32
        %lt3A_539 = arith.constant 0 : i32
        %lt3A_540 = arith.cmpi slt, %rem3A_536, %lt3A_539 : i32
        %lt3A_541 = arith.constant 0 : i32
        %lt3A_542 = arith.cmpi slt, %select_n3A_535, %lt3A_541 : i32
        %ne3A_543 = arith.xori %lt3A_540, %lt3A_542 : i1
        %and3A_544 = arith.andi %ne3A_543, %ne3A_538 : i1
        %add3A_545 = arith.addi %rem3A_536, %select_n3A_535 : i32
        %select_n3A_546 = arith.select %and3A_544, %add3A_545, %rem3A_536 : i32
        %broadcast_in_dim3A_547 = vector.broadcast %select_n3A_546 : i32 to vector<16xi32>
        %gather3A_548 = tpu.vector_load_idx %arg6[%broadcast_in_dim3A_530, %broadcast_in_dim3A_547] : memref<8x128xi32, #tpu.memory_space<vmem>>[vector<16xi32>, vector<16xi32>], vector<16xi32>,
        %ne3A_549 = arith.constant 0 : i32
        %ne3A_550 = vector.broadcast %ne3A_549 : i32 to vector<16xi32>
        %ne3A_551 = arith.cmpi ne, %gather3A_548, %ne3A_550 : vector<16xi32>
        %select_n3A_552 = arith.select %ne3A_551, %get3A_21, %get3A_5 : vector<16xi1>, vector<16xf32>
        %swap3A_553 = arith.index_cast %scan3A_503 : i32 to index
        %swap3A_554 = arith.constant 0 : index
        %swap3A_555 = tpu.vector_load %arg8[%swap3A_553, %swap3A_554] {strides = array<i32>} : memref<256x64xf32, #tpu.memory_space<vmem>>, vector<16xf32>,
        tpu.vector_store %arg8[%swap3A_553, %swap3A_554], %select_n3A_552 {strides = array<i32>} : memref<256x64xf32, #tpu.memory_space<vmem>>, vector<16xf32>,
        %select_n3A_556 = arith.select %ne3A_551, %get3A_25, %get3A_9 : vector<16xi1>, vector<16xf32>
        %swap3A_557 = arith.index_cast %scan3A_503 : i32 to index
        %swap3A_558 = arith.constant 16 : index
        %swap3A_559 = tpu.vector_load %arg8[%swap3A_557, %swap3A_558] {strides = array<i32>} : memref<256x64xf32, #tpu.memory_space<vmem>>, vector<16xf32>,
        tpu.vector_store %arg8[%swap3A_557, %swap3A_558], %select_n3A_556 {strides = array<i32>} : memref<256x64xf32, #tpu.memory_space<vmem>>, vector<16xf32>,
        %select_n3A_560 = arith.select %ne3A_551, %get3A_29, %get3A_13 : vector<16xi1>, vector<16xf32>
        %swap3A_561 = arith.index_cast %scan3A_503 : i32 to index
        %swap3A_562 = arith.constant 32 : index
        %swap3A_563 = tpu.vector_load %arg8[%swap3A_561, %swap3A_562] {strides = array<i32>} : memref<256x64xf32, #tpu.memory_space<vmem>>, vector<16xf32>,
        tpu.vector_store %arg8[%swap3A_561, %swap3A_562], %select_n3A_560 {strides = array<i32>} : memref<256x64xf32, #tpu.memory_space<vmem>>, vector<16xf32>,
        %select_n3A_564 = arith.select %ne3A_551, %get3A_33, %get3A_17 : vector<16xi1>, vector<16xf32>
        %swap3A_565 = arith.index_cast %scan3A_503 : i32 to index
        %swap3A_566 = arith.constant 48 : index
        %swap3A_567 = tpu.vector_load %arg8[%swap3A_565, %swap3A_566] {strides = array<i32>} : memref<256x64xf32, #tpu.memory_space<vmem>>, vector<16xf32>,
        tpu.vector_store %arg8[%swap3A_565, %swap3A_566], %select_n3A_564 {strides = array<i32>} : memref<256x64xf32, #tpu.memory_space<vmem>>, vector<16xf32>,
        %scan3A_568 = arith.constant 2 : i32
        %scan3A_569 = arith.addi %scan3A_440, %scan3A_568 : i32
        %add3A_570 = arith.constant 512 : i32
        %add3A_571 = arith.addi %add3A_570, %scan3A_569 : i32
        %jit3A_572 = arith.constant 128 : i32
        %div3A_573 = arith.divsi %add3A_571, %jit3A_572 : i32
        %sign3A_574 = arith.constant 0 : i32
        %sign3A_575 = arith.cmpi sgt, %add3A_571, %sign3A_574 : i32
        %sign3A_576 = arith.extui %sign3A_575 : i1 to i32
        %sign3A_577 = arith.constant 0 : i32
        %sign3A_578 = arith.cmpi slt, %add3A_571, %sign3A_577 : i32
        %sign3A_579 = arith.extui %sign3A_578 : i1 to i32
        %sign3A_580 = arith.subi %sign3A_576, %sign3A_579 : i32
        %sign3A_581 = arith.constant 0 : i32
        %sign3A_582 = arith.cmpi sgt, %jit3A_572, %sign3A_581 : i32
        %sign3A_583 = arith.extui %sign3A_582 : i1 to i32
        %sign3A_584 = arith.constant 0 : i32
        %sign3A_585 = arith.cmpi slt, %jit3A_572, %sign3A_584 : i32
        %sign3A_586 = arith.extui %sign3A_585 : i1 to i32
        %sign3A_587 = arith.subi %sign3A_583, %sign3A_586 : i32
        %ne3A_588 = arith.cmpi ne, %sign3A_580, %sign3A_587 : i32
        %rem3A_589 = arith.remsi %add3A_571, %jit3A_572 : i32
        %ne3A_590 = arith.constant 0 : i32
        %ne3A_591 = arith.cmpi ne, %rem3A_589, %ne3A_590 : i32
        %and3A_592 = arith.andi %ne3A_588, %ne3A_591 : i1
        %sub3A_593 = arith.constant 1 : i32
        %sub3A_594 = arith.subi %div3A_573, %sub3A_593 : i32
        %select_n3A_595 = arith.select %and3A_592, %sub3A_594, %div3A_573 : i32
        %broadcast_in_dim3A_596 = vector.broadcast %select_n3A_595 : i32 to vector<16xi32>
        %jit3A_597 = arith.constant 128 : i32
        %eq3A_598 = arith.constant 0 : i32
        %eq3A_599 = arith.cmpi eq, %jit3A_597, %eq3A_598 : i32
        %jit3A_600 = arith.constant 1 : i32
        %select_n3A_601 = arith.select %eq3A_599, %jit3A_600, %jit3A_597 : i32
        %rem3A_602 = arith.remsi %add3A_571, %select_n3A_601 : i32
        %ne3A_603 = arith.constant 0 : i32
        %ne3A_604 = arith.cmpi ne, %rem3A_602, %ne3A_603 : i32
        %lt3A_605 = arith.constant 0 : i32
        %lt3A_606 = arith.cmpi slt, %rem3A_602, %lt3A_605 : i32
        %lt3A_607 = arith.constant 0 : i32
        %lt3A_608 = arith.cmpi slt, %select_n3A_601, %lt3A_607 : i32
        %ne3A_609 = arith.xori %lt3A_606, %lt3A_608 : i1
        %and3A_610 = arith.andi %ne3A_609, %ne3A_604 : i1
        %add3A_611 = arith.addi %rem3A_602, %select_n3A_601 : i32
        %select_n3A_612 = arith.select %and3A_610, %add3A_611, %rem3A_602 : i32
        %broadcast_in_dim3A_613 = vector.broadcast %select_n3A_612 : i32 to vector<16xi32>
        %gather3A_614 = tpu.vector_load_idx %arg6[%broadcast_in_dim3A_596, %broadcast_in_dim3A_613] : memref<8x128xi32, #tpu.memory_space<vmem>>[vector<16xi32>, vector<16xi32>], vector<16xi32>,
        %ne3A_615 = arith.constant 0 : i32
        %ne3A_616 = vector.broadcast %ne3A_615 : i32 to vector<16xi32>
        %ne3A_617 = arith.cmpi ne, %gather3A_614, %ne3A_616 : vector<16xi32>
        %select_n3A_618 = arith.select %ne3A_617, %get3A_21, %get3A_5 : vector<16xi1>, vector<16xf32>
        %swap3A_619 = arith.index_cast %scan3A_569 : i32 to index
        %swap3A_620 = arith.constant 0 : index
        %swap3A_621 = tpu.vector_load %arg8[%swap3A_619, %swap3A_620] {strides = array<i32>} : memref<256x64xf32, #tpu.memory_space<vmem>>, vector<16xf32>,
        tpu.vector_store %arg8[%swap3A_619, %swap3A_620], %select_n3A_618 {strides = array<i32>} : memref<256x64xf32, #tpu.memory_space<vmem>>, vector<16xf32>,
        %select_n3A_622 = arith.select %ne3A_617, %get3A_25, %get3A_9 : vector<16xi1>, vector<16xf32>
        %swap3A_623 = arith.index_cast %scan3A_569 : i32 to index
        %swap3A_624 = arith.constant 16 : index
        %swap3A_625 = tpu.vector_load %arg8[%swap3A_623, %swap3A_624] {strides = array<i32>} : memref<256x64xf32, #tpu.memory_space<vmem>>, vector<16xf32>,
        tpu.vector_store %arg8[%swap3A_623, %swap3A_624], %select_n3A_622 {strides = array<i32>} : memref<256x64xf32, #tpu.memory_space<vmem>>, vector<16xf32>,
        %select_n3A_626 = arith.select %ne3A_617, %get3A_29, %get3A_13 : vector<16xi1>, vector<16xf32>
        %swap3A_627 = arith.index_cast %scan3A_569 : i32 to index
        %swap3A_628 = arith.constant 32 : index
        %swap3A_629 = tpu.vector_load %arg8[%swap3A_627, %swap3A_628] {strides = array<i32>} : memref<256x64xf32, #tpu.memory_space<vmem>>, vector<16xf32>,
        tpu.vector_store %arg8[%swap3A_627, %swap3A_628], %select_n3A_626 {strides = array<i32>} : memref<256x64xf32, #tpu.memory_space<vmem>>, vector<16xf32>,
        %select_n3A_630 = arith.select %ne3A_617, %get3A_33, %get3A_17 : vector<16xi1>, vector<16xf32>
        %swap3A_631 = arith.index_cast %scan3A_569 : i32 to index
        %swap3A_632 = arith.constant 48 : index
        %swap3A_633 = tpu.vector_load %arg8[%swap3A_631, %swap3A_632] {strides = array<i32>} : memref<256x64xf32, #tpu.memory_space<vmem>>, vector<16xf32>,
        tpu.vector_store %arg8[%swap3A_631, %swap3A_632], %select_n3A_630 {strides = array<i32>} : memref<256x64xf32, #tpu.memory_space<vmem>>, vector<16xf32>,
        %scan3A_634 = arith.constant 3 : i32
        %scan3A_635 = arith.addi %scan3A_440, %scan3A_634 : i32
        %add3A_636 = arith.constant 512 : i32
        %add3A_637 = arith.addi %add3A_636, %scan3A_635 : i32
        %jit3A_638 = arith.constant 128 : i32
        %div3A_639 = arith.divsi %add3A_637, %jit3A_638 : i32
        %sign3A_640 = arith.constant 0 : i32
        %sign3A_641 = arith.cmpi sgt, %add3A_637, %sign3A_640 : i32
        %sign3A_642 = arith.extui %sign3A_641 : i1 to i32
        %sign3A_643 = arith.constant 0 : i32
        %sign3A_644 = arith.cmpi slt, %add3A_637, %sign3A_643 : i32
        %sign3A_645 = arith.extui %sign3A_644 : i1 to i32
        %sign3A_646 = arith.subi %sign3A_642, %sign3A_645 : i32
        %sign3A_647 = arith.constant 0 : i32
        %sign3A_648 = arith.cmpi sgt, %jit3A_638, %sign3A_647 : i32
        %sign3A_649 = arith.extui %sign3A_648 : i1 to i32
        %sign3A_650 = arith.constant 0 : i32
        %sign3A_651 = arith.cmpi slt, %jit3A_638, %sign3A_650 : i32
        %sign3A_652 = arith.extui %sign3A_651 : i1 to i32
        %sign3A_653 = arith.subi %sign3A_649, %sign3A_652 : i32
        %ne3A_654 = arith.cmpi ne, %sign3A_646, %sign3A_653 : i32
        %rem3A_655 = arith.remsi %add3A_637, %jit3A_638 : i32
        %ne3A_656 = arith.constant 0 : i32
        %ne3A_657 = arith.cmpi ne, %rem3A_655, %ne3A_656 : i32
        %and3A_658 = arith.andi %ne3A_654, %ne3A_657 : i1
        %sub3A_659 = arith.constant 1 : i32
        %sub3A_660 = arith.subi %div3A_639, %sub3A_659 : i32
        %select_n3A_661 = arith.select %and3A_658, %sub3A_660, %div3A_639 : i32
        %broadcast_in_dim3A_662 = vector.broadcast %select_n3A_661 : i32 to vector<16xi32>
        %jit3A_663 = arith.constant 128 : i32
        %eq3A_664 = arith.constant 0 : i32
        %eq3A_665 = arith.cmpi eq, %jit3A_663, %eq3A_664 : i32
        %jit3A_666 = arith.constant 1 : i32
        %select_n3A_667 = arith.select %eq3A_665, %jit3A_666, %jit3A_663 : i32
        %rem3A_668 = arith.remsi %add3A_637, %select_n3A_667 : i32
        %ne3A_669 = arith.constant 0 : i32
        %ne3A_670 = arith.cmpi ne, %rem3A_668, %ne3A_669 : i32
        %lt3A_671 = arith.constant 0 : i32
        %lt3A_672 = arith.cmpi slt, %rem3A_668, %lt3A_671 : i32
        %lt3A_673 = arith.constant 0 : i32
        %lt3A_674 = arith.cmpi slt, %select_n3A_667, %lt3A_673 : i32
        %ne3A_675 = arith.xori %lt3A_672, %lt3A_674 : i1
        %and3A_676 = arith.andi %ne3A_675, %ne3A_670 : i1
        %add3A_677 = arith.addi %rem3A_668, %select_n3A_667 : i32
        %select_n3A_678 = arith.select %and3A_676, %add3A_677, %rem3A_668 : i32
        %broadcast_in_dim3A_679 = vector.broadcast %select_n3A_678 : i32 to vector<16xi32>
        %gather3A_680 = tpu.vector_load_idx %arg6[%broadcast_in_dim3A_662, %broadcast_in_dim3A_679] : memref<8x128xi32, #tpu.memory_space<vmem>>[vector<16xi32>, vector<16xi32>], vector<16xi32>,
        %ne3A_681 = arith.constant 0 : i32
        %ne3A_682 = vector.broadcast %ne3A_681 : i32 to vector<16xi32>
        %ne3A_683 = arith.cmpi ne, %gather3A_680, %ne3A_682 : vector<16xi32>
        %select_n3A_684 = arith.select %ne3A_683, %get3A_21, %get3A_5 : vector<16xi1>, vector<16xf32>
        %swap3A_685 = arith.index_cast %scan3A_635 : i32 to index
        %swap3A_686 = arith.constant 0 : index
        %swap3A_687 = tpu.vector_load %arg8[%swap3A_685, %swap3A_686] {strides = array<i32>} : memref<256x64xf32, #tpu.memory_space<vmem>>, vector<16xf32>,
        tpu.vector_store %arg8[%swap3A_685, %swap3A_686], %select_n3A_684 {strides = array<i32>} : memref<256x64xf32, #tpu.memory_space<vmem>>, vector<16xf32>,
        %select_n3A_688 = arith.select %ne3A_683, %get3A_25, %get3A_9 : vector<16xi1>, vector<16xf32>
        %swap3A_689 = arith.index_cast %scan3A_635 : i32 to index
        %swap3A_690 = arith.constant 16 : index
        %swap3A_691 = tpu.vector_load %arg8[%swap3A_689, %swap3A_690] {strides = array<i32>} : memref<256x64xf32, #tpu.memory_space<vmem>>, vector<16xf32>,
        tpu.vector_store %arg8[%swap3A_689, %swap3A_690], %select_n3A_688 {strides = array<i32>} : memref<256x64xf32, #tpu.memory_space<vmem>>, vector<16xf32>,
        %select_n3A_692 = arith.select %ne3A_683, %get3A_29, %get3A_13 : vector<16xi1>, vector<16xf32>
        %swap3A_693 = arith.index_cast %scan3A_635 : i32 to index
        %swap3A_694 = arith.constant 32 : index
        %swap3A_695 = tpu.vector_load %arg8[%swap3A_693, %swap3A_694] {strides = array<i32>} : memref<256x64xf32, #tpu.memory_space<vmem>>, vector<16xf32>,
        tpu.vector_store %arg8[%swap3A_693, %swap3A_694], %select_n3A_692 {strides = array<i32>} : memref<256x64xf32, #tpu.memory_space<vmem>>, vector<16xf32>,
        %select_n3A_696 = arith.select %ne3A_683, %get3A_33, %get3A_17 : vector<16xi1>, vector<16xf32>
        %swap3A_697 = arith.index_cast %scan3A_635 : i32 to index
        %swap3A_698 = arith.constant 48 : index
        %swap3A_699 = tpu.vector_load %arg8[%swap3A_697, %swap3A_698] {strides = array<i32>} : memref<256x64xf32, #tpu.memory_space<vmem>>, vector<16xf32>,
        tpu.vector_store %arg8[%swap3A_697, %swap3A_698], %select_n3A_696 {strides = array<i32>} : memref<256x64xf32, #tpu.memory_space<vmem>>, vector<16xf32>,
      }
      %scan3A_419 = arith.constant 256 : i32
      %dma_start3A_420 = arith.constant 0 : i32
      %dma_start3A_421 = tpu.memref_slice %arg4[%add3A_409, %dma_start3A_420] : memref<3276800x64xf32, #tpu.memory_space<hbm>> -> memref<256x64xf32, #tpu.memory_space<hbm>>
      %dma_start3A_422 = arith.constant 0 : i32
      %dma_start3A_423 = tpu.memref_slice %arg4[%add3A_409, %dma_start3A_422] : memref<3276800x64xf32, #tpu.memory_space<hbm>> -> memref<256x64xf32, #tpu.memory_space<hbm>>
      tpu.enqueue_dma source(%arg8 : memref<256x64xf32, #tpu.memory_space<vmem>>) target(%dma_start3A_423 : memref<256x64xf32, #tpu.memory_space<hbm>>) target_semaphore(%arg10 : memref<!tpu.dma_semaphore, #tpu.memory_space<semaphore_mem>>)
      %add3A_424 = arith.constant 768 : i32
      %add3A_425 = arith.addi %multiple_of3A_277, %add3A_424 : i32
      %dma_wait3A_426 = arith.constant 0 : i32
      %dma_wait3A_427 = tpu.memref_slice %arg4[%add3A_425, %dma_wait3A_426] : memref<3276800x64xf32, #tpu.memory_space<hbm>> -> memref<256x64xf32, #tpu.memory_space<hbm>>
      %dma_wait3A_428 = arith.constant 0 : i32
      %dma_wait3A_429 = tpu.memref_slice %arg4[%add3A_425, %dma_wait3A_428] : memref<3276800x64xf32, #tpu.memory_space<hbm>> -> memref<256x64xf32, #tpu.memory_space<hbm>>
      tpu.wait_dma2 semaphore(%arg11 : memref<!tpu.dma_semaphore, #tpu.memory_space<semaphore_mem>>) src(%arg9 : memref<256x64xf32, #tpu.memory_space<vmem>>) dst(%dma_wait3A_429 : memref<256x64xf32, #tpu.memory_space<hbm>>)
      %scan3A_430 = arith.constant 0 : i32
      %scan3A_431 = arith.constant 0 : i32
      %scan3A_432 = arith.constant 256 : i32
      %scan3A_433 = arith.addi %scan3A_431, %scan3A_432 : i32
      %scan3A_434 = arith.constant 4 : i32
      scf.for %scan3A_440 = %scan3A_431 to %scan3A_433 step %scan3A_434  : i32 {
        %add3A_441 = arith.constant 768 : i32
        %add3A_442 = arith.addi %add3A_441, %scan3A_440 : i32
        %jit3A_443 = arith.constant 128 : i32
        %div3A_444 = arith.divsi %add3A_442, %jit3A_443 : i32
        %sign3A_445 = arith.constant 0 : i32
        %sign3A_446 = arith.cmpi sgt, %add3A_442, %sign3A_445 : i32
        %sign3A_447 = arith.extui %sign3A_446 : i1 to i32
        %sign3A_448 = arith.constant 0 : i32
        %sign3A_449 = arith.cmpi slt, %add3A_442, %sign3A_448 : i32
        %sign3A_450 = arith.extui %sign3A_449 : i1 to i32
        %sign3A_451 = arith.subi %sign3A_447, %sign3A_450 : i32
        %sign3A_452 = arith.constant 0 : i32
        %sign3A_453 = arith.cmpi sgt, %jit3A_443, %sign3A_452 : i32
        %sign3A_454 = arith.extui %sign3A_453 : i1 to i32
        %sign3A_455 = arith.constant 0 : i32
        %sign3A_456 = arith.cmpi slt, %jit3A_443, %sign3A_455 : i32
        %sign3A_457 = arith.extui %sign3A_456 : i1 to i32
        %sign3A_458 = arith.subi %sign3A_454, %sign3A_457 : i32
        %ne3A_459 = arith.cmpi ne, %sign3A_451, %sign3A_458 : i32
        %rem3A_460 = arith.remsi %add3A_442, %jit3A_443 : i32
        %ne3A_461 = arith.constant 0 : i32
        %ne3A_462 = arith.cmpi ne, %rem3A_460, %ne3A_461 : i32
        %and3A_463 = arith.andi %ne3A_459, %ne3A_462 : i1
        %sub3A_464 = arith.constant 1 : i32
        %sub3A_465 = arith.subi %div3A_444, %sub3A_464 : i32
        %select_n3A_466 = arith.select %and3A_463, %sub3A_465, %div3A_444 : i32
        %broadcast_in_dim3A = vector.broadcast %select_n3A_466 : i32 to vector<16xi32>
        %jit3A_467 = arith.constant 128 : i32
        %eq3A_468 = arith.constant 0 : i32
        %eq3A_469 = arith.cmpi eq, %jit3A_467, %eq3A_468 : i32
        %jit3A_470 = arith.constant 1 : i32
        %select_n3A_471 = arith.select %eq3A_469, %jit3A_470, %jit3A_467 : i32
        %rem3A_472 = arith.remsi %add3A_442, %select_n3A_471 : i32
        %ne3A_473 = arith.constant 0 : i32
        %ne3A_474 = arith.cmpi ne, %rem3A_472, %ne3A_473 : i32
        %lt3A_475 = arith.constant 0 : i32
        %lt3A_476 = arith.cmpi slt, %rem3A_472, %lt3A_475 : i32
        %lt3A_477 = arith.constant 0 : i32
        %lt3A_478 = arith.cmpi slt, %select_n3A_471, %lt3A_477 : i32
        %ne3A_479 = arith.xori %lt3A_476, %lt3A_478 : i1
        %and3A_480 = arith.andi %ne3A_479, %ne3A_474 : i1
        %add3A_481 = arith.addi %rem3A_472, %select_n3A_471 : i32
        %select_n3A_482 = arith.select %and3A_480, %add3A_481, %rem3A_472 : i32
        %broadcast_in_dim3A_483 = vector.broadcast %select_n3A_482 : i32 to vector<16xi32>
        %gather3A = tpu.vector_load_idx %arg6[%broadcast_in_dim3A, %broadcast_in_dim3A_483] : memref<8x128xi32, #tpu.memory_space<vmem>>[vector<16xi32>, vector<16xi32>], vector<16xi32>,
        %ne3A_484 = arith.constant 0 : i32
        %ne3A_485 = vector.broadcast %ne3A_484 : i32 to vector<16xi32>
        %ne3A_486 = arith.cmpi ne, %gather3A, %ne3A_485 : vector<16xi32>
        %select_n3A_487 = arith.select %ne3A_486, %get3A_21, %get3A_5 : vector<16xi1>, vector<16xf32>
        %swap3A = arith.index_cast %scan3A_440 : i32 to index
        %swap3A_488 = arith.constant 0 : index
        %swap3A_489 = tpu.vector_load %arg9[%swap3A, %swap3A_488] {strides = array<i32>} : memref<256x64xf32, #tpu.memory_space<vmem>>, vector<16xf32>,
        tpu.vector_store %arg9[%swap3A, %swap3A_488], %select_n3A_487 {strides = array<i32>} : memref<256x64xf32, #tpu.memory_space<vmem>>, vector<16xf32>,
        %select_n3A_490 = arith.select %ne3A_486, %get3A_25, %get3A_9 : vector<16xi1>, vector<16xf32>
        %swap3A_491 = arith.index_cast %scan3A_440 : i32 to index
        %swap3A_492 = arith.constant 16 : index
        %swap3A_493 = tpu.vector_load %arg9[%swap3A_491, %swap3A_492] {strides = array<i32>} : memref<256x64xf32, #tpu.memory_space<vmem>>, vector<16xf32>,
        tpu.vector_store %arg9[%swap3A_491, %swap3A_492], %select_n3A_490 {strides = array<i32>} : memref<256x64xf32, #tpu.memory_space<vmem>>, vector<16xf32>,
        %select_n3A_494 = arith.select %ne3A_486, %get3A_29, %get3A_13 : vector<16xi1>, vector<16xf32>
        %swap3A_495 = arith.index_cast %scan3A_440 : i32 to index
        %swap3A_496 = arith.constant 32 : index
        %swap3A_497 = tpu.vector_load %arg9[%swap3A_495, %swap3A_496] {strides = array<i32>} : memref<256x64xf32, #tpu.memory_space<vmem>>, vector<16xf32>,
        tpu.vector_store %arg9[%swap3A_495, %swap3A_496], %select_n3A_494 {strides = array<i32>} : memref<256x64xf32, #tpu.memory_space<vmem>>, vector<16xf32>,
        %select_n3A_498 = arith.select %ne3A_486, %get3A_33, %get3A_17 : vector<16xi1>, vector<16xf32>
        %swap3A_499 = arith.index_cast %scan3A_440 : i32 to index
        %swap3A_500 = arith.constant 48 : index
        %swap3A_501 = tpu.vector_load %arg9[%swap3A_499, %swap3A_500] {strides = array<i32>} : memref<256x64xf32, #tpu.memory_space<vmem>>, vector<16xf32>,
        tpu.vector_store %arg9[%swap3A_499, %swap3A_500], %select_n3A_498 {strides = array<i32>} : memref<256x64xf32, #tpu.memory_space<vmem>>, vector<16xf32>,
        %scan3A_502 = arith.constant 1 : i32
        %scan3A_503 = arith.addi %scan3A_440, %scan3A_502 : i32
        %add3A_504 = arith.constant 768 : i32
        %add3A_505 = arith.addi %add3A_504, %scan3A_503 : i32
        %jit3A_506 = arith.constant 128 : i32
        %div3A_507 = arith.divsi %add3A_505, %jit3A_506 : i32
        %sign3A_508 = arith.constant 0 : i32
        %sign3A_509 = arith.cmpi sgt, %add3A_505, %sign3A_508 : i32
        %sign3A_510 = arith.extui %sign3A_509 : i1 to i32
        %sign3A_511 = arith.constant 0 : i32
        %sign3A_512 = arith.cmpi slt, %add3A_505, %sign3A_511 : i32
        %sign3A_513 = arith.extui %sign3A_512 : i1 to i32
        %sign3A_514 = arith.subi %sign3A_510, %sign3A_513 : i32
        %sign3A_515 = arith.constant 0 : i32
        %sign3A_516 = arith.cmpi sgt, %jit3A_506, %sign3A_515 : i32
        %sign3A_517 = arith.extui %sign3A_516 : i1 to i32
        %sign3A_518 = arith.constant 0 : i32
        %sign3A_519 = arith.cmpi slt, %jit3A_506, %sign3A_518 : i32
        %sign3A_520 = arith.extui %sign3A_519 : i1 to i32
        %sign3A_521 = arith.subi %sign3A_517, %sign3A_520 : i32
        %ne3A_522 = arith.cmpi ne, %sign3A_514, %sign3A_521 : i32
        %rem3A_523 = arith.remsi %add3A_505, %jit3A_506 : i32
        %ne3A_524 = arith.constant 0 : i32
        %ne3A_525 = arith.cmpi ne, %rem3A_523, %ne3A_524 : i32
        %and3A_526 = arith.andi %ne3A_522, %ne3A_525 : i1
        %sub3A_527 = arith.constant 1 : i32
        %sub3A_528 = arith.subi %div3A_507, %sub3A_527 : i32
        %select_n3A_529 = arith.select %and3A_526, %sub3A_528, %div3A_507 : i32
        %broadcast_in_dim3A_530 = vector.broadcast %select_n3A_529 : i32 to vector<16xi32>
        %jit3A_531 = arith.constant 128 : i32
        %eq3A_532 = arith.constant 0 : i32
        %eq3A_533 = arith.cmpi eq, %jit3A_531, %eq3A_532 : i32
        %jit3A_534 = arith.constant 1 : i32
        %select_n3A_535 = arith.select %eq3A_533, %jit3A_534, %jit3A_531 : i32
        %rem3A_536 = arith.remsi %add3A_505, %select_n3A_535 : i32
        %ne3A_537 = arith.constant 0 : i32
        %ne3A_538 = arith.cmpi ne, %rem3A_536, %ne3A_537 : i32
        %lt3A_539 = arith.constant 0 : i32
        %lt3A_540 = arith.cmpi slt, %rem3A_536, %lt3A_539 : i32
        %lt3A_541 = arith.constant 0 : i32
        %lt3A_542 = arith.cmpi slt, %select_n3A_535, %lt3A_541 : i32
        %ne3A_543 = arith.xori %lt3A_540, %lt3A_542 : i1
        %and3A_544 = arith.andi %ne3A_543, %ne3A_538 : i1
        %add3A_545 = arith.addi %rem3A_536, %select_n3A_535 : i32
        %select_n3A_546 = arith.select %and3A_544, %add3A_545, %rem3A_536 : i32
        %broadcast_in_dim3A_547 = vector.broadcast %select_n3A_546 : i32 to vector<16xi32>
        %gather3A_548 = tpu.vector_load_idx %arg6[%broadcast_in_dim3A_530, %broadcast_in_dim3A_547] : memref<8x128xi32, #tpu.memory_space<vmem>>[vector<16xi32>, vector<16xi32>], vector<16xi32>,
        %ne3A_549 = arith.constant 0 : i32
        %ne3A_550 = vector.broadcast %ne3A_549 : i32 to vector<16xi32>
        %ne3A_551 = arith.cmpi ne, %gather3A_548, %ne3A_550 : vector<16xi32>
        %select_n3A_552 = arith.select %ne3A_551, %get3A_21, %get3A_5 : vector<16xi1>, vector<16xf32>
        %swap3A_553 = arith.index_cast %scan3A_503 : i32 to index
        %swap3A_554 = arith.constant 0 : index
        %swap3A_555 = tpu.vector_load %arg9[%swap3A_553, %swap3A_554] {strides = array<i32>} : memref<256x64xf32, #tpu.memory_space<vmem>>, vector<16xf32>,
        tpu.vector_store %arg9[%swap3A_553, %swap3A_554], %select_n3A_552 {strides = array<i32>} : memref<256x64xf32, #tpu.memory_space<vmem>>, vector<16xf32>,
        %select_n3A_556 = arith.select %ne3A_551, %get3A_25, %get3A_9 : vector<16xi1>, vector<16xf32>
        %swap3A_557 = arith.index_cast %scan3A_503 : i32 to index
        %swap3A_558 = arith.constant 16 : index
        %swap3A_559 = tpu.vector_load %arg9[%swap3A_557, %swap3A_558] {strides = array<i32>} : memref<256x64xf32, #tpu.memory_space<vmem>>, vector<16xf32>,
        tpu.vector_store %arg9[%swap3A_557, %swap3A_558], %select_n3A_556 {strides = array<i32>} : memref<256x64xf32, #tpu.memory_space<vmem>>, vector<16xf32>,
        %select_n3A_560 = arith.select %ne3A_551, %get3A_29, %get3A_13 : vector<16xi1>, vector<16xf32>
        %swap3A_561 = arith.index_cast %scan3A_503 : i32 to index
        %swap3A_562 = arith.constant 32 : index
        %swap3A_563 = tpu.vector_load %arg9[%swap3A_561, %swap3A_562] {strides = array<i32>} : memref<256x64xf32, #tpu.memory_space<vmem>>, vector<16xf32>,
        tpu.vector_store %arg9[%swap3A_561, %swap3A_562], %select_n3A_560 {strides = array<i32>} : memref<256x64xf32, #tpu.memory_space<vmem>>, vector<16xf32>,
        %select_n3A_564 = arith.select %ne3A_551, %get3A_33, %get3A_17 : vector<16xi1>, vector<16xf32>
        %swap3A_565 = arith.index_cast %scan3A_503 : i32 to index
        %swap3A_566 = arith.constant 48 : index
        %swap3A_567 = tpu.vector_load %arg9[%swap3A_565, %swap3A_566] {strides = array<i32>} : memref<256x64xf32, #tpu.memory_space<vmem>>, vector<16xf32>,
        tpu.vector_store %arg9[%swap3A_565, %swap3A_566], %select_n3A_564 {strides = array<i32>} : memref<256x64xf32, #tpu.memory_space<vmem>>, vector<16xf32>,
        %scan3A_568 = arith.constant 2 : i32
        %scan3A_569 = arith.addi %scan3A_440, %scan3A_568 : i32
        %add3A_570 = arith.constant 768 : i32
        %add3A_571 = arith.addi %add3A_570, %scan3A_569 : i32
        %jit3A_572 = arith.constant 128 : i32
        %div3A_573 = arith.divsi %add3A_571, %jit3A_572 : i32
        %sign3A_574 = arith.constant 0 : i32
        %sign3A_575 = arith.cmpi sgt, %add3A_571, %sign3A_574 : i32
        %sign3A_576 = arith.extui %sign3A_575 : i1 to i32
        %sign3A_577 = arith.constant 0 : i32
        %sign3A_578 = arith.cmpi slt, %add3A_571, %sign3A_577 : i32
        %sign3A_579 = arith.extui %sign3A_578 : i1 to i32
        %sign3A_580 = arith.subi %sign3A_576, %sign3A_579 : i32
        %sign3A_581 = arith.constant 0 : i32
        %sign3A_582 = arith.cmpi sgt, %jit3A_572, %sign3A_581 : i32
        %sign3A_583 = arith.extui %sign3A_582 : i1 to i32
        %sign3A_584 = arith.constant 0 : i32
        %sign3A_585 = arith.cmpi slt, %jit3A_572, %sign3A_584 : i32
        %sign3A_586 = arith.extui %sign3A_585 : i1 to i32
        %sign3A_587 = arith.subi %sign3A_583, %sign3A_586 : i32
        %ne3A_588 = arith.cmpi ne, %sign3A_580, %sign3A_587 : i32
        %rem3A_589 = arith.remsi %add3A_571, %jit3A_572 : i32
        %ne3A_590 = arith.constant 0 : i32
        %ne3A_591 = arith.cmpi ne, %rem3A_589, %ne3A_590 : i32
        %and3A_592 = arith.andi %ne3A_588, %ne3A_591 : i1
        %sub3A_593 = arith.constant 1 : i32
        %sub3A_594 = arith.subi %div3A_573, %sub3A_593 : i32
        %select_n3A_595 = arith.select %and3A_592, %sub3A_594, %div3A_573 : i32
        %broadcast_in_dim3A_596 = vector.broadcast %select_n3A_595 : i32 to vector<16xi32>
        %jit3A_597 = arith.constant 128 : i32
        %eq3A_598 = arith.constant 0 : i32
        %eq3A_599 = arith.cmpi eq, %jit3A_597, %eq3A_598 : i32
        %jit3A_600 = arith.constant 1 : i32
        %select_n3A_601 = arith.select %eq3A_599, %jit3A_600, %jit3A_597 : i32
        %rem3A_602 = arith.remsi %add3A_571, %select_n3A_601 : i32
        %ne3A_603 = arith.constant 0 : i32
        %ne3A_604 = arith.cmpi ne, %rem3A_602, %ne3A_603 : i32
        %lt3A_605 = arith.constant 0 : i32
        %lt3A_606 = arith.cmpi slt, %rem3A_602, %lt3A_605 : i32
        %lt3A_607 = arith.constant 0 : i32
        %lt3A_608 = arith.cmpi slt, %select_n3A_601, %lt3A_607 : i32
        %ne3A_609 = arith.xori %lt3A_606, %lt3A_608 : i1
        %and3A_610 = arith.andi %ne3A_609, %ne3A_604 : i1
        %add3A_611 = arith.addi %rem3A_602, %select_n3A_601 : i32
        %select_n3A_612 = arith.select %and3A_610, %add3A_611, %rem3A_602 : i32
        %broadcast_in_dim3A_613 = vector.broadcast %select_n3A_612 : i32 to vector<16xi32>
        %gather3A_614 = tpu.vector_load_idx %arg6[%broadcast_in_dim3A_596, %broadcast_in_dim3A_613] : memref<8x128xi32, #tpu.memory_space<vmem>>[vector<16xi32>, vector<16xi32>], vector<16xi32>,
        %ne3A_615 = arith.constant 0 : i32
        %ne3A_616 = vector.broadcast %ne3A_615 : i32 to vector<16xi32>
        %ne3A_617 = arith.cmpi ne, %gather3A_614, %ne3A_616 : vector<16xi32>
        %select_n3A_618 = arith.select %ne3A_617, %get3A_21, %get3A_5 : vector<16xi1>, vector<16xf32>
        %swap3A_619 = arith.index_cast %scan3A_569 : i32 to index
        %swap3A_620 = arith.constant 0 : index
        %swap3A_621 = tpu.vector_load %arg9[%swap3A_619, %swap3A_620] {strides = array<i32>} : memref<256x64xf32, #tpu.memory_space<vmem>>, vector<16xf32>,
        tpu.vector_store %arg9[%swap3A_619, %swap3A_620], %select_n3A_618 {strides = array<i32>} : memref<256x64xf32, #tpu.memory_space<vmem>>, vector<16xf32>,
        %select_n3A_622 = arith.select %ne3A_617, %get3A_25, %get3A_9 : vector<16xi1>, vector<16xf32>
        %swap3A_623 = arith.index_cast %scan3A_569 : i32 to index
        %swap3A_624 = arith.constant 16 : index
        %swap3A_625 = tpu.vector_load %arg9[%swap3A_623, %swap3A_624] {strides = array<i32>} : memref<256x64xf32, #tpu.memory_space<vmem>>, vector<16xf32>,
        tpu.vector_store %arg9[%swap3A_623, %swap3A_624], %select_n3A_622 {strides = array<i32>} : memref<256x64xf32, #tpu.memory_space<vmem>>, vector<16xf32>,
        %select_n3A_626 = arith.select %ne3A_617, %get3A_29, %get3A_13 : vector<16xi1>, vector<16xf32>
        %swap3A_627 = arith.index_cast %scan3A_569 : i32 to index
        %swap3A_628 = arith.constant 32 : index
        %swap3A_629 = tpu.vector_load %arg9[%swap3A_627, %swap3A_628] {strides = array<i32>} : memref<256x64xf32, #tpu.memory_space<vmem>>, vector<16xf32>,
        tpu.vector_store %arg9[%swap3A_627, %swap3A_628], %select_n3A_626 {strides = array<i32>} : memref<256x64xf32, #tpu.memory_space<vmem>>, vector<16xf32>,
        %select_n3A_630 = arith.select %ne3A_617, %get3A_33, %get3A_17 : vector<16xi1>, vector<16xf32>
        %swap3A_631 = arith.index_cast %scan3A_569 : i32 to index
        %swap3A_632 = arith.constant 48 : index
        %swap3A_633 = tpu.vector_load %arg9[%swap3A_631, %swap3A_632] {strides = array<i32>} : memref<256x64xf32, #tpu.memory_space<vmem>>, vector<16xf32>,
        tpu.vector_store %arg9[%swap3A_631, %swap3A_632], %select_n3A_630 {strides = array<i32>} : memref<256x64xf32, #tpu.memory_space<vmem>>, vector<16xf32>,
        %scan3A_634 = arith.constant 3 : i32
        %scan3A_635 = arith.addi %scan3A_440, %scan3A_634 : i32
        %add3A_636 = arith.constant 768 : i32
        %add3A_637 = arith.addi %add3A_636, %scan3A_635 : i32
        %jit3A_638 = arith.constant 128 : i32
        %div3A_639 = arith.divsi %add3A_637, %jit3A_638 : i32
        %sign3A_640 = arith.constant 0 : i32
        %sign3A_641 = arith.cmpi sgt, %add3A_637, %sign3A_640 : i32
        %sign3A_642 = arith.extui %sign3A_641 : i1 to i32
        %sign3A_643 = arith.constant 0 : i32
        %sign3A_644 = arith.cmpi slt, %add3A_637, %sign3A_643 : i32
        %sign3A_645 = arith.extui %sign3A_644 : i1 to i32
        %sign3A_646 = arith.subi %sign3A_642, %sign3A_645 : i32
        %sign3A_647 = arith.constant 0 : i32
        %sign3A_648 = arith.cmpi sgt, %jit3A_638, %sign3A_647 : i32
        %sign3A_649 = arith.extui %sign3A_648 : i1 to i32
        %sign3A_650 = arith.constant 0 : i32
        %sign3A_651 = arith.cmpi slt, %jit3A_638, %sign3A_650 : i32
        %sign3A_652 = arith.extui %sign3A_651 : i1 to i32
        %sign3A_653 = arith.subi %sign3A_649, %sign3A_652 : i32
        %ne3A_654 = arith.cmpi ne, %sign3A_646, %sign3A_653 : i32
        %rem3A_655 = arith.remsi %add3A_637, %jit3A_638 : i32
        %ne3A_656 = arith.constant 0 : i32
        %ne3A_657 = arith.cmpi ne, %rem3A_655, %ne3A_656 : i32
        %and3A_658 = arith.andi %ne3A_654, %ne3A_657 : i1
        %sub3A_659 = arith.constant 1 : i32
        %sub3A_660 = arith.subi %div3A_639, %sub3A_659 : i32
        %select_n3A_661 = arith.select %and3A_658, %sub3A_660, %div3A_639 : i32
        %broadcast_in_dim3A_662 = vector.broadcast %select_n3A_661 : i32 to vector<16xi32>
        %jit3A_663 = arith.constant 128 : i32
        %eq3A_664 = arith.constant 0 : i32
        %eq3A_665 = arith.cmpi eq, %jit3A_663, %eq3A_664 : i32
        %jit3A_666 = arith.constant 1 : i32
        %select_n3A_667 = arith.select %eq3A_665, %jit3A_666, %jit3A_663 : i32
        %rem3A_668 = arith.remsi %add3A_637, %select_n3A_667 : i32
        %ne3A_669 = arith.constant 0 : i32
        %ne3A_670 = arith.cmpi ne, %rem3A_668, %ne3A_669 : i32
        %lt3A_671 = arith.constant 0 : i32
        %lt3A_672 = arith.cmpi slt, %rem3A_668, %lt3A_671 : i32
        %lt3A_673 = arith.constant 0 : i32
        %lt3A_674 = arith.cmpi slt, %select_n3A_667, %lt3A_673 : i32
        %ne3A_675 = arith.xori %lt3A_672, %lt3A_674 : i1
        %and3A_676 = arith.andi %ne3A_675, %ne3A_670 : i1
        %add3A_677 = arith.addi %rem3A_668, %select_n3A_667 : i32
        %select_n3A_678 = arith.select %and3A_676, %add3A_677, %rem3A_668 : i32
        %broadcast_in_dim3A_679 = vector.broadcast %select_n3A_678 : i32 to vector<16xi32>
        %gather3A_680 = tpu.vector_load_idx %arg6[%broadcast_in_dim3A_662, %broadcast_in_dim3A_679] : memref<8x128xi32, #tpu.memory_space<vmem>>[vector<16xi32>, vector<16xi32>], vector<16xi32>,
        %ne3A_681 = arith.constant 0 : i32
        %ne3A_682 = vector.broadcast %ne3A_681 : i32 to vector<16xi32>
        %ne3A_683 = arith.cmpi ne, %gather3A_680, %ne3A_682 : vector<16xi32>
        %select_n3A_684 = arith.select %ne3A_683, %get3A_21, %get3A_5 : vector<16xi1>, vector<16xf32>
        %swap3A_685 = arith.index_cast %scan3A_635 : i32 to index
        %swap3A_686 = arith.constant 0 : index
        %swap3A_687 = tpu.vector_load %arg9[%swap3A_685, %swap3A_686] {strides = array<i32>} : memref<256x64xf32, #tpu.memory_space<vmem>>, vector<16xf32>,
        tpu.vector_store %arg9[%swap3A_685, %swap3A_686], %select_n3A_684 {strides = array<i32>} : memref<256x64xf32, #tpu.memory_space<vmem>>, vector<16xf32>,
        %select_n3A_688 = arith.select %ne3A_683, %get3A_25, %get3A_9 : vector<16xi1>, vector<16xf32>
        %swap3A_689 = arith.index_cast %scan3A_635 : i32 to index
        %swap3A_690 = arith.constant 16 : index
        %swap3A_691 = tpu.vector_load %arg9[%swap3A_689, %swap3A_690] {strides = array<i32>} : memref<256x64xf32, #tpu.memory_space<vmem>>, vector<16xf32>,
        tpu.vector_store %arg9[%swap3A_689, %swap3A_690], %select_n3A_688 {strides = array<i32>} : memref<256x64xf32, #tpu.memory_space<vmem>>, vector<16xf32>,
        %select_n3A_692 = arith.select %ne3A_683, %get3A_29, %get3A_13 : vector<16xi1>, vector<16xf32>
        %swap3A_693 = arith.index_cast %scan3A_635 : i32 to index
        %swap3A_694 = arith.constant 32 : index
        %swap3A_695 = tpu.vector_load %arg9[%swap3A_693, %swap3A_694] {strides = array<i32>} : memref<256x64xf32, #tpu.memory_space<vmem>>, vector<16xf32>,
        tpu.vector_store %arg9[%swap3A_693, %swap3A_694], %select_n3A_692 {strides = array<i32>} : memref<256x64xf32, #tpu.memory_space<vmem>>, vector<16xf32>,
        %select_n3A_696 = arith.select %ne3A_683, %get3A_33, %get3A_17 : vector<16xi1>, vector<16xf32>
        %swap3A_697 = arith.index_cast %scan3A_635 : i32 to index
        %swap3A_698 = arith.constant 48 : index
        %swap3A_699 = tpu.vector_load %arg9[%swap3A_697, %swap3A_698] {strides = array<i32>} : memref<256x64xf32, #tpu.memory_space<vmem>>, vector<16xf32>,
        tpu.vector_store %arg9[%swap3A_697, %swap3A_698], %select_n3A_696 {strides = array<i32>} : memref<256x64xf32, #tpu.memory_space<vmem>>, vector<16xf32>,
      }
      %scan3A_435 = arith.constant 256 : i32
      %dma_start3A_436 = arith.constant 0 : i32
      %dma_start3A_437 = tpu.memref_slice %arg4[%add3A_425, %dma_start3A_436] : memref<3276800x64xf32, #tpu.memory_space<hbm>> -> memref<256x64xf32, #tpu.memory_space<hbm>>
      %dma_start3A_438 = arith.constant 0 : i32
      %dma_start3A_439 = tpu.memref_slice %arg4[%add3A_425, %dma_start3A_438] : memref<3276800x64xf32, #tpu.memory_space<hbm>> -> memref<256x64xf32, #tpu.memory_space<hbm>>
      tpu.enqueue_dma source(%arg9 : memref<256x64xf32, #tpu.memory_space<vmem>>) target(%dma_start3A_439 : memref<256x64xf32, #tpu.memory_space<hbm>>) target_semaphore(%arg11 : memref<!tpu.dma_semaphore, #tpu.memory_space<semaphore_mem>>)
    }
    %scan3A_59 = arith.constant 50 : i32
    %dma_wait3A = arith.constant 0 : i32
    %dma_wait3A_60 = arith.constant 0 : i32
    %dma_wait3A_61 = tpu.memref_slice %arg4[%dma_wait3A, %dma_wait3A_60] : memref<3276800x64xf32, #tpu.memory_space<hbm>> -> memref<256x64xf32, #tpu.memory_space<hbm>>
    %dma_wait3A_62 = arith.constant 0 : i32
    %dma_wait3A_63 = arith.constant 0 : i32
    %dma_wait3A_64 = tpu.memref_slice %arg4[%dma_wait3A_62, %dma_wait3A_63] : memref<3276800x64xf32, #tpu.memory_space<hbm>> -> memref<256x64xf32, #tpu.memory_space<hbm>>
    tpu.wait_dma2 semaphore(%arg10 : memref<!tpu.dma_semaphore, #tpu.memory_space<semaphore_mem>>) src(%arg8 : memref<256x64xf32, #tpu.memory_space<vmem>>) dst(%dma_wait3A_64 : memref<256x64xf32, #tpu.memory_space<hbm>>)
    %dma_wait3A_65 = arith.constant 0 : i32
    %dma_wait3A_66 = arith.constant 0 : i32
    %dma_wait3A_67 = tpu.memref_slice %arg4[%dma_wait3A_65, %dma_wait3A_66] : memref<3276800x64xf32, #tpu.memory_space<hbm>> -> memref<256x64xf32, #tpu.memory_space<hbm>>
    %dma_wait3A_68 = arith.constant 0 : i32
    %dma_wait3A_69 = arith.constant 0 : i32
    %dma_wait3A_70 = tpu.memref_slice %arg4[%dma_wait3A_68, %dma_wait3A_69] : memref<3276800x64xf32, #tpu.memory_space<hbm>> -> memref<256x64xf32, #tpu.memory_space<hbm>>
    tpu.wait_dma2 semaphore(%arg11 : memref<!tpu.dma_semaphore, #tpu.memory_space<semaphore_mem>>) src(%arg9 : memref<256x64xf32, #tpu.memory_space<vmem>>) dst(%dma_wait3A_70 : memref<256x64xf32, #tpu.memory_space<hbm>>)
    %add3A_71 = arith.constant 0 : i32
    %add3A_72 = arith.addi %mul3A_2, %add3A_71 : i32
    %jit3A_73 = arith.constant 128 : i32
    %div3A_74 = arith.divsi %add3A_72, %jit3A_73 : i32
    %sign3A_75 = arith.constant 0 : i32
    %sign3A_76 = arith.cmpi sgt, %add3A_72, %sign3A_75 : i32
    %sign3A_77 = arith.extui %sign3A_76 : i1 to i32
    %sign3A_78 = arith.constant 0 : i32
    %sign3A_79 = arith.cmpi slt, %add3A_72, %sign3A_78 : i32
    %sign3A_80 = arith.extui %sign3A_79 : i1 to i32
    %sign3A_81 = arith.subi %sign3A_77, %sign3A_80 : i32
    %sign3A_82 = arith.constant 0 : i32
    %sign3A_83 = arith.cmpi sgt, %jit3A_73, %sign3A_82 : i32
    %sign3A_84 = arith.extui %sign3A_83 : i1 to i32
    %sign3A_85 = arith.constant 0 : i32
    %sign3A_86 = arith.cmpi slt, %jit3A_73, %sign3A_85 : i32
    %sign3A_87 = arith.extui %sign3A_86 : i1 to i32
    %sign3A_88 = arith.subi %sign3A_84, %sign3A_87 : i32
    %ne3A_89 = arith.cmpi ne, %sign3A_81, %sign3A_88 : i32
    %rem3A_90 = arith.remsi %add3A_72, %jit3A_73 : i32
    %ne3A_91 = arith.constant 0 : i32
    %ne3A_92 = arith.cmpi ne, %rem3A_90, %ne3A_91 : i32
    %and3A_93 = arith.andi %ne3A_89, %ne3A_92 : i1
    %sub3A_94 = arith.constant 1 : i32
    %sub3A_95 = arith.subi %div3A_74, %sub3A_94 : i32
    %select_n3A_96 = arith.select %and3A_93, %sub3A_95, %div3A_74 : i32
    %multiple_of3A_97 = tpu.assume_multiple %select_n3A_96, 8 : i32
    %dma_wait3A_98 = arith.constant 0 : i32
    %dma_wait3A_99 = tpu.memref_slice %arg2[%multiple_of3A_97, %dma_wait3A_98] : memref<25600x128xi32, #tpu.memory_space<hbm>> -> memref<8x128xi32, #tpu.memory_space<hbm>>
    %dma_wait3A_100 = arith.constant 0 : i32
    %dma_wait3A_101 = tpu.memref_slice %arg2[%multiple_of3A_97, %dma_wait3A_100] : memref<25600x128xi32, #tpu.memory_space<hbm>> -> memref<8x128xi32, #tpu.memory_space<hbm>>
    tpu.wait_dma2 semaphore(%arg12 : memref<!tpu.dma_semaphore, #tpu.memory_space<semaphore_mem>>) src(%dma_wait3A_101 : memref<8x128xi32, #tpu.memory_space<hbm>>) dst(%arg5 : memref<8x128xi32, #tpu.memory_space<vmem>>)
    return
  }
}

</mosaic_0001>

<sc_bundles>
// kernel: sc_embed_lookup.3.cloned.1.call-start
scs
__scs_entry_jumppad:
0x0: {  	(pc) =	sbr.rel $0x88, $3  }
0x1: {  	(tag) =	ssettag $0x0;
	lr =	simm.s32 $0x1  }
0x2: {  	[smem:$0x3F9F] =	sst lr;
	_ =	strace $0xD0000000  }
0x3: {  	_ = 	snop  }
0x4: {  	_ = 	snop  }
0x5: {  	_ = 	snop  }
0x6: {  	_ = 	snop  }
0x7: {  	_ = 	snop  }
__scs_overlays_trampoline_lowered:
0x8: {  	[smem:$0x3FAE] =	sst s0  }
0x9: {  	[smem:$0x3FAF] =	sst s1  }
0xa: {  	[smem:$0x3FB0] =	sst s2  }
0xb: {  	[smem:$0x3FB1] =	sst s3  }
0xc: {  	[smem:$0x3FB2] =	sst s4  }
0xd: {  	[smem:$0x3FB3] =	sst s5  }
0xe: {  	[smem:$0x3FB4] =	sst s6  }
0xf: {  	[smem:$0x3FB5] =	sst s7  }
0x10: {  	[smem:$0x3FB6] =	sst s8  }
0x11: {  	[smem:$0x3FB7] =	sst s9;
	s0 =	simm.s32 @!p0 $0x0  }
0x12: {  	s1 =	sld [smem:$0x3F9D];
	s0 =	simm.s32 @p0 $0x1  }
0x13: {  	[smem:$0x3FB8] =	sst s0;
	s0 =	simm.s32 @!p1 $0x0  }
0x14: {  	s2 =	sld [smem:$0x3F9C];
	s0 =	simm.s32 @p1 $0x1  }
0x15: {  	[smem:$0x3FB9] =	sst s0;
	s0 =	simm.s32 @!p2 $0x0  }
0x16: {  	s3 =	sld [smem:$0x3FDB];
	s0 =	simm.s32 @p2 $0x1  }
0x17: {  	s4 =	simm.s32 $0x1BF5;
	[smem:$0x3FBB] =	sst s0  }
0x18: {  	s0 =	sld [smem:$0x3F9E];
	_ =	swait.ge [sflag:s4], $0x0  }
0x19: {  	s7 =	sld [smem:$0x3F9F]  }
0x1a: {  	s8 =	sadd.s32 $0xFFFFE003, lr  }
0x1b: {  	s9 =	sadd.s32 $0xFFFFFEF7, lr;
	s5 =	simm.s32 $0xFFFFFFFF;
	p2 =	slt.u32 s8, $0xFFFFF086  }
0x1c: {  	p1 =	slt.u32 s9, $0xF7A;
	s5 =	simm.s32 @!p2 $0x0  }
0x1d: {  	s5 =	simm.s32 @p1 $0x1;
	p0 =	seq.s32 s7, s2  }
0x1e: {  	s7 =	smul.u32 @!p0 $0xF7A, s2;
	p2 =	seq.s32 @!p0 s5, $0x0  }
0x1f: {  	s9 =	smul.u32 $0xF7A, s1;
	s8 =	simm.s32 @!p0 $0x1BF5;
	p2 =	por !p2, p0  }
0x20: {  	[sflag:s8] =	ssyncset.s32 @!p0 $0xFFFFF086;
	s6 =	sadd.s32 @!p0 s3, s7;
	s7 =	simm.s32 @!p0 $0x108  }
0x21: {  	s3 =	sadd.s32 s3, s9;
	s6 =	sadd.s32 @!p0 $0x88, s6;
	s7 =	simm.s32 @p2 $0x1082  }
0x22: {  	[simem:s7], [sflag:s8] =	dma.local @!p0 [hbm:s6], $0xF7A  }
0x23: {  	s9 =	sor.u32 $0xD0000000, s2;
	s6 =	simm.s32 $0x108;
	_ =	swait.ge @!p0 [sflag:s8], $0x0  }
0x24: {  	s3 =	sadd.s32 $0x88, s3;
	s6 =	simm.s32 @!p1 $0x1082;
	[sflag:s4] =	ssyncset.s32 $0xFFFFF086  }
0x25: {  	[simem:s6], [sflag:s4] =	dma.local [hbm:s3], $0xF7A  }
0x26: {  	[smem:$0x3F9F] =	sst s1;
	(tag) =	ssettag s2;
	_ =	strace s9  }
0x27: {  	s1 =	sld [smem:$0x3FAF]  }
0x28: {  	s2 =	sld [smem:$0x3FB0]  }
0x29: {  	s4 =	sld [smem:$0x3FB2]  }
0x2a: {  	p0 =	seq.s32 s5, $0x0;
	s5 =	sld [smem:$0x3FB3]  }
0x2b: {  	s6 =	sld [smem:$0x3FB4]  }
0x2c: {  	s7 =	sld [smem:$0x3FB5]  }
0x2d: {  	s3 =	simm.s32 $0x108;
	s8 =	sld [smem:$0x3FB6]  }
0x2e: {  	s3 =	simm.s32 @!p0 $0x1082;
	s9 =	sld [smem:$0x3FB7]  }
0x2f: {  	lr =	sadd.s32 s0, s3;
	s0 =	sld [smem:$0x3FAE]  }
0x30: {  	s3 =	sld [smem:$0x3FB1]  }
0x31: {  	[smem:$0x3FBA] =	sst s10  }
0x32: {  	s10 =	sld [smem:$0x3FB8];
	_ =	sdelay $0x3  }
0x33: {  	p0 =	seq.s32 s10, $0x1;
	s10 =	sld [smem:$0x3FBA];
	_ =	sdelay $0x3  }
0x34: {  	[smem:$0x3FBA] =	sst s10  }
0x35: {  	s10 =	sld [smem:$0x3FB9];
	_ =	sdelay $0x3  }
0x36: {  	p1 =	seq.s32 s10, $0x1;
	s10 =	sld [smem:$0x3FBA];
	_ =	sdelay $0x3  }
0x37: {  	[smem:$0x3FBA] =	sst s10  }
0x38: {  	s10 =	sld [smem:$0x3FBB]  }
0x39: {  	_ = 	snop;
	(pc) =	sbr.ind lr, $3  }
0x3a: {  	_ = 	snop  }
0x3b: {  	_ = 	snop  }
0x3c: {  	p2 =	seq.s32 s10, $0x1;
	s10 =	sld [smem:$0x3FBA]  }
0x3d: {  	_ =	shalt  }
0x3e: {  	_ =	shalt  }
0x3f: {  	_ =	shalt  }
0x40: {  	_ =	shalt  }
0x41: {  	_ =	shalt  }
0x42: {  	_ =	shalt  }
0x43: {  	_ =	shalt  }
0x44: {  	_ =	shalt  }
0x45: {  	_ =	shalt  }
0x46: {  	_ =	shalt  }
0x47: {  	_ =	shalt  }
0x48: {  	_ =	shalt  }
0x49: {  	_ =	shalt  }
0x4a: {  	_ =	shalt  }
0x4b: {  	_ =	shalt  }
0x4c: {  	_ =	shalt  }
0x4d: {  	_ =	shalt  }
0x4e: {  	_ =	shalt  }
0x4f: {  	_ =	shalt  }
0x50: {  	_ =	shalt  }
0x51: {  	_ =	shalt  }
0x52: {  	_ =	shalt  }
0x53: {  	_ =	shalt  }
0x54: {  	_ =	shalt  }
0x55: {  	_ =	shalt  }
0x56: {  	_ =	shalt  }
0x57: {  	_ =	shalt  }
0x58: {  	_ =	shalt  }
0x59: {  	_ =	shalt  }
0x5a: {  	_ =	shalt  }
0x5b: {  	_ =	shalt  }
0x5c: {  	_ =	shalt  }
0x5d: {  	_ =	shalt  }
0x5e: {  	_ =	shalt  }
0x5f: {  	_ =	shalt  }
0x60: {  	_ =	shalt  }
0x61: {  	_ =	shalt  }
0x62: {  	_ =	shalt  }
0x63: {  	_ =	shalt  }
0x64: {  	_ =	shalt  }
0x65: {  	_ =	shalt  }
0x66: {  	_ =	shalt  }
0x67: {  	_ =	shalt  }
0x68: {  	_ =	shalt  }
0x69: {  	_ =	shalt  }
0x6a: {  	_ =	shalt  }
0x6b: {  	_ =	shalt  }
0x6c: {  	_ =	shalt  }
0x6d: {  	_ =	shalt  }
0x6e: {  	_ =	shalt  }
0x6f: {  	_ =	shalt  }
0x70: {  	_ =	shalt  }
0x71: {  	_ =	shalt  }
0x72: {  	_ =	shalt  }
0x73: {  	_ =	shalt  }
0x74: {  	_ =	shalt  }
0x75: {  	_ =	shalt  }
0x76: {  	_ =	shalt  }
0x77: {  	_ =	shalt  }
0x78: {  	_ =	shalt  }
0x79: {  	_ =	shalt  }
0x7a: {  	_ =	shalt  }
0x7b: {  	_ =	shalt  }
0x7c: {  	_ =	shalt  }
0x7d: {  	_ =	shalt  }
0x7e: {  	_ =	shalt  }
0x7f: {  	_ =	shalt  }
0x80: {  	_ =	shalt  }
0x81: {  	_ =	shalt  }
0x82: {  	_ =	shalt  }
0x83: {  	_ =	shalt  }
0x84: {  	_ =	shalt  }
0x85: {  	_ =	shalt  }
0x86: {  	_ =	shalt  }
0x87: {  	_ =	shalt  }
.Lfunc_end0:
.L_simem_size_0:
called_computation_lowered:
.L_overlay_start_0:
0x88: {  	s2 =	sld [smem:$0x3FD9]  }
0x89: {  	s3 =	sld [smem:$0x3FFE];
	_ =	sdelay $0x1  }
0x8a: {  	s1 =	srdreg.scid  }
0x8b: {  	s0 =	sand.u32 $0x1, s1  }
0x8c: {  	s17 =	sshll.u32 s0, $0xA;
	s2 =	sadd.s32 s3, s2  }
0x8d: {  	s2 =	sadd.s32 s2, s17  }
0x8e: {  	[smem:$0x3FC6] =	sst s2  }
0x8f: {  	_ = 	snop  }
0x90: {  	s2 =	sld [smem:$0x3FC9]  }
0x91: {  	s18 =	sld [smem:$0x3FC8];
	(tm) =	ssettm $0x1  }
0x92: {  	s4 =	sld [smem:$0x3FFB];
	_ =	sdelay $0x3  }
0x93: {  	_ =	strace s4  }
0x94: {  	s4 =	sld [smem:$0x3FFC];
	_ =	sdelay $0x3  }
0x95: {  	_ =	strace s4  }
0x96: {  	s4 =	sld [smem:$0x3FFD];
	_ =	sdelay $0x3  }
0x97: {  	_ =	strace s4  }
0x98: {  	_ =	strace $0x8FFFFFFF  }
0x99: {  	s19 =	sld [smem:$0x3FDB];
	_ =	sdelay $0x1  }
0x9a: {  	s5 =	simm.s32 $_scs_section_size  }
0x9b: {  	s6 =	simm.s32 $_size__tile_overlayer_lowered;
	s7 =	simm.s32 $_tile_overlayer_lowered  }
0x9c: {  	s22 =	simm.s32 $0x1BFF;
	s21 =	sshll.u32 s7, $0x1;
	s4 =	sadd.s32 s5, s19  }
0x9d: {  	s8 =	simm.s32 $0x0;
	s20 =	sshll.u32 s6, $0x1;
	s6 =	sadd.s32 s21, s4  }
0x9e: {  	[timem:s8], [sflag:s22] =	dma.local [hbm:s6], s20  }
0x9f: {  	_ =	swait.ge [sflag:s22], s20  }
0xa0: {  	s5 =	ssub.s32 $0x0, s20;
	[sflag:s22] =	ssyncset.done $0x0  }
0xa1: {  	[sflag:s22] =	ssyncadd.s32 s5;
	_ =	sdelay $0x1  }
0xa2: {  	s23 =	simm.s32 $0x1B8B  }
0xa3: {  	_ =	swait.ge [sflag:s23], $0x1  }
0xa4: {  	[sflag:s23] =	ssyncset.done $0x0  }
0xa5: {  	s25 =	simm.s32 $0x1B8E;
	s24 =	sld [smem:$0x3FFE];
	[sflag:s23] =	ssyncadd.s32 $0xFFFFFFFF  }
0xa6: {  	s26 =	simm.s32 $execute0_lowered;
	[smem:$0x3FD2] =	sst s25  }
0xa7: {  	s6 =	sshll.u32 s26, $0x1;
	_ =	strace $0x80000046;
	[dreg:$0x1] =	wrdreg $0xFFFFFFFF  }
0xa8: {  	s28 =	simm.s32 $_size_execute0_lowered;
	s4 =	sadd.s32 s4, s6;
	[dreg:$0x0] =	wrdreg $0x0  }
0xa9: {  	s6 =	sshll.u32 s28, $0x1;
	[dreg:$0x2] =	wrdreg s4  }
0xaa: {  	[dreg:$0x3] =	wrdreg s6  }
0xab: {  	[dreg:$0x4] =	wrdreg $0xC0  }
0xac: {  	_ =	task [dreg:s8], $0x5FFFF  }
0xad: {  	[dreg:$0x1] =	wrdreg $0xFFFFFFFF  }
0xae: {  	[dreg:$0x0] =	wrdreg $0x60  }
0xaf: {  	[dreg:$0x2] =	wrdreg s2  }
0xb0: {  	[dreg:$0x3] =	wrdreg s18  }
0xb1: {  	[dreg:$0x4] =	wrdreg s24  }
0xb2: {  	[dreg:$0x5] =	wrdreg $0x9  }
0xb3: {  	_ =	task.clear_ibuf [dreg:s8], $0x6FFFF;
	_ =	strace $0x90000046  }
0xb4: {  	s29 =	simm.s32 $0x9;
	_ =	strace $0x80000048  }
0xb5: {  	_ =	swait.ge [sflag:s29], $0x1  }
0xb6: {  	[sflag:s29] =	ssyncadd.s32 $0xFFFFFFFF  }
0xb7: {  	_ =	strace $0x90000048  }
0xb8: {  	_ =	sfence  }
0xb9: {  	s30 =	sld [smem:$0x0];
	_ =	sdelay $0x2  }
0xba: {  	s31 =	sshll.u32 s1, $0xD;
	s1 =	sshrl.u32 s1, $0x2  }
0xbb: {  	s3 =	sand.u32 $0x4000, s31;
	s1 =	sadd.s32 s1, s30  }
0xbc: {  	s0 =	sor.u32 s3, s0;
	s1 =	sshll.u32 s1, $0x11  }
0xbd: {  	s0 =	sor.u32 s1, s0  }
0xbe: {  	s0 =	sadd.s32 $0x8F2B, s0  }
0xbf: {  	[sflag:s0] =	ssyncadd.remote.s32 $0x1  }
0xc0: {  	_ =	sfence.sel $0xFFFF  }
0xc1: {  	[dreg:$0x0] =	wrdreg $0xFFFFFFFF;
	(pc) =	sbr.abs _section_cstart, $3  }
0xc2: {  	[dreg:$0x1] =	wrdreg $0xFFFFFFFF  }
0xc3: {  	_ =	task.clear_ibuf [dreg:s8], $0x2FFFF;
	_ =	strace $0x9FFFFFFF  }
0xc4: {  	(tm) =	ssettm $0x7FFFFFFF  }
0xc5: {  	_ =	shalt  }
tec
execute0_lowered:
.L_overlay_start_1:
0x0: {  	(tag) =	ssettag $0x1  }
0x1: {  	s1 =	rddreg [dreg:$0x0]  }
0x2: {  	s2 =	srdreg.scid;
	s3 =	rddreg [dreg:$0x1]  }
0x3: {  	s0 =	stileid.u32;
	s11 =	rddreg [dreg:$0x2];
	s4 =	simm.s32 $0x0  }
0x4: {  	s13 =	simm.s32 $0x800;
	s14 =	simm.s32 $0x5;
	s15 =	simm.s32 $0x3  }
0x5: {  	s16 =	simm.s32 $0x400;
	s17 =	simm.s32 $0x900;
	s18 =	simm.s32 $0x8900  }
0x6: {  	s19 =	simm.s32 $0x1;
	s20 =	simm.s32 $0x2;
	s21 =	simm.s32 $0x4  }
0x7: {  	s22 =	simm.s32 $0x0;
	s6 =	sand.u32 $0x1, s2;
	s31 =	sshll.u32 s0, $0x1  }
0x8: {  	[smem:$0x7FF] =	sst s4;
	s8 =	sor.u32 s6, s31;
	s7 =	ssub.s32 $0x2, s6  }
0x9: {  	_ =	strace $0x80000047;
	s5 =	smul.u32 $0x19000, s8;
	s9 =	sshrl.u32 s7, $0x1  }
0xa: {  	s6 =	sadd.s32 $0x400, s11;
	s8 =	smul.u32 $0x190000, s8;
	s12 =	ssub.s32 s7, s9  }
0xb: {  	s9 =	sadd.s32 $0x1400, s11;
	s10 =	sshrl.u32 s5, $0x3;
	s12 =	smax.u32 s12, $0x1  }
0xc: {  	s7 =	sadd.s32 s1, s10;
	s10 =	sadd.s32 $0x2400, s11;
	s11 =	sadd.s32 $0x3400, s11  }
.LBB2_1:
0xd: {  	[tilespmem:s13], [sflag:$0x5] =	stream.linear.gather [hbm4b:s3+s4], $0x100, $0x38;
	[tilespmem:$0x10900] =	vst v63  }
0xe: {  	_ =	swait.ge [sflag:s14], $0x100  }
0xf: {  	[sflag:s14] =	ssyncset.done $0x0  }
0x10: {  	[sflag:s14] =	ssyncadd.s32 $0xFFFFFF00  }
0x11: {  	v0 =	vld [tilespmem:$0x800]  }
0x12: {  	v1 =	vld [tilespmem:$0x810]  }
0x13: {  	v2 =	vld [tilespmem:$0x820]  }
0x14: {  	v3 =	vld [tilespmem:$0x830]  }
0x15: {  	v4 =	vld [tilespmem:$0x880]  }
0x16: {  	v5 =	vld [tilespmem:$0x890]  }
0x17: {  	s23 =	simm.s32 $0x0;
	v6 =	vld [tilespmem:$0x8A0]  }
0x18: {  	v7 =	vld [tilespmem:$0x8B0];
	[tilespmem:s4], [sflag:$0x3] =	stream.linear.gather [hbm4b:s7+s4], $0x400, $0x38  }
.LBB2_2:
0x19: {  	s24 =	sshllo.u32 s23, $0x1  }
0x1a: {  	s25 =	sshll.u32 s24, $0xA  }
0x1b: {  	_ =	swait.ge [sflag:s15], $0x400;
	s26 =	simm.s32 $0x0;
	s25 =	sadd.s32 s5, s25  }
0x1c: {  	p0 =	seq.s32 s23, $0x0;
	[sflag:s15] =	ssyncset.done $0x0;
	s25 =	sshrl.u32 s25, $0x3  }
0x1d: {  	s31 =	sand.u32 $0xFFFFFFFC, s26;
	[sflag:s15] =	ssyncadd.s32 $0xFFFFFC00;
	s25 =	sadd.s32 s1, s25  }
0x1e: {  	v8 =	vmov s31;
	[tilespmem:s16], [sflag:$0x4] =	stream.linear.gather [hbm4b:s25+s4], $0x400, $0x38;
	[tilespmem:$0x10900] =	vst v63  }
0x1f: {  	s25 =	simm.s32 @!p0 $0x1  }
0x20: {  	_ =	swait.ge @!p0 [sflag:s25], $0x8000  }
0x21: {  	[sflag:s25] =	ssyncset.done @!p0 $0x0  }
0x22: {  	[sflag:s25] =	ssyncadd.s32 @!p0 $0xFFFF8000  }
0x23: {  	v8 =	vld.idx.msk [tilespmem:v8+s4+$0x0], $0xffff;
	_ =	sdelay $0x2  }
0x24: {  	s2 =	simm.s32 $0x1  }
0x25: {  	s29 =	sand.u32 $0xFFFFFF80, s26;
	s25 =	sand.u32 $0x7D, s2  }
0x26: {  	s25 =	sor.u32 s25, s29;
	vm0 =	veq.s32 v8, $0x0  }
0x27: {  	s28 =	simm.s32 $0xA00;
	v9 =	vmov s25;
	v8 =	vsel vm0, v0, v4  }
0x28: {  	v10 =	vsel vm0, v3, v7;
	[tilespmem:s28+$0xFFFFFF00] =	vst v8  }
0x29: {  	v8 =	vsel vm0, v1, v5;
	[tilespmem:s28+$0xFFFFFF30] =	vst v10  }
0x2a: {  	[tilespmem:s28+$0xFFFFFF10] =	vst v8;
	v8 =	vsel vm0, v2, v6  }
0x2b: {  	[tilespmem:s28+$0xFFFFFF20] =	vst v8  }
0x2c: {  	v8 =	vld.idx.msk [tilespmem:v9+s4+$0x0], $0xffff;
	_ =	sdelay $0x2  }
0x2d: {  	s30 =	simm.s32 $0x2  }
0x2e: {  	s25 =	sand.u32 $0x7E, s30  }
0x2f: {  	s25 =	sor.u32 s25, s29;
	vm14 =	veq.s32 v8, $0x0  }
0x30: {  	v9 =	vmov s25;
	v8 =	vsel vm14, v0, v4  }
0x31: {  	v10 =	vsel vm14, v2, v6;
	[tilespmem:s28+$0xFFFFFF80] =	vst v8  }
0x32: {  	v8 =	vsel vm14, v3, v7;
	[tilespmem:s28+$0xFFFFFFA0] =	vst v10  }
0x33: {  	[tilespmem:s28+$0xFFFFFFB0] =	vst v8;
	v8 =	vsel vm14, v1, v5  }
0x34: {  	[tilespmem:s28+$0xFFFFFF90] =	vst v8  }
0x35: {  	v8 =	vld.idx.msk [tilespmem:v9+s4+$0x0], $0xffff;
	_ =	sdelay $0x2  }
0x36: {  	s31 =	simm.s32 $0x3  }
0x37: {  	s25 =	sand.u32 $0x7F, s31  }
0x38: {  	s25 =	sor.u32 s25, s29;
	vm15 =	veq.s32 v8, $0x0  }
0x39: {  	v9 =	vmov s25;
	v8 =	vsel vm15, v0, v4  }
0x3a: {  	v10 =	vsel vm15, v3, v7;
	[tilespmem:s28+$0x0] =	vst v8  }
0x3b: {  	v8 =	vsel vm15, v2, v6;
	[tilespmem:s28+$0x30] =	vst v10  }
0x3c: {  	[tilespmem:s28+$0x20] =	vst v8;
	v8 =	vsel vm15, v1, v5  }
0x3d: {  	[tilespmem:s28+$0x10] =	vst v8  }
0x3e: {  	s29 =	simm.s32 $0xA00;
	s25 =	sshll.u32 s23, $0x1;
	v8 =	vld.idx.msk [tilespmem:v9+s4+$0x0], $0xffff  }
.LBB2_3:
0x3f: {  	_ =	sdelay $0x1  }
0x40: {  	s28 =	sadd.s32 $0x200, s28;
	s31 =	smov.u32 s26;
	s26 =	sadd.s32 $0x4, s26  }
0x41: {  	s30 =	sand.u32 $0xFFFFFF80, s26;
	s2 =	sand.u32 $0xFFFFFFFC, s26;
	p1 =	slt.u32 s26, $0xFC  }
0x42: {  	v9 =	vmov s2;
	vm0 =	veq.s32 v8, $0x0  }
0x43: {  	v8 =	vsel vm0, v0, v4;
	v10 =	vsel vm0, v1, v5;
	v11 =	vsel vm0, v2, v6  }
0x44: {  	[tilespmem:s29+$0x80] =	vst v8;
	v8 =	vsel vm0, v3, v7  }
0x45: {  	[tilespmem:s29+$0xA0] =	vst v11  }
0x46: {  	[tilespmem:s29+$0xB0] =	vst v8  }
0x47: {  	[tilespmem:s29+$0x90] =	vst v10;
	s29 =	smov.u32 s28  }
0x48: {  	v8 =	vld.idx.msk [tilespmem:v9+s4+$0x0], $0xffff;
	_ =	sdelay $0x2  }
0x49: {  	s2 =	sadd.s32 $0x5, s31  }
0x4a: {  	s2 =	sand.u32 $0x7D, s2  }
0x4b: {  	s2 =	sor.u32 s2, s30  }
0x4c: {  	vm0 =	veq.s32 v8, $0x0  }
0x4d: {  	v10 =	vmov s2;
	v8 =	vsel vm0, v0, v4;
	v9 =	vsel vm0, v3, v7  }
0x4e: {  	v11 =	vsel vm0, v2, v6;
	[tilespmem:s28+$0xFFFFFF00] =	vst v8;
	v8 =	vsel vm0, v1, v5  }
0x4f: {  	[tilespmem:s28+$0xFFFFFF10] =	vst v8  }
0x50: {  	[tilespmem:s28+$0xFFFFFF30] =	vst v9  }
0x51: {  	[tilespmem:s28+$0xFFFFFF20] =	vst v11  }
0x52: {  	v8 =	vld.idx.msk [tilespmem:v10+s4+$0x0], $0xffff;
	_ =	sdelay $0x3  }
0x53: {  	s2 =	sadd.s32 $0x6, s31  }
0x54: {  	s2 =	sand.u32 $0x7E, s2  }
0x55: {  	s2 =	sor.u32 s2, s30;
	vm0 =	veq.s32 v8, $0x0  }
0x56: {  	v10 =	vmov s2;
	v8 =	vsel vm0, v0, v4;
	v9 =	vsel vm0, v1, v5  }
0x57: {  	[tilespmem:s28+$0xFFFFFF80] =	vst v8;
	v8 =	vsel vm0, v3, v7  }
0x58: {  	v11 =	vsel vm0, v2, v6;
	[tilespmem:s28+$0xFFFFFFB0] =	vst v8  }
0x59: {  	[tilespmem:s28+$0xFFFFFFA0] =	vst v11  }
0x5a: {  	[tilespmem:s28+$0xFFFFFF90] =	vst v9  }
0x5b: {  	v8 =	vld.idx.msk [tilespmem:v10+s4+$0x0], $0xffff;
	_ =	sdelay $0x3  }
0x5c: {  	s2 =	sadd.s32 $0x7, s31  }
0x5d: {  	s2 =	sand.u32 $0x7F, s2  }
0x5e: {  	s2 =	sor.u32 s2, s30;
	vm0 =	veq.s32 v8, $0x0  }
0x5f: {  	v10 =	vmov s2;
	v8 =	vsel vm0, v0, v4;
	v9 =	vsel vm0, v1, v5  }
.Ltmp0:
0x60: {  	v11 =	vsel vm0, v3, v7;
	[tilespmem:s28+$0x0] =	vst v8;
	v8 =	vsel vm0, v2, v6;
	(pc) =	sbr.rel @p1 .LBB2_3-.Ltmp0, $4  }
0x61: {  	[tilespmem:s28+$0x20] =	vst v8  }
0x62: {  	[tilespmem:s28+$0x30] =	vst v11  }
0x63: {  	[tilespmem:s28+$0x10] =	vst v9  }
0x64: {  	v8 =	vld.idx.msk [tilespmem:v10+s4+$0x0], $0xffff  }
0x65: {  	_ =	sdelay $0x3  }
0x66: {  	vm0 =	veq.s32 v8, $0x0  }
0x67: {  	v8 =	vsel vm0, v0, v4  }
0x68: {  	s28 =	simm.s32 $0x0;
	v9 =	vsel vm0, v2, v6;
	[tilespmem:s29+$0x80] =	vst v8  }
0x69: {  	s2 =	sshll.u32 s23, $0xF;
	s31 =	sor.u32 $0x100, s28;
	v8 =	vsel vm0, v3, v7;
	[tilespmem:s29+$0xA0] =	vst v9  }
0x6a: {  	s26 =	sadd.s32 s8, s2;
	s2 =	sand.u32 $0xFFFFFFFC, s31;
	v9 =	vsel vm0, v1, v5;
	[tilespmem:s29+$0xB0] =	vst v8  }
0x6b: {  	[tilespmem:s29+$0x90] =	vst v9;
	s29 =	sadd.s32 s6, s26;
	v8 =	vmov s2;
	s2 =	simm.s32 @!p0 $0x2  }
0x6c: {  	[hbm4b:s29+s4] =	stream.linear.scatter [tilespmem:s17], [sflag:$0x1], $0x8000, $0x38;
	[tilespmem:$0x10900] =	vst v63  }
0x6d: {  	_ =	swait.ge @!p0 [sflag:s2], $0x8000  }
0x6e: {  	[sflag:s2] =	ssyncset.done @!p0 $0x0  }
0x6f: {  	[sflag:s2] =	ssyncadd.s32 @!p0 $0xFFFF8000  }
0x70: {  	v8 =	vld.idx.msk [tilespmem:v8+s4+$0x0], $0xffff;
	_ =	sdelay $0x3  }
0x71: {  	s31 =	simm.s32 $0x101  }
0x72: {  	s2 =	sand.u32 $0xFFFFFFFD, s31;
	vm13 =	veq.s32 v8, $0x0  }
0x73: {  	s29 =	simm.s32 $0x8A00;
	v9 =	vmov s2;
	v8 =	vsel vm13, v0, v4  }
0x74: {  	v10 =	vsel vm13, v3, v7;
	[tilespmem:s29+$0xFFFFFF00] =	vst v8  }
0x75: {  	v8 =	vsel vm13, v1, v5;
	[tilespmem:s29+$0xFFFFFF30] =	vst v10  }
0x76: {  	[tilespmem:s29+$0xFFFFFF10] =	vst v8;
	v8 =	vsel vm13, v2, v6  }
0x77: {  	[tilespmem:s29+$0xFFFFFF20] =	vst v8  }
0x78: {  	v8 =	vld.idx.msk [tilespmem:v9+s4+$0x0], $0xffff;
	_ =	sdelay $0x3  }
0x79: {  	s31 =	simm.s32 $0x102  }
0x7a: {  	s2 =	sand.u32 $0xFFFFFFFE, s31;
	vm14 =	veq.s32 v8, $0x0  }
0x7b: {  	v9 =	vmov s2;
	v8 =	vsel vm14, v0, v4  }
0x7c: {  	v10 =	vsel vm14, v1, v5;
	[tilespmem:s29+$0xFFFFFF80] =	vst v8  }
0x7d: {  	v8 =	vsel vm14, v2, v6;
	[tilespmem:s29+$0xFFFFFF90] =	vst v10  }
0x7e: {  	[tilespmem:s29+$0xFFFFFFA0] =	vst v8;
	v8 =	vsel vm14, v3, v7  }
0x7f: {  	[tilespmem:s29+$0xFFFFFFB0] =	vst v8  }
0x80: {  	v8 =	vld.idx.msk [tilespmem:v9+s4+$0x0], $0xffff;
	_ =	sdelay $0x4  }
0x81: {  	s31 =	simm.s32 $0x103;
	vm15 =	veq.s32 v8, $0x0  }
0x82: {  	v9 =	vmov s31;
	v8 =	vsel vm15, v0, v4  }
0x83: {  	v10 =	vsel vm15, v2, v6;
	[tilespmem:s29+$0x0] =	vst v8  }
0x84: {  	v8 =	vsel vm15, v3, v7;
	[tilespmem:s29+$0x20] =	vst v10  }
0x85: {  	[tilespmem:s29+$0x30] =	vst v8;
	v8 =	vsel vm15, v1, v5  }
0x86: {  	[tilespmem:s29+$0x10] =	vst v8  }
0x87: {  	s30 =	simm.s32 $0x8A00;
	v8 =	vld.idx.msk [tilespmem:v9+s4+$0x0], $0xffff  }
.LBB2_5:
0x88: {  	_ = 	snop  }
0x89: {  	s29 =	sadd.s32 $0x200, s29;
	s31 =	smov.u32 s28;
	s28 =	sadd.s32 $0x4, s28  }
0x8a: {  	s2 =	sor.u32 $0x100, s28;
	p0 =	slt.u32 s28, $0xFC  }
0x8b: {  	s2 =	sand.u32 $0xFFFFFFFC, s2  }
0x8c: {  	v9 =	vmov s2;
	vm0 =	veq.s32 v8, $0x0  }
0x8d: {  	v8 =	vsel vm0, v0, v4;
	v10 =	vsel vm0, v1, v5;
	v11 =	vsel vm0, v2, v6  }
0x8e: {  	[tilespmem:s30+$0x80] =	vst v8;
	v8 =	vsel vm0, v3, v7  }
0x8f: {  	[tilespmem:s30+$0xA0] =	vst v11  }
0x90: {  	[tilespmem:s30+$0x90] =	vst v10  }
0x91: {  	[tilespmem:s30+$0xB0] =	vst v8;
	s30 =	smov.u32 s29  }
0x92: {  	v8 =	vld.idx.msk [tilespmem:v9+s4+$0x0], $0xffff;
	_ =	sdelay $0x3  }
0x93: {  	s2 =	sadd.s32 $0x105, s31  }
0x94: {  	s2 =	sand.u32 $0xFFFFFFFD, s2  }
0x95: {  	vm0 =	veq.s32 v8, $0x0  }
0x96: {  	v10 =	vmov s2;
	v8 =	vsel vm0, v0, v4;
	v9 =	vsel vm0, v3, v7  }
0x97: {  	v11 =	vsel vm0, v2, v6;
	[tilespmem:s29+$0xFFFFFF00] =	vst v8;
	v8 =	vsel vm0, v1, v5  }
0x98: {  	[tilespmem:s29+$0xFFFFFF10] =	vst v8  }
0x99: {  	[tilespmem:s29+$0xFFFFFF30] =	vst v9  }
0x9a: {  	[tilespmem:s29+$0xFFFFFF20] =	vst v11  }
0x9b: {  	v8 =	vld.idx.msk [tilespmem:v10+s4+$0x0], $0xffff;
	_ =	sdelay $0x4  }
0x9c: {  	s2 =	sadd.s32 $0x106, s31  }
0x9d: {  	s2 =	sand.u32 $0xFFFFFFFE, s2;
	vm0 =	veq.s32 v8, $0x0  }
0x9e: {  	v10 =	vmov s2;
	v8 =	vsel vm0, v0, v4;
	v9 =	vsel vm0, v1, v5  }
0x9f: {  	v11 =	vsel vm0, v3, v7;
	[tilespmem:s29+$0xFFFFFF80] =	vst v8;
	v8 =	vsel vm0, v2, v6  }
0xa0: {  	[tilespmem:s29+$0xFFFFFFA0] =	vst v8  }
0xa1: {  	[tilespmem:s29+$0xFFFFFF90] =	vst v9  }
0xa2: {  	[tilespmem:s29+$0xFFFFFFB0] =	vst v11  }
0xa3: {  	v8 =	vld.idx.msk [tilespmem:v10+s4+$0x0], $0xffff;
	_ =	sdelay $0x5  }
0xa4: {  	s2 =	sadd.s32 $0x107, s31;
	vm0 =	veq.s32 v8, $0x0  }
0xa5: {  	v10 =	vmov s2;
	v8 =	vsel vm0, v0, v4;
	v9 =	vsel vm0, v1, v5  }
.Ltmp1:
0xa6: {  	[tilespmem:s29+$0x0] =	vst v8;
	v8 =	vsel vm0, v3, v7;
	(pc) =	sbr.rel @p0 .LBB2_5-.Ltmp1, $4  }
0xa7: {  	v11 =	vsel vm0, v2, v6;
	[tilespmem:s29+$0x30] =	vst v8  }
0xa8: {  	[tilespmem:s29+$0x20] =	vst v11  }
0xa9: {  	[tilespmem:s29+$0x10] =	vst v9  }
0xaa: {  	v8 =	vld.idx.msk [tilespmem:v10+s4+$0x0], $0xffff  }
0xab: {  	_ =	sdelay $0x3  }
0xac: {  	vm0 =	veq.s32 v8, $0x0  }
0xad: {  	v8 =	vsel vm0, v0, v4  }
0xae: {  	s28 =	simm.s32 $0x0;
	v9 =	vsel vm0, v2, v6;
	[tilespmem:s30+$0x80] =	vst v8  }
0xaf: {  	s2 =	sor.u32 $0x200, s28;
	v8 =	vsel vm0, v1, v5;
	[tilespmem:s30+$0xA0] =	vst v9  }
0xb0: {  	s2 =	sand.u32 $0xFFFFFFFC, s2;
	v9 =	vsel vm0, v3, v7;
	[tilespmem:s30+$0x90] =	vst v8  }
0xb1: {  	s29 =	sadd.s32 s26, s9;
	[tilespmem:s30+$0xB0] =	vst v9;
	v8 =	vmov s2  }
0xb2: {  	[hbm4b:s29+s4] =	stream.linear.scatter [tilespmem:s18], [sflag:$0x2], $0x8000, $0x38;
	[tilespmem:$0x10900] =	vst v63  }
0xb3: {  	_ =	swait.ge [sflag:s19], $0x8000  }
0xb4: {  	[sflag:s19] =	ssyncset.done $0x0  }
0xb5: {  	[sflag:s19] =	ssyncadd.s32 $0xFFFF8000  }
0xb6: {  	v8 =	vld.idx.msk [tilespmem:v8+s4+$0x0], $0xffff;
	_ =	sdelay $0x3  }
0xb7: {  	s31 =	simm.s32 $0x201  }
0xb8: {  	s2 =	sand.u32 $0xFFFFFFFD, s31;
	vm13 =	veq.s32 v8, $0x0  }
0xb9: {  	s29 =	simm.s32 $0xA00;
	v9 =	vmov s2;
	v8 =	vsel vm13, v0, v4  }
0xba: {  	v10 =	vsel vm13, v3, v7;
	[tilespmem:s29+$0xFFFFFF00] =	vst v8  }
0xbb: {  	v8 =	vsel vm13, v1, v5;
	[tilespmem:s29+$0xFFFFFF30] =	vst v10  }
0xbc: {  	[tilespmem:s29+$0xFFFFFF10] =	vst v8;
	v8 =	vsel vm13, v2, v6  }
0xbd: {  	[tilespmem:s29+$0xFFFFFF20] =	vst v8  }
0xbe: {  	v8 =	vld.idx.msk [tilespmem:v9+s4+$0x0], $0xffff;
	_ =	sdelay $0x3  }
0xbf: {  	s31 =	simm.s32 $0x202  }
0xc0: {  	s2 =	sand.u32 $0xFFFFFFFE, s31;
	vm14 =	veq.s32 v8, $0x0  }
0xc1: {  	v9 =	vmov s2;
	v8 =	vsel vm14, v0, v4  }
0xc2: {  	v10 =	vsel vm14, v1, v5;
	[tilespmem:s29+$0xFFFFFF80] =	vst v8  }
0xc3: {  	v8 =	vsel vm14, v2, v6;
	[tilespmem:s29+$0xFFFFFF90] =	vst v10  }
0xc4: {  	[tilespmem:s29+$0xFFFFFFA0] =	vst v8;
	v8 =	vsel vm14, v3, v7  }
0xc5: {  	[tilespmem:s29+$0xFFFFFFB0] =	vst v8  }
0xc6: {  	v8 =	vld.idx.msk [tilespmem:v9+s4+$0x0], $0xffff;
	_ =	sdelay $0x4  }
0xc7: {  	s31 =	simm.s32 $0x203;
	vm15 =	veq.s32 v8, $0x0  }
0xc8: {  	v9 =	vmov s31;
	v8 =	vsel vm15, v0, v4  }
0xc9: {  	v10 =	vsel vm15, v2, v6;
	[tilespmem:s29+$0x0] =	vst v8  }
0xca: {  	v8 =	vsel vm15, v3, v7;
	[tilespmem:s29+$0x20] =	vst v10  }
0xcb: {  	[tilespmem:s29+$0x30] =	vst v8;
	v8 =	vsel vm15, v1, v5  }
0xcc: {  	[tilespmem:s29+$0x10] =	vst v8  }
0xcd: {  	s30 =	simm.s32 $0xA00;
	v8 =	vld.idx.msk [tilespmem:v9+s4+$0x0], $0xffff  }
.LBB2_7:
0xce: {  	_ = 	snop  }
0xcf: {  	s29 =	sadd.s32 $0x200, s29;
	s31 =	smov.u32 s28;
	s28 =	sadd.s32 $0x4, s28  }
0xd0: {  	s2 =	sor.u32 $0x200, s28;
	p0 =	slt.u32 s28, $0xFC  }
0xd1: {  	s2 =	sand.u32 $0xFFFFFFFC, s2  }
0xd2: {  	v9 =	vmov s2;
	vm0 =	veq.s32 v8, $0x0  }
0xd3: {  	v8 =	vsel vm0, v0, v4;
	v10 =	vsel vm0, v1, v5;
	v11 =	vsel vm0, v2, v6  }
0xd4: {  	[tilespmem:s30+$0x80] =	vst v8;
	v8 =	vsel vm0, v3, v7  }
0xd5: {  	[tilespmem:s30+$0xA0] =	vst v11  }
0xd6: {  	[tilespmem:s30+$0x90] =	vst v10  }
0xd7: {  	[tilespmem:s30+$0xB0] =	vst v8;
	s30 =	smov.u32 s29  }
0xd8: {  	v8 =	vld.idx.msk [tilespmem:v9+s4+$0x0], $0xffff;
	_ =	sdelay $0x3  }
0xd9: {  	s2 =	sadd.s32 $0x205, s31  }
0xda: {  	s2 =	sand.u32 $0xFFFFFFFD, s2  }
0xdb: {  	vm0 =	veq.s32 v8, $0x0  }
0xdc: {  	v10 =	vmov s2;
	v8 =	vsel vm0, v0, v4;
	v9 =	vsel vm0, v3, v7  }
0xdd: {  	v11 =	vsel vm0, v2, v6;
	[tilespmem:s29+$0xFFFFFF00] =	vst v8;
	v8 =	vsel vm0, v1, v5  }
0xde: {  	[tilespmem:s29+$0xFFFFFF10] =	vst v8  }
0xdf: {  	[tilespmem:s29+$0xFFFFFF30] =	vst v9  }
0xe0: {  	[tilespmem:s29+$0xFFFFFF20] =	vst v11  }
0xe1: {  	v8 =	vld.idx.msk [tilespmem:v10+s4+$0x0], $0xffff;
	_ =	sdelay $0x4  }
0xe2: {  	s2 =	sadd.s32 $0x206, s31  }
0xe3: {  	s2 =	sand.u32 $0xFFFFFFFE, s2;
	vm0 =	veq.s32 v8, $0x0  }
0xe4: {  	v10 =	vmov s2;
	v8 =	vsel vm0, v0, v4;
	v9 =	vsel vm0, v1, v5  }
0xe5: {  	v11 =	vsel vm0, v3, v7;
	[tilespmem:s29+$0xFFFFFF80] =	vst v8;
	v8 =	vsel vm0, v2, v6  }
0xe6: {  	[tilespmem:s29+$0xFFFFFFA0] =	vst v8  }
0xe7: {  	[tilespmem:s29+$0xFFFFFF90] =	vst v9  }
0xe8: {  	[tilespmem:s29+$0xFFFFFFB0] =	vst v11  }
0xe9: {  	v8 =	vld.idx.msk [tilespmem:v10+s4+$0x0], $0xffff;
	_ =	sdelay $0x5  }
0xea: {  	s2 =	sadd.s32 $0x207, s31;
	vm0 =	veq.s32 v8, $0x0  }
0xeb: {  	v10 =	vmov s2;
	v8 =	vsel vm0, v0, v4;
	v9 =	vsel vm0, v1, v5  }
.Ltmp2:
0xec: {  	[tilespmem:s29+$0x0] =	vst v8;
	v8 =	vsel vm0, v3, v7;
	(pc) =	sbr.rel @p0 .LBB2_7-.Ltmp2, $4  }
0xed: {  	v11 =	vsel vm0, v2, v6;
	[tilespmem:s29+$0x30] =	vst v8  }
0xee: {  	[tilespmem:s29+$0x20] =	vst v11  }
0xef: {  	[tilespmem:s29+$0x10] =	vst v9  }
0xf0: {  	v8 =	vld.idx.msk [tilespmem:v10+s4+$0x0], $0xffff  }
0xf1: {  	_ =	sdelay $0x3  }
0xf2: {  	vm0 =	veq.s32 v8, $0x0  }
0xf3: {  	v8 =	vsel vm0, v0, v4  }
0xf4: {  	s28 =	simm.s32 $0x0;
	v9 =	vsel vm0, v2, v6;
	[tilespmem:s30+$0x80] =	vst v8  }
0xf5: {  	s2 =	sor.u32 $0x300, s28;
	v8 =	vsel vm0, v1, v5;
	[tilespmem:s30+$0xA0] =	vst v9  }
0xf6: {  	s2 =	sand.u32 $0xFFFFFFFC, s2;
	v9 =	vsel vm0, v3, v7;
	[tilespmem:s30+$0x90] =	vst v8  }
0xf7: {  	s29 =	sadd.s32 s26, s10;
	[tilespmem:s30+$0xB0] =	vst v9;
	v8 =	vmov s2  }
0xf8: {  	[hbm4b:s29+s4] =	stream.linear.scatter [tilespmem:s17], [sflag:$0x1], $0x8000, $0x38;
	[tilespmem:$0x10900] =	vst v63  }
0xf9: {  	_ =	swait.ge [sflag:s20], $0x8000  }
0xfa: {  	[sflag:s20] =	ssyncset.done $0x0  }
0xfb: {  	[sflag:s20] =	ssyncadd.s32 $0xFFFF8000  }
0xfc: {  	v8 =	vld.idx.msk [tilespmem:v8+s4+$0x0], $0xffff;
	_ =	sdelay $0x3  }
0xfd: {  	s31 =	simm.s32 $0x301  }
0xfe: {  	s2 =	sand.u32 $0xFFFFFFFD, s31;
	vm13 =	veq.s32 v8, $0x0  }
0xff: {  	s29 =	simm.s32 $0x8A00;
	v9 =	vmov s2;
	v8 =	vsel vm13, v0, v4  }
0x100: {  	v10 =	vsel vm13, v3, v7;
	[tilespmem:s29+$0xFFFFFF00] =	vst v8  }
0x101: {  	v8 =	vsel vm13, v1, v5;
	[tilespmem:s29+$0xFFFFFF30] =	vst v10  }
0x102: {  	[tilespmem:s29+$0xFFFFFF10] =	vst v8;
	v8 =	vsel vm13, v2, v6  }
0x103: {  	[tilespmem:s29+$0xFFFFFF20] =	vst v8  }
0x104: {  	v8 =	vld.idx.msk [tilespmem:v9+s4+$0x0], $0xffff;
	_ =	sdelay $0x3  }
0x105: {  	s31 =	simm.s32 $0x302  }
0x106: {  	s2 =	sand.u32 $0xFFFFFFFE, s31;
	vm14 =	veq.s32 v8, $0x0  }
0x107: {  	v9 =	vmov s2;
	v8 =	vsel vm14, v0, v4  }
0x108: {  	v10 =	vsel vm14, v1, v5;
	[tilespmem:s29+$0xFFFFFF80] =	vst v8  }
0x109: {  	v8 =	vsel vm14, v2, v6;
	[tilespmem:s29+$0xFFFFFF90] =	vst v10  }
0x10a: {  	[tilespmem:s29+$0xFFFFFFA0] =	vst v8;
	v8 =	vsel vm14, v3, v7  }
0x10b: {  	[tilespmem:s29+$0xFFFFFFB0] =	vst v8  }
0x10c: {  	v8 =	vld.idx.msk [tilespmem:v9+s4+$0x0], $0xffff;
	_ =	sdelay $0x4  }
0x10d: {  	s31 =	simm.s32 $0x303;
	vm15 =	veq.s32 v8, $0x0  }
0x10e: {  	v9 =	vmov s31;
	v8 =	vsel vm15, v0, v4  }
0x10f: {  	v10 =	vsel vm15, v2, v6;
	[tilespmem:s29+$0x0] =	vst v8  }
0x110: {  	v8 =	vsel vm15, v3, v7;
	[tilespmem:s29+$0x20] =	vst v10  }
0x111: {  	[tilespmem:s29+$0x30] =	vst v8;
	v8 =	vsel vm15, v1, v5  }
0x112: {  	[tilespmem:s29+$0x10] =	vst v8  }
0x113: {  	s30 =	simm.s32 $0x8A00;
	v8 =	vld.idx.msk [tilespmem:v9+s4+$0x0], $0xffff  }
.LBB2_9:
0x114: {  	_ = 	snop  }
0x115: {  	s29 =	sadd.s32 $0x200, s29;
	s31 =	smov.u32 s28;
	s28 =	sadd.s32 $0x4, s28  }
0x116: {  	s2 =	sor.u32 $0x300, s28;
	p0 =	slt.u32 s28, $0xFC  }
0x117: {  	s2 =	sand.u32 $0xFFFFFFFC, s2  }
0x118: {  	v9 =	vmov s2;
	vm0 =	veq.s32 v8, $0x0  }
0x119: {  	v8 =	vsel vm0, v0, v4;
	v10 =	vsel vm0, v1, v5;
	v11 =	vsel vm0, v2, v6  }
0x11a: {  	[tilespmem:s30+$0x80] =	vst v8;
	v8 =	vsel vm0, v3, v7  }
0x11b: {  	[tilespmem:s30+$0xA0] =	vst v11  }
0x11c: {  	[tilespmem:s30+$0x90] =	vst v10  }
0x11d: {  	[tilespmem:s30+$0xB0] =	vst v8;
	s30 =	smov.u32 s29  }
0x11e: {  	v8 =	vld.idx.msk [tilespmem:v9+s4+$0x0], $0xffff;
	_ =	sdelay $0x3  }
0x11f: {  	s2 =	sadd.s32 $0x305, s31  }
0x120: {  	s2 =	sand.u32 $0xFFFFFFFD, s2  }
0x121: {  	vm0 =	veq.s32 v8, $0x0  }
0x122: {  	v10 =	vmov s2;
	v8 =	vsel vm0, v0, v4;
	v9 =	vsel vm0, v3, v7  }
0x123: {  	v11 =	vsel vm0, v2, v6;
	[tilespmem:s29+$0xFFFFFF00] =	vst v8;
	v8 =	vsel vm0, v1, v5  }
0x124: {  	[tilespmem:s29+$0xFFFFFF10] =	vst v8  }
0x125: {  	[tilespmem:s29+$0xFFFFFF30] =	vst v9  }
0x126: {  	[tilespmem:s29+$0xFFFFFF20] =	vst v11  }
0x127: {  	v8 =	vld.idx.msk [tilespmem:v10+s4+$0x0], $0xffff;
	_ =	sdelay $0x4  }
0x128: {  	s2 =	sadd.s32 $0x306, s31  }
0x129: {  	s2 =	sand.u32 $0xFFFFFFFE, s2;
	vm0 =	veq.s32 v8, $0x0  }
0x12a: {  	v10 =	vmov s2;
	v8 =	vsel vm0, v0, v4;
	v9 =	vsel vm0, v1, v5  }
0x12b: {  	v11 =	vsel vm0, v3, v7;
	[tilespmem:s29+$0xFFFFFF80] =	vst v8;
	v8 =	vsel vm0, v2, v6  }
0x12c: {  	[tilespmem:s29+$0xFFFFFFA0] =	vst v8  }
0x12d: {  	[tilespmem:s29+$0xFFFFFF90] =	vst v9  }
0x12e: {  	[tilespmem:s29+$0xFFFFFFB0] =	vst v11  }
0x12f: {  	v8 =	vld.idx.msk [tilespmem:v10+s4+$0x0], $0xffff;
	_ =	sdelay $0x5  }
0x130: {  	s2 =	sadd.s32 $0x307, s31;
	vm0 =	veq.s32 v8, $0x0  }
0x131: {  	v10 =	vmov s2;
	v8 =	vsel vm0, v0, v4;
	v9 =	vsel vm0, v1, v5  }
.Ltmp3:
0x132: {  	[tilespmem:s29+$0x0] =	vst v8;
	v8 =	vsel vm0, v3, v7;
	(pc) =	sbr.rel @p0 .LBB2_9-.Ltmp3, $4  }
0x133: {  	v11 =	vsel vm0, v2, v6;
	[tilespmem:s29+$0x30] =	vst v8  }
0x134: {  	[tilespmem:s29+$0x20] =	vst v11  }
0x135: {  	[tilespmem:s29+$0x10] =	vst v9  }
0x136: {  	v8 =	vld.idx.msk [tilespmem:v10+s4+$0x0], $0xffff  }
0x137: {  	_ =	sdelay $0x3  }
0x138: {  	vm0 =	veq.s32 v8, $0x0  }
0x139: {  	v8 =	vsel vm0, v0, v4  }
0x13a: {  	v9 =	vsel vm0, v2, v6;
	[tilespmem:s30+$0x80] =	vst v8  }
0x13b: {  	v8 =	vsel vm0, v1, v5;
	[tilespmem:s30+$0xA0] =	vst v9  }
0x13c: {  	v9 =	vsel vm0, v3, v7;
	[tilespmem:s30+$0x90] =	vst v8  }
0x13d: {  	s2 =	sadd.s32 s26, s11;
	[tilespmem:s30+$0xB0] =	vst v9;
	s30 =	sadd.s32 $0x2, s25  }
0x13e: {  	[hbm4b:s2+s4] =	stream.linear.scatter [tilespmem:s18], [sflag:$0x2], $0x8000, $0x38;
	[tilespmem:$0x10900] =	vst v63  }
0x13f: {  	p0 =	seq.s32 s30, $0x64;
	s2 =	sshll.u32 s30, $0xA  }
0x140: {  	s2 =	simm.s32 @p0 $0x0  }
0x141: {  	s25 =	simm.s32 $0x0;
	_ =	swait.ge [sflag:s21], $0x400;
	s2 =	sadd.s32 s5, s2  }
0x142: {  	s31 =	sand.u32 $0xFFFFFFFC, s25;
	[sflag:s21] =	ssyncset.done $0x0;
	s2 =	sshrl.u32 s2, $0x3  }
0x143: {  	v8 =	vmov s31;
	[sflag:s21] =	ssyncadd.s32 $0xFFFFFC00;
	s2 =	sadd.s32 s1, s2  }
0x144: {  	[tilespmem:s4], [sflag:$0x3] =	stream.linear.gather [hbm4b:s2+s4], $0x400, $0x38;
	[tilespmem:$0x10900] =	vst v63  }
0x145: {  	_ =	swait.ge [sflag:s19], $0x8000  }
0x146: {  	[sflag:s19] =	ssyncset.done $0x0  }
0x147: {  	[sflag:s19] =	ssyncadd.s32 $0xFFFF8000  }
0x148: {  	v8 =	vld.idx.msk [tilespmem:v8+s16+$0x0], $0xffff;
	_ =	sdelay $0x2  }
0x149: {  	s29 =	simm.s32 $0x1  }
0x14a: {  	s28 =	sand.u32 $0xFFFFFF80, s25;
	s2 =	sand.u32 $0x7D, s29  }
0x14b: {  	s2 =	sor.u32 s2, s28;
	vm13 =	veq.s32 v8, $0x0  }
0x14c: {  	s26 =	simm.s32 $0xA00;
	v9 =	vmov s2;
	v8 =	vsel vm13, v0, v4  }
0x14d: {  	v10 =	vsel vm13, v3, v7;
	[tilespmem:s26+$0xFFFFFF00] =	vst v8  }
0x14e: {  	v8 =	vsel vm13, v1, v5;
	[tilespmem:s26+$0xFFFFFF30] =	vst v10  }
0x14f: {  	[tilespmem:s26+$0xFFFFFF10] =	vst v8;
	v8 =	vsel vm13, v2, v6  }
0x150: {  	[tilespmem:s26+$0xFFFFFF20] =	vst v8  }
0x151: {  	v8 =	vld.idx.msk [tilespmem:v9+s16+$0x0], $0xffff;
	_ =	sdelay $0x2  }
0x152: {  	s30 =	simm.s32 $0x2  }
0x153: {  	s2 =	sand.u32 $0x7E, s30  }
0x154: {  	s2 =	sor.u32 s2, s28;
	vm14 =	veq.s32 v8, $0x0  }
0x155: {  	v9 =	vmov s2;
	v8 =	vsel vm14, v0, v4  }
0x156: {  	v10 =	vsel vm14, v2, v6;
	[tilespmem:s26+$0xFFFFFF80] =	vst v8  }
0x157: {  	v8 =	vsel vm14, v3, v7;
	[tilespmem:s26+$0xFFFFFFA0] =	vst v10  }
0x158: {  	[tilespmem:s26+$0xFFFFFFB0] =	vst v8;
	v8 =	vsel vm14, v1, v5  }
0x159: {  	[tilespmem:s26+$0xFFFFFF90] =	vst v8  }
0x15a: {  	v8 =	vld.idx.msk [tilespmem:v9+s16+$0x0], $0xffff;
	_ =	sdelay $0x2  }
0x15b: {  	s31 =	simm.s32 $0x3  }
0x15c: {  	s2 =	sand.u32 $0x7F, s31  }
0x15d: {  	s2 =	sor.u32 s2, s28;
	vm15 =	veq.s32 v8, $0x0  }
0x15e: {  	v9 =	vmov s2;
	v8 =	vsel vm15, v0, v4  }
0x15f: {  	v10 =	vsel vm15, v3, v7;
	[tilespmem:s26+$0x0] =	vst v8  }
0x160: {  	v8 =	vsel vm15, v2, v6;
	[tilespmem:s26+$0x30] =	vst v10  }
0x161: {  	[tilespmem:s26+$0x20] =	vst v8;
	v8 =	vsel vm15, v1, v5  }
0x162: {  	[tilespmem:s26+$0x10] =	vst v8  }
0x163: {  	s28 =	simm.s32 $0xA00;
	v8 =	vld.idx.msk [tilespmem:v9+s16+$0x0], $0xffff  }
.LBB2_11:
0x164: {  	_ =	sdelay $0x1  }
0x165: {  	s26 =	sadd.s32 $0x200, s26;
	s30 =	smov.u32 s25;
	s25 =	sadd.s32 $0x4, s25  }
0x166: {  	s29 =	sand.u32 $0xFFFFFF80, s25;
	s2 =	sand.u32 $0xFFFFFFFC, s25;
	p0 =	slt.u32 s25, $0xFC  }
0x167: {  	v9 =	vmov s2;
	vm0 =	veq.s32 v8, $0x0  }
0x168: {  	v8 =	vsel vm0, v0, v4;
	v10 =	vsel vm0, v1, v5;
	v11 =	vsel vm0, v2, v6  }
0x169: {  	[tilespmem:s28+$0x80] =	vst v8;
	v8 =	vsel vm0, v3, v7  }
0x16a: {  	[tilespmem:s28+$0xA0] =	vst v11  }
0x16b: {  	[tilespmem:s28+$0xB0] =	vst v8  }
0x16c: {  	[tilespmem:s28+$0x90] =	vst v10;
	s28 =	smov.u32 s26  }
0x16d: {  	v8 =	vld.idx.msk [tilespmem:v9+s16+$0x0], $0xffff;
	_ =	sdelay $0x2  }
0x16e: {  	s2 =	sadd.s32 $0x5, s30  }
0x16f: {  	s2 =	sand.u32 $0x7D, s2  }
0x170: {  	s2 =	sor.u32 s2, s29  }
0x171: {  	vm0 =	veq.s32 v8, $0x0  }
0x172: {  	v10 =	vmov s2;
	v8 =	vsel vm0, v0, v4;
	v9 =	vsel vm0, v3, v7  }
0x173: {  	v11 =	vsel vm0, v2, v6;
	[tilespmem:s26+$0xFFFFFF00] =	vst v8;
	v8 =	vsel vm0, v1, v5  }
0x174: {  	[tilespmem:s26+$0xFFFFFF10] =	vst v8  }
0x175: {  	[tilespmem:s26+$0xFFFFFF30] =	vst v9  }
0x176: {  	[tilespmem:s26+$0xFFFFFF20] =	vst v11  }
0x177: {  	v8 =	vld.idx.msk [tilespmem:v10+s16+$0x0], $0xffff;
	_ =	sdelay $0x3  }
0x178: {  	s2 =	sadd.s32 $0x6, s30  }
0x179: {  	s2 =	sand.u32 $0x7E, s2  }
0x17a: {  	s2 =	sor.u32 s2, s29;
	vm0 =	veq.s32 v8, $0x0  }
0x17b: {  	v10 =	vmov s2;
	v8 =	vsel vm0, v0, v4;
	v9 =	vsel vm0, v1, v5  }
0x17c: {  	[tilespmem:s26+$0xFFFFFF80] =	vst v8;
	v8 =	vsel vm0, v3, v7  }
0x17d: {  	v11 =	vsel vm0, v2, v6;
	[tilespmem:s26+$0xFFFFFFB0] =	vst v8  }
0x17e: {  	[tilespmem:s26+$0xFFFFFFA0] =	vst v11  }
0x17f: {  	[tilespmem:s26+$0xFFFFFF90] =	vst v9  }
0x180: {  	v8 =	vld.idx.msk [tilespmem:v10+s16+$0x0], $0xffff;
	_ =	sdelay $0x3  }
0x181: {  	s2 =	sadd.s32 $0x7, s30  }
0x182: {  	s2 =	sand.u32 $0x7F, s2  }
0x183: {  	s2 =	sor.u32 s2, s29;
	vm0 =	veq.s32 v8, $0x0  }
0x184: {  	v10 =	vmov s2;
	v8 =	vsel vm0, v0, v4;
	v9 =	vsel vm0, v1, v5  }
.Ltmp4:
0x185: {  	v11 =	vsel vm0, v3, v7;
	[tilespmem:s26+$0x0] =	vst v8;
	v8 =	vsel vm0, v2, v6;
	(pc) =	sbr.rel @p0 .LBB2_11-.Ltmp4, $4  }
0x186: {  	[tilespmem:s26+$0x20] =	vst v8  }
0x187: {  	[tilespmem:s26+$0x30] =	vst v11  }
0x188: {  	[tilespmem:s26+$0x10] =	vst v9  }
0x189: {  	v8 =	vld.idx.msk [tilespmem:v10+s16+$0x0], $0xffff  }
0x18a: {  	_ =	sdelay $0x3  }
0x18b: {  	vm0 =	veq.s32 v8, $0x0  }
0x18c: {  	v8 =	vsel vm0, v0, v4  }
0x18d: {  	s25 =	simm.s32 $0x0;
	v9 =	vsel vm0, v2, v6;
	[tilespmem:s28+$0x80] =	vst v8  }
0x18e: {  	s2 =	sshll.u32 s24, $0xE;
	s26 =	sor.u32 $0x100, s25;
	v8 =	vsel vm0, v3, v7;
	[tilespmem:s28+$0xA0] =	vst v9  }
0x18f: {  	s24 =	sadd.s32 s8, s2;
	s30 =	sand.u32 $0xFFFFFFFC, s26;
	v9 =	vsel vm0, v1, v5;
	[tilespmem:s28+$0xB0] =	vst v8  }
0x190: {  	s31 =	sadd.s32 s6, s24;
	[tilespmem:s28+$0x90] =	vst v9;
	v8 =	vmov s30  }
0x191: {  	[hbm4b:s31+s4] =	stream.linear.scatter [tilespmem:s17], [sflag:$0x1], $0x8000, $0x38;
	[tilespmem:$0x10900] =	vst v63  }
0x192: {  	_ =	swait.ge [sflag:s20], $0x8000  }
0x193: {  	[sflag:s20] =	ssyncset.done $0x0  }
0x194: {  	[sflag:s20] =	ssyncadd.s32 $0xFFFF8000  }
0x195: {  	v8 =	vld.idx.msk [tilespmem:v8+s16+$0x0], $0xffff;
	_ =	sdelay $0x3  }
0x196: {  	s29 =	simm.s32 $0x101  }
0x197: {  	s2 =	sand.u32 $0xFFFFFFFD, s29;
	vm13 =	veq.s32 v8, $0x0  }
0x198: {  	s26 =	simm.s32 $0x8A00;
	v9 =	vmov s2;
	v8 =	vsel vm13, v0, v4  }
0x199: {  	v10 =	vsel vm13, v3, v7;
	[tilespmem:s26+$0xFFFFFF00] =	vst v8  }
0x19a: {  	v8 =	vsel vm13, v1, v5;
	[tilespmem:s26+$0xFFFFFF30] =	vst v10  }
0x19b: {  	[tilespmem:s26+$0xFFFFFF10] =	vst v8;
	v8 =	vsel vm13, v2, v6  }
0x19c: {  	[tilespmem:s26+$0xFFFFFF20] =	vst v8  }
0x19d: {  	v8 =	vld.idx.msk [tilespmem:v9+s16+$0x0], $0xffff;
	_ =	sdelay $0x3  }
0x19e: {  	s30 =	simm.s32 $0x102  }
0x19f: {  	s2 =	sand.u32 $0xFFFFFFFE, s30;
	vm14 =	veq.s32 v8, $0x0  }
0x1a0: {  	v9 =	vmov s2;
	v8 =	vsel vm14, v0, v4  }
0x1a1: {  	v10 =	vsel vm14, v1, v5;
	[tilespmem:s26+$0xFFFFFF80] =	vst v8  }
0x1a2: {  	v8 =	vsel vm14, v2, v6;
	[tilespmem:s26+$0xFFFFFF90] =	vst v10  }
0x1a3: {  	[tilespmem:s26+$0xFFFFFFA0] =	vst v8;
	v8 =	vsel vm14, v3, v7  }
0x1a4: {  	[tilespmem:s26+$0xFFFFFFB0] =	vst v8  }
0x1a5: {  	v8 =	vld.idx.msk [tilespmem:v9+s16+$0x0], $0xffff;
	_ =	sdelay $0x4  }
0x1a6: {  	s31 =	simm.s32 $0x103;
	vm15 =	veq.s32 v8, $0x0  }
0x1a7: {  	v9 =	vmov s31;
	v8 =	vsel vm15, v0, v4  }
0x1a8: {  	v10 =	vsel vm15, v2, v6;
	[tilespmem:s26+$0x0] =	vst v8  }
0x1a9: {  	v8 =	vsel vm15, v3, v7;
	[tilespmem:s26+$0x20] =	vst v10  }
0x1aa: {  	[tilespmem:s26+$0x30] =	vst v8;
	v8 =	vsel vm15, v1, v5  }
0x1ab: {  	[tilespmem:s26+$0x10] =	vst v8  }
0x1ac: {  	s28 =	simm.s32 $0x8A00;
	v8 =	vld.idx.msk [tilespmem:v9+s16+$0x0], $0xffff  }
.LBB2_13:
0x1ad: {  	_ = 	snop  }
0x1ae: {  	s26 =	sadd.s32 $0x200, s26;
	s29 =	smov.u32 s25;
	s25 =	sadd.s32 $0x4, s25  }
0x1af: {  	s2 =	sor.u32 $0x100, s25;
	p0 =	slt.u32 s25, $0xFC  }
0x1b0: {  	s2 =	sand.u32 $0xFFFFFFFC, s2  }
0x1b1: {  	v9 =	vmov s2;
	vm0 =	veq.s32 v8, $0x0  }
0x1b2: {  	v8 =	vsel vm0, v0, v4;
	v10 =	vsel vm0, v1, v5;
	v11 =	vsel vm0, v2, v6  }
0x1b3: {  	[tilespmem:s28+$0x80] =	vst v8;
	v8 =	vsel vm0, v3, v7  }
0x1b4: {  	[tilespmem:s28+$0xA0] =	vst v11  }
0x1b5: {  	[tilespmem:s28+$0x90] =	vst v10  }
0x1b6: {  	[tilespmem:s28+$0xB0] =	vst v8;
	s28 =	smov.u32 s26  }
0x1b7: {  	v8 =	vld.idx.msk [tilespmem:v9+s16+$0x0], $0xffff;
	_ =	sdelay $0x3  }
0x1b8: {  	s2 =	sadd.s32 $0x105, s29  }
0x1b9: {  	s2 =	sand.u32 $0xFFFFFFFD, s2  }
0x1ba: {  	vm0 =	veq.s32 v8, $0x0  }
0x1bb: {  	v10 =	vmov s2;
	v8 =	vsel vm0, v0, v4;
	v9 =	vsel vm0, v3, v7  }
0x1bc: {  	v11 =	vsel vm0, v2, v6;
	[tilespmem:s26+$0xFFFFFF00] =	vst v8;
	v8 =	vsel vm0, v1, v5  }
0x1bd: {  	[tilespmem:s26+$0xFFFFFF10] =	vst v8  }
0x1be: {  	[tilespmem:s26+$0xFFFFFF30] =	vst v9  }
0x1bf: {  	[tilespmem:s26+$0xFFFFFF20] =	vst v11  }
0x1c0: {  	v8 =	vld.idx.msk [tilespmem:v10+s16+$0x0], $0xffff;
	_ =	sdelay $0x4  }
0x1c1: {  	s2 =	sadd.s32 $0x106, s29  }
0x1c2: {  	s2 =	sand.u32 $0xFFFFFFFE, s2;
	vm0 =	veq.s32 v8, $0x0  }
0x1c3: {  	v10 =	vmov s2;
	v8 =	vsel vm0, v0, v4;
	v9 =	vsel vm0, v1, v5  }
0x1c4: {  	v11 =	vsel vm0, v3, v7;
	[tilespmem:s26+$0xFFFFFF80] =	vst v8;
	v8 =	vsel vm0, v2, v6  }
0x1c5: {  	[tilespmem:s26+$0xFFFFFFA0] =	vst v8  }
0x1c6: {  	[tilespmem:s26+$0xFFFFFF90] =	vst v9  }
0x1c7: {  	[tilespmem:s26+$0xFFFFFFB0] =	vst v11  }
0x1c8: {  	v8 =	vld.idx.msk [tilespmem:v10+s16+$0x0], $0xffff;
	_ =	sdelay $0x5  }
0x1c9: {  	s2 =	sadd.s32 $0x107, s29;
	vm0 =	veq.s32 v8, $0x0  }
0x1ca: {  	v10 =	vmov s2;
	v8 =	vsel vm0, v0, v4;
	v9 =	vsel vm0, v1, v5  }
.Ltmp5:
0x1cb: {  	[tilespmem:s26+$0x0] =	vst v8;
	v8 =	vsel vm0, v3, v7;
	(pc) =	sbr.rel @p0 .LBB2_13-.Ltmp5, $4  }
0x1cc: {  	v11 =	vsel vm0, v2, v6;
	[tilespmem:s26+$0x30] =	vst v8  }
0x1cd: {  	[tilespmem:s26+$0x20] =	vst v11  }
0x1ce: {  	[tilespmem:s26+$0x10] =	vst v9  }
0x1cf: {  	v8 =	vld.idx.msk [tilespmem:v10+s16+$0x0], $0xffff  }
0x1d0: {  	_ =	sdelay $0x3  }
0x1d1: {  	vm0 =	veq.s32 v8, $0x0  }
0x1d2: {  	v8 =	vsel vm0, v0, v4  }
0x1d3: {  	s25 =	simm.s32 $0x0;
	v9 =	vsel vm0, v2, v6;
	[tilespmem:s28+$0x80] =	vst v8  }
0x1d4: {  	s2 =	sor.u32 $0x200, s25;
	v8 =	vsel vm0, v1, v5;
	[tilespmem:s28+$0xA0] =	vst v9  }
0x1d5: {  	s2 =	sand.u32 $0xFFFFFFFC, s2;
	v9 =	vsel vm0, v3, v7;
	[tilespmem:s28+$0x90] =	vst v8  }
0x1d6: {  	s26 =	sadd.s32 s24, s9;
	[tilespmem:s28+$0xB0] =	vst v9;
	v8 =	vmov s2  }
0x1d7: {  	[hbm4b:s26+s4] =	stream.linear.scatter [tilespmem:s18], [sflag:$0x2], $0x8000, $0x38;
	[tilespmem:$0x10900] =	vst v63  }
0x1d8: {  	_ =	swait.ge [sflag:s19], $0x8000  }
0x1d9: {  	[sflag:s19] =	ssyncset.done $0x0  }
0x1da: {  	[sflag:s19] =	ssyncadd.s32 $0xFFFF8000  }
0x1db: {  	v8 =	vld.idx.msk [tilespmem:v8+s16+$0x0], $0xffff;
	_ =	sdelay $0x3  }
0x1dc: {  	s29 =	simm.s32 $0x201  }
0x1dd: {  	s2 =	sand.u32 $0xFFFFFFFD, s29;
	vm13 =	veq.s32 v8, $0x0  }
0x1de: {  	s26 =	simm.s32 $0xA00;
	v9 =	vmov s2;
	v8 =	vsel vm13, v0, v4  }
0x1df: {  	v10 =	vsel vm13, v3, v7;
	[tilespmem:s26+$0xFFFFFF00] =	vst v8  }
0x1e0: {  	v8 =	vsel vm13, v1, v5;
	[tilespmem:s26+$0xFFFFFF30] =	vst v10  }
0x1e1: {  	[tilespmem:s26+$0xFFFFFF10] =	vst v8;
	v8 =	vsel vm13, v2, v6  }
0x1e2: {  	[tilespmem:s26+$0xFFFFFF20] =	vst v8  }
0x1e3: {  	v8 =	vld.idx.msk [tilespmem:v9+s16+$0x0], $0xffff;
	_ =	sdelay $0x3  }
0x1e4: {  	s30 =	simm.s32 $0x202  }
0x1e5: {  	s2 =	sand.u32 $0xFFFFFFFE, s30;
	vm14 =	veq.s32 v8, $0x0  }
0x1e6: {  	v9 =	vmov s2;
	v8 =	vsel vm14, v0, v4  }
0x1e7: {  	v10 =	vsel vm14, v1, v5;
	[tilespmem:s26+$0xFFFFFF80] =	vst v8  }
0x1e8: {  	v8 =	vsel vm14, v2, v6;
	[tilespmem:s26+$0xFFFFFF90] =	vst v10  }
0x1e9: {  	[tilespmem:s26+$0xFFFFFFA0] =	vst v8;
	v8 =	vsel vm14, v3, v7  }
0x1ea: {  	[tilespmem:s26+$0xFFFFFFB0] =	vst v8  }
0x1eb: {  	v8 =	vld.idx.msk [tilespmem:v9+s16+$0x0], $0xffff;
	_ =	sdelay $0x4  }
0x1ec: {  	s31 =	simm.s32 $0x203;
	vm15 =	veq.s32 v8, $0x0  }
0x1ed: {  	v9 =	vmov s31;
	v8 =	vsel vm15, v0, v4  }
0x1ee: {  	v10 =	vsel vm15, v2, v6;
	[tilespmem:s26+$0x0] =	vst v8  }
0x1ef: {  	v8 =	vsel vm15, v3, v7;
	[tilespmem:s26+$0x20] =	vst v10  }
0x1f0: {  	[tilespmem:s26+$0x30] =	vst v8;
	v8 =	vsel vm15, v1, v5  }
0x1f1: {  	[tilespmem:s26+$0x10] =	vst v8  }
0x1f2: {  	s28 =	simm.s32 $0xA00;
	v8 =	vld.idx.msk [tilespmem:v9+s16+$0x0], $0xffff  }
.LBB2_15:
0x1f3: {  	_ = 	snop  }
0x1f4: {  	s26 =	sadd.s32 $0x200, s26;
	s29 =	smov.u32 s25;
	s25 =	sadd.s32 $0x4, s25  }
0x1f5: {  	s2 =	sor.u32 $0x200, s25;
	p0 =	slt.u32 s25, $0xFC  }
0x1f6: {  	s2 =	sand.u32 $0xFFFFFFFC, s2  }
0x1f7: {  	v9 =	vmov s2;
	vm0 =	veq.s32 v8, $0x0  }
0x1f8: {  	v8 =	vsel vm0, v0, v4;
	v10 =	vsel vm0, v1, v5;
	v11 =	vsel vm0, v2, v6  }
0x1f9: {  	[tilespmem:s28+$0x80] =	vst v8;
	v8 =	vsel vm0, v3, v7  }
0x1fa: {  	[tilespmem:s28+$0xA0] =	vst v11  }
0x1fb: {  	[tilespmem:s28+$0x90] =	vst v10  }
0x1fc: {  	[tilespmem:s28+$0xB0] =	vst v8;
	s28 =	smov.u32 s26  }
0x1fd: {  	v8 =	vld.idx.msk [tilespmem:v9+s16+$0x0], $0xffff;
	_ =	sdelay $0x3  }
0x1fe: {  	s2 =	sadd.s32 $0x205, s29  }
0x1ff: {  	s2 =	sand.u32 $0xFFFFFFFD, s2  }
0x200: {  	vm0 =	veq.s32 v8, $0x0  }
0x201: {  	v10 =	vmov s2;
	v8 =	vsel vm0, v0, v4;
	v9 =	vsel vm0, v3, v7  }
0x202: {  	v11 =	vsel vm0, v2, v6;
	[tilespmem:s26+$0xFFFFFF00] =	vst v8;
	v8 =	vsel vm0, v1, v5  }
0x203: {  	[tilespmem:s26+$0xFFFFFF10] =	vst v8  }
0x204: {  	[tilespmem:s26+$0xFFFFFF30] =	vst v9  }
0x205: {  	[tilespmem:s26+$0xFFFFFF20] =	vst v11  }
0x206: {  	v8 =	vld.idx.msk [tilespmem:v10+s16+$0x0], $0xffff;
	_ =	sdelay $0x4  }
0x207: {  	s2 =	sadd.s32 $0x206, s29  }
0x208: {  	s2 =	sand.u32 $0xFFFFFFFE, s2;
	vm0 =	veq.s32 v8, $0x0  }
0x209: {  	v10 =	vmov s2;
	v8 =	vsel vm0, v0, v4;
	v9 =	vsel vm0, v1, v5  }
0x20a: {  	v11 =	vsel vm0, v3, v7;
	[tilespmem:s26+$0xFFFFFF80] =	vst v8;
	v8 =	vsel vm0, v2, v6  }
0x20b: {  	[tilespmem:s26+$0xFFFFFFA0] =	vst v8  }
0x20c: {  	[tilespmem:s26+$0xFFFFFF90] =	vst v9  }
0x20d: {  	[tilespmem:s26+$0xFFFFFFB0] =	vst v11  }
0x20e: {  	v8 =	vld.idx.msk [tilespmem:v10+s16+$0x0], $0xffff;
	_ =	sdelay $0x5  }
0x20f: {  	s2 =	sadd.s32 $0x207, s29;
	vm0 =	veq.s32 v8, $0x0  }
0x210: {  	v10 =	vmov s2;
	v8 =	vsel vm0, v0, v4;
	v9 =	vsel vm0, v1, v5  }
.Ltmp6:
0x211: {  	[tilespmem:s26+$0x0] =	vst v8;
	v8 =	vsel vm0, v3, v7;
	(pc) =	sbr.rel @p0 .LBB2_15-.Ltmp6, $4  }
0x212: {  	v11 =	vsel vm0, v2, v6;
	[tilespmem:s26+$0x30] =	vst v8  }
0x213: {  	[tilespmem:s26+$0x20] =	vst v11  }
0x214: {  	[tilespmem:s26+$0x10] =	vst v9  }
0x215: {  	v8 =	vld.idx.msk [tilespmem:v10+s16+$0x0], $0xffff  }
0x216: {  	_ =	sdelay $0x3  }
0x217: {  	vm0 =	veq.s32 v8, $0x0  }
0x218: {  	v8 =	vsel vm0, v0, v4  }
0x219: {  	s25 =	simm.s32 $0x0;
	v9 =	vsel vm0, v2, v6;
	[tilespmem:s28+$0x80] =	vst v8  }
0x21a: {  	s2 =	sor.u32 $0x300, s25;
	v8 =	vsel vm0, v1, v5;
	[tilespmem:s28+$0xA0] =	vst v9  }
0x21b: {  	s2 =	sand.u32 $0xFFFFFFFC, s2;
	v9 =	vsel vm0, v3, v7;
	[tilespmem:s28+$0x90] =	vst v8  }
0x21c: {  	s26 =	sadd.s32 s24, s10;
	[tilespmem:s28+$0xB0] =	vst v9;
	v8 =	vmov s2  }
0x21d: {  	[hbm4b:s26+s4] =	stream.linear.scatter [tilespmem:s17], [sflag:$0x1], $0x8000, $0x38;
	[tilespmem:$0x10900] =	vst v63  }
0x21e: {  	_ =	swait.ge [sflag:s20], $0x8000  }
0x21f: {  	[sflag:s20] =	ssyncset.done $0x0  }
0x220: {  	[sflag:s20] =	ssyncadd.s32 $0xFFFF8000  }
0x221: {  	v8 =	vld.idx.msk [tilespmem:v8+s16+$0x0], $0xffff;
	_ =	sdelay $0x3  }
0x222: {  	s29 =	simm.s32 $0x301  }
0x223: {  	s2 =	sand.u32 $0xFFFFFFFD, s29;
	vm13 =	veq.s32 v8, $0x0  }
0x224: {  	s26 =	simm.s32 $0x8A00;
	v9 =	vmov s2;
	v8 =	vsel vm13, v0, v4  }
0x225: {  	v10 =	vsel vm13, v3, v7;
	[tilespmem:s26+$0xFFFFFF00] =	vst v8  }
0x226: {  	v8 =	vsel vm13, v1, v5;
	[tilespmem:s26+$0xFFFFFF30] =	vst v10  }
0x227: {  	[tilespmem:s26+$0xFFFFFF10] =	vst v8;
	v8 =	vsel vm13, v2, v6  }
0x228: {  	[tilespmem:s26+$0xFFFFFF20] =	vst v8  }
0x229: {  	v8 =	vld.idx.msk [tilespmem:v9+s16+$0x0], $0xffff;
	_ =	sdelay $0x3  }
0x22a: {  	s30 =	simm.s32 $0x302  }
0x22b: {  	s2 =	sand.u32 $0xFFFFFFFE, s30;
	vm14 =	veq.s32 v8, $0x0  }
0x22c: {  	v9 =	vmov s2;
	v8 =	vsel vm14, v0, v4  }
0x22d: {  	v10 =	vsel vm14, v1, v5;
	[tilespmem:s26+$0xFFFFFF80] =	vst v8  }
0x22e: {  	v8 =	vsel vm14, v2, v6;
	[tilespmem:s26+$0xFFFFFF90] =	vst v10  }
0x22f: {  	[tilespmem:s26+$0xFFFFFFA0] =	vst v8;
	v8 =	vsel vm14, v3, v7  }
0x230: {  	[tilespmem:s26+$0xFFFFFFB0] =	vst v8  }
0x231: {  	v8 =	vld.idx.msk [tilespmem:v9+s16+$0x0], $0xffff;
	_ =	sdelay $0x4  }
0x232: {  	s31 =	simm.s32 $0x303;
	vm15 =	veq.s32 v8, $0x0  }
0x233: {  	v9 =	vmov s31;
	v8 =	vsel vm15, v0, v4  }
0x234: {  	v10 =	vsel vm15, v2, v6;
	[tilespmem:s26+$0x0] =	vst v8  }
0x235: {  	v8 =	vsel vm15, v3, v7;
	[tilespmem:s26+$0x20] =	vst v10  }
0x236: {  	[tilespmem:s26+$0x30] =	vst v8;
	v8 =	vsel vm15, v1, v5  }
0x237: {  	[tilespmem:s26+$0x10] =	vst v8  }
0x238: {  	s28 =	simm.s32 $0x8A00;
	v8 =	vld.idx.msk [tilespmem:v9+s16+$0x0], $0xffff  }
.LBB2_17:
0x239: {  	_ = 	snop  }
0x23a: {  	s26 =	sadd.s32 $0x200, s26;
	s29 =	smov.u32 s25;
	s25 =	sadd.s32 $0x4, s25  }
0x23b: {  	s2 =	sor.u32 $0x300, s25;
	p0 =	slt.u32 s25, $0xFC  }
0x23c: {  	s2 =	sand.u32 $0xFFFFFFFC, s2  }
0x23d: {  	v9 =	vmov s2;
	vm0 =	veq.s32 v8, $0x0  }
0x23e: {  	v8 =	vsel vm0, v0, v4;
	v10 =	vsel vm0, v1, v5;
	v11 =	vsel vm0, v2, v6  }
0x23f: {  	[tilespmem:s28+$0x80] =	vst v8;
	v8 =	vsel vm0, v3, v7  }
0x240: {  	[tilespmem:s28+$0xA0] =	vst v11  }
0x241: {  	[tilespmem:s28+$0x90] =	vst v10  }
0x242: {  	[tilespmem:s28+$0xB0] =	vst v8;
	s28 =	smov.u32 s26  }
0x243: {  	v8 =	vld.idx.msk [tilespmem:v9+s16+$0x0], $0xffff;
	_ =	sdelay $0x3  }
0x244: {  	s2 =	sadd.s32 $0x305, s29  }
0x245: {  	s2 =	sand.u32 $0xFFFFFFFD, s2  }
0x246: {  	vm0 =	veq.s32 v8, $0x0  }
0x247: {  	v10 =	vmov s2;
	v8 =	vsel vm0, v0, v4;
	v9 =	vsel vm0, v3, v7  }
0x248: {  	v11 =	vsel vm0, v2, v6;
	[tilespmem:s26+$0xFFFFFF00] =	vst v8;
	v8 =	vsel vm0, v1, v5  }
0x249: {  	[tilespmem:s26+$0xFFFFFF10] =	vst v8  }
0x24a: {  	[tilespmem:s26+$0xFFFFFF30] =	vst v9  }
0x24b: {  	[tilespmem:s26+$0xFFFFFF20] =	vst v11  }
0x24c: {  	v8 =	vld.idx.msk [tilespmem:v10+s16+$0x0], $0xffff;
	_ =	sdelay $0x4  }
0x24d: {  	s2 =	sadd.s32 $0x306, s29  }
0x24e: {  	s2 =	sand.u32 $0xFFFFFFFE, s2;
	vm0 =	veq.s32 v8, $0x0  }
0x24f: {  	v10 =	vmov s2;
	v8 =	vsel vm0, v0, v4;
	v9 =	vsel vm0, v1, v5  }
0x250: {  	v11 =	vsel vm0, v3, v7;
	[tilespmem:s26+$0xFFFFFF80] =	vst v8;
	v8 =	vsel vm0, v2, v6  }
0x251: {  	[tilespmem:s26+$0xFFFFFFA0] =	vst v8  }
0x252: {  	[tilespmem:s26+$0xFFFFFF90] =	vst v9  }
0x253: {  	[tilespmem:s26+$0xFFFFFFB0] =	vst v11  }
0x254: {  	v8 =	vld.idx.msk [tilespmem:v10+s16+$0x0], $0xffff;
	_ =	sdelay $0x5  }
0x255: {  	s2 =	sadd.s32 $0x307, s29;
	vm0 =	veq.s32 v8, $0x0  }
0x256: {  	v10 =	vmov s2;
	v8 =	vsel vm0, v0, v4;
	v9 =	vsel vm0, v1, v5  }
.Ltmp7:
0x257: {  	[tilespmem:s26+$0x0] =	vst v8;
	v8 =	vsel vm0, v3, v7;
	(pc) =	sbr.rel @p0 .LBB2_17-.Ltmp7, $4  }
0x258: {  	v11 =	vsel vm0, v2, v6;
	[tilespmem:s26+$0x30] =	vst v8  }
0x259: {  	[tilespmem:s26+$0x20] =	vst v11  }
0x25a: {  	[tilespmem:s26+$0x10] =	vst v9  }
0x25b: {  	v8 =	vld.idx.msk [tilespmem:v10+s16+$0x0], $0xffff  }
0x25c: {  	_ =	sdelay $0x3  }
0x25d: {  	s23 =	sadd.s32 $0x1, s23;
	vm0 =	veq.s32 v8, $0x0  }
0x25e: {  	p0 =	sne.s32 s23, $0x32;
	v8 =	vsel vm0, v0, v4  }
.Ltmp8:
0x25f: {  	v9 =	vsel vm0, v2, v6;
	[tilespmem:s28+$0x80] =	vst v8;
	(pc) =	sbr.rel @p0 .LBB2_2-.Ltmp8, $4  }
0x260: {  	v63 =	vsel vm0, v3, v7;
	[tilespmem:s28+$0xA0] =	vst v9  }
0x261: {  	v8 =	vsel vm0, v1, v5;
	[tilespmem:s28+$0xB0] =	vst v63  }
0x262: {  	s2 =	sadd.s32 s24, s11;
	[tilespmem:s28+$0x90] =	vst v8  }
0x263: {  	[hbm4b:s2+s4] =	stream.linear.scatter [tilespmem:s18], [sflag:$0x2], $0x8000, $0x38;
	[tilespmem:$0x10900] =	vst v63  }
0x264: {  	_ =	swait.ge [sflag:s19], $0x8000  }
0x265: {  	[sflag:s19] =	ssyncset.done $0x0  }
0x266: {  	s22 =	sadd.s32 $0x1, s22;
	[sflag:s19] =	ssyncadd.s32 $0xFFFF8000  }
0x267: {  	p0 =	sne.s32 s22, s12;
	_ =	swait.ge [sflag:s20], $0x8000  }
.Ltmp9:
0x268: {  	[sflag:s20] =	ssyncset.done $0x0;
	(pc) =	sbr.rel @p0 .LBB2_1-.Ltmp9, $4  }
0x269: {  	[sflag:s20] =	ssyncadd.s32 $0xFFFF8000  }
0x26a: {  	_ =	swait.ge [sflag:s15], $0x400  }
0x26b: {  	[sflag:s15] =	ssyncset.done $0x0  }
0x26c: {  	[sflag:s15] =	ssyncadd.s32 $0xFFFFFC00  }
0x26d: {  	_ =	sfence.sel $0x180000  }
0x26e: {  	[bflag:$0x0] =	sbarrier.arrive $0xFFFF  }
0x26f: {  	_ =	strace $0x90000047  }
0x270: {  	[bflag:$0x2] =	sbarrier.arrive $0xFFFF  }
0x271: {  	p0 =	sne.s32 s0, $0x0;
	s0 =	rddreg [dreg:$0x3]  }
0x272: {  	s0 =	sadd.s32 @!p0 $0x100000, s0  }
0x273: {  	[sflag:s0] =	ssyncadd.tile.s32 @!p0 $0x1;
	_ =	shalt  }
.Lfunc_end2:
_tile_overlayer_lowered:
.L_overlay_start_2:
0x274: {  	(tag) =	ssettag $0x2  }
0x275: {  	s0 =	rddreg [dreg:$0x0];
	s2 =	stileid.u32  }
0x276: {  	s1 =	rddreg [dreg:$0x1];
	p0 =	sne.s32 s2, $0x0  }
0x277: {  	s3 =	rddreg [dreg:$0x2];
	[bflag:$0x3] =	sbarrier.arrive $0xFFFF;
	s2 =	simm.s32 @!p0 $0x1C05  }
0x278: {  	[timem:s3], [sflag:s2] =	dma.local @!p0 [hbm:s0], s1  }
0x279: {  	s0 =	simm.s32 @!p0 $0x5  }
0x27a: {  	_ =	swait.ge @!p0 [sflag:s0], s1  }
0x27b: {  	s1 =	ssub.s32 @!p0 $0x0, s1;
	[sflag:s0] =	ssyncset.done @!p0 $0x0  }
0x27c: {  	[sflag:s0] =	ssyncadd.s32 @!p0 s1  }
0x27d: {  	[bflag:$0x3] =	sbarrier.arrive $0xFFFF  }
0x27e: {  	_ =	shalt  }

</sc_bundles>
